<compile_context>
chip_gen: v7x
topology: tpu7x:2x2x1
jax: 0.10.2.dev20260603
libtpu: 0.0.44.dev20260713+nightly
codegen_flags: <defaults>
</compile_context>

<pallas_src>
import functools

import jax
import jax.numpy as jnp
from jax import lax
from jax.experimental import pallas as pl
from jax.experimental.pallas import tpu as pltpu
from jax.experimental.pallas import tpu_sc as plsc

NODE = 128
EDGE = 16
GLB = 32
HID = 64
NN = 10000
NE = 320000
NG = 16

NC = 2
NS = 16
L = 16
NW = NC * NS
EPW = NE // NW
CH = 80
NCHUNK = EPW // CH
ACC_W = 80
NNP = 10240
ZROWS = NNP // NS
ZB = 128

SELU_ALPHA = 1.6732632423543772
SELU_SCALE = 1.0507009873554805

_f32 = jnp.float32


def _selu(v):
    return SELU_SCALE * jnp.where(v > 0, v, SELU_ALPHA * (jnp.exp(v) - 1.0))



def _x1_body(x_ref, w_ref, o_ref):
    o_ref[...] = jnp.dot(x_ref[...], w_ref[...],
                         preferred_element_type=_f32)


def _x1_call(x, w1x):
    blk = 2000
    return pl.pallas_call(
        _x1_body,
        out_shape=jax.ShapeDtypeStruct((NN, HID), _f32),
        grid=(NN // blk,),
        in_specs=[
            pl.BlockSpec((blk, NODE), lambda i: (i, 0)),
            pl.BlockSpec((NODE, HID), lambda i: (0, 0)),
        ],
        out_specs=pl.BlockSpec((blk, HID), lambda i: (i, 0)),
    )(x, w1x)



def _e1_body(eat_ref, w_ref, b_ref, o_ref):
    blk = eat_ref.shape[1]
    acc = lax.dot_general(eat_ref[...], w_ref[...],
                          (((0,), (0,)), ((), ())),
                          preferred_element_type=_f32) + b_ref[...]
    padded = jnp.concatenate([acc, jnp.zeros((blk, HID), _f32)], axis=1)
    o_ref[...] = padded.reshape(blk // 8, 8, 2 * HID)


def _e1_call(eat, w1e, b1):
    blk = 6400
    return pl.pallas_call(
        _e1_body,
        out_shape=jax.ShapeDtypeStruct((NE // 8, 8, 2 * HID), _f32),
        grid=(NE // blk,),
        in_specs=[
            pl.BlockSpec((EDGE, blk), lambda i: (0, i)),
            pl.BlockSpec((EDGE, HID), lambda i: (0, 0)),
            pl.BlockSpec((1, HID), lambda i: (0, 0)),
        ],
        out_specs=pl.BlockSpec((blk // 8, 8, 2 * HID), lambda i: (i, 0, 0)),
    )(eat, w1e, b1)



def _sc_body(x1_hbm, e1_hbm, row_hbm, col_hbm, out0_hbm, out1_hbm,
             rowb, colb, xg0, xg1, ec0, ec1, vb0, vb1, zbuf, acc,
             gs0, gs1, es0, es1, ss0, ss1):
    cid = lax.axis_index("c")
    sid = lax.axis_index("s")
    wid = sid * NC + cid
    cbase = wid * NCHUNK

    zero16 = jnp.zeros((L,), _f32)

    def zb_loop(i, carry):
        for j in range(ACC_W // L):
            zbuf[i, pl.ds(j * L, L)] = zero16
        return carry

    lax.fori_loop(0, ZB, zb_loop, 0)
    for k in range(ZROWS // ZB):
        pltpu.sync_copy(zbuf, acc.at[pl.ds(sid * ZROWS + k * ZB, ZB)])

    cntvec = jnp.where(lax.iota(jnp.int32, L) == 0, _f32(1.0), _f32(0.0))

    def vb_loop(i, carry):
        vb0[i, pl.ds(HID, L)] = cntvec
        vb1[i, pl.ds(HID, L)] = cntvec
        return carry

    lax.fori_loop(0, CH, vb_loop, 0)

    ebase0 = pl.multiple_of(wid * EPW, 16)
    pltpu.sync_copy(row_hbm.at[pl.ds(ebase0, EPW)], rowb)
    pltpu.sync_copy(col_hbm.at[pl.ds(ebase0, EPW)], colb)

    plsc.subcore_barrier()

    def issue(k, xgb, ecb, gsem, esem):
        pltpu.async_copy(x1_hbm.at[rowb.at[pl.ds(pl.multiple_of(k * CH, 16), CH)]], xgb, gsem)
        ebase = pl.multiple_of((cbase + k) * CH * 2 * HID, 1024)
        pltpu.async_copy(e1_hbm.at[pl.ds(ebase, CH * 2 * HID)], ecb, esem)

    def drain(xgb, ecb, gsem, esem):
        pltpu.make_async_copy(x1_hbm.at[rowb.at[pl.ds(0, CH)]], xgb, gsem).wait()
        pltpu.make_async_copy(e1_hbm.at[pl.ds(0, CH * 2 * HID)], ecb, esem).wait()

    def wait_scatter(vbb, ssb):
        pltpu.make_async_copy(vbb, acc.at[colb.at[pl.ds(0, CH)]], ssb).wait()

    def compute(xgb, ecb, vbb):
        @plsc.parallel_loop(0, CH, 1, unroll=4)
        def _(i):
            for j in range(HID // L):
                v = xgb[i, pl.ds(j * L, L)] + ecb[pl.ds(i * 2 * HID + j * L, L)]
                vbb[i, pl.ds(j * L, L)] = _selu(v)

    issue(0, xg0, ec0, gs0, es0)
    issue(1, xg1, ec1, gs1, es1)

    def pair(p, carry):
        k0 = 2 * p

        @pl.when(p > 0)
        def _():
            wait_scatter(vb0, ss0)
        drain(xg0, ec0, gs0, es0)
        compute(xg0, ec0, vb0)
        pltpu.async_copy(vb0, acc.at[colb.at[pl.ds(pl.multiple_of(k0 * CH, 16), CH)]], ss0, add=True)
        issue(k0 + 2, xg0, ec0, gs0, es0)

        @pl.when(p > 0)
        def _():
            wait_scatter(vb1, ss1)
        drain(xg1, ec1, gs1, es1)
        compute(xg1, ec1, vb1)
        pltpu.async_copy(vb1, acc.at[colb.at[pl.ds(pl.multiple_of((k0 + 1) * CH, 16), CH)]], ss1, add=True)

        @pl.when(p < (NCHUNK - 3) // 2)
        def _():
            issue(k0 + 3, xg1, ec1, gs1, es1)
        return carry

    lax.fori_loop(0, (NCHUNK - 1) // 2, pair, 0)

    wait_scatter(vb0, ss0)
    drain(xg0, ec0, gs0, es0)
    compute(xg0, ec0, vb0)
    pltpu.sync_copy(vb0, acc.at[colb.at[pl.ds((NCHUNK - 1) * CH, CH)]], add=True)
    wait_scatter(vb1, ss1)

    plsc.subcore_barrier()

    @pl.when(cid == 0)
    def _():
        pltpu.sync_copy(acc.at[pl.ds(sid * ZROWS, ZROWS)],
                        out0_hbm.at[pl.ds(sid * ZROWS, ZROWS), pl.ds(0, ACC_W)])

    @pl.when(cid == 1)
    def _():
        pltpu.sync_copy(acc.at[pl.ds(sid * ZROWS, ZROWS)],
                        out1_hbm.at[pl.ds(sid * ZROWS, ZROWS), pl.ds(0, ACC_W)])


def _sc_call(x1, e1, row, col):
    mesh = plsc.VectorSubcoreMesh(core_axis_name="c", subcore_axis_name="s",
                                  num_cores=NC, num_subcores=NS)
    f = functools.partial(
        pl.kernel,
        out_type=(jax.ShapeDtypeStruct((NNP, 128), _f32),
                  jax.ShapeDtypeStruct((NNP, 128), _f32)),
        mesh=mesh,
        scratch_types=[
            pltpu.VMEM((EPW,), jnp.int32),
            pltpu.VMEM((EPW,), jnp.int32),
            pltpu.VMEM((CH, HID), _f32),
            pltpu.VMEM((CH, HID), _f32),
            pltpu.VMEM((CH * 2 * HID,), _f32),
            pltpu.VMEM((CH * 2 * HID,), _f32),
            pltpu.VMEM((CH, ACC_W), _f32),
            pltpu.VMEM((CH, ACC_W), _f32),
            pltpu.VMEM((ZB, ACC_W), _f32),
            pltpu.VMEM_SHARED((NNP, ACC_W), _f32),
            pltpu.SemaphoreType.DMA,
            pltpu.SemaphoreType.DMA,
            pltpu.SemaphoreType.DMA,
            pltpu.SemaphoreType.DMA,
            pltpu.SemaphoreType.DMA,
            pltpu.SemaphoreType.DMA,
        ],
        compiler_params=pltpu.CompilerParams(use_tc_tiling_on_sc=False),
    )(_sc_body)
    return f(x1, e1, row, col)



def _node_body(x_ref, p0_ref, p1_ref, bt_ref, u_ref,
               w2_ref, b2_ref, w3_ref, b3_ref, w4_ref, b4_ref, o_ref):
    s = p0_ref[:, 0:HID] + p1_ref[:, 0:HID]
    cnt = p0_ref[:, HID:HID + 1] + p1_ref[:, HID:HID + 1]
    sfull = jnp.dot(s, w2_ref[...], preferred_element_type=_f32) \
        + cnt * b2_ref[...]
    mean = sfull / jnp.maximum(cnt, 1.0)

    bt = bt_ref[0, 0, :]
    blk = bt.shape[0]
    onehot = (bt.reshape(blk, 1)
              == lax.broadcasted_iota(jnp.int32, (blk, NG), 1)).astype(_f32)
    uw = jnp.dot(u_ref[...], w3_ref[NODE + HID:, :],
                 preferred_element_type=_f32)

    h = (jnp.dot(x_ref[...], w3_ref[0:NODE, :],
                 preferred_element_type=_f32)
         + jnp.dot(mean, w3_ref[NODE:NODE + HID, :],
                   preferred_element_type=_f32)
         + jnp.dot(onehot, uw, preferred_element_type=_f32)
         + b3_ref[...])
    h = _selu(h)
    o_ref[...] = jnp.dot(h, w4_ref[...],
                         preferred_element_type=_f32) + b4_ref[...]


def _node_call(x, p0, p1, batch3, u, w2, b2, w3, b3, w4, b4):
    blk = 2000
    nb = NN // blk
    in2 = NODE + HID + GLB
    return pl.pallas_call(
        _node_body,
        out_shape=jax.ShapeDtypeStruct((NN, NODE), _f32),
        grid=(nb,),
        in_specs=[
            pl.BlockSpec((blk, NODE), lambda i: (i, 0)),
            pl.BlockSpec((blk, 128), lambda i: (i, 0)),
            pl.BlockSpec((blk, 128), lambda i: (i, 0)),
            pl.BlockSpec((1, 1, blk), lambda i: (i, 0, 0)),
            pl.BlockSpec((NG, GLB), lambda i: (0, 0)),
            pl.BlockSpec((HID, HID), lambda i: (0, 0)),
            pl.BlockSpec((1, HID), lambda i: (0, 0)),
            pl.BlockSpec((in2, HID), lambda i: (0, 0)),
            pl.BlockSpec((1, HID), lambda i: (0, 0)),
            pl.BlockSpec((HID, NODE), lambda i: (0, 0)),
            pl.BlockSpec((1, NODE), lambda i: (0, 0)),
        ],
        out_specs=pl.BlockSpec((blk, NODE), lambda i: (i, 0)),
    )(x, p0, p1, batch3, u, w2, b2, w3, b3, w4, b4)



def kernel(x, edge_index, edge_attr, u, batch, W1, b1, W2, b2, W3, b3, W4, b4):
    row = edge_index[0].astype(jnp.int32)
    col = edge_index[1].astype(jnp.int32)

    x1 = _x1_call(x, W1[:NODE])
    e1 = _e1_call(edge_attr.T, W1[NODE:], b1.reshape(1, HID))
    p0, p1 = _sc_call(x1, e1.reshape(NE * 2 * HID), row, col)

    batch3 = batch.astype(jnp.int32).reshape(NN // 2000, 1, 2000)
    return _node_call(x, p0, p1, batch3, u,
                      W2, b2.reshape(1, HID), W3, b3.reshape(1, HID),
                      W4, b4.reshape(1, NODE))

# --- scband reference (transcript-rebuilt; emitter-appended) ---
"""Pipeline reference for scband-node-model-19404662243986 (READ-ONLY COPY).

The authoritative reference and input builder live on the scoring server;
editing this copy changes nothing except your own understanding.
"""

import jax, jax.numpy as jnp
import numpy as np

NODE_SIZE = 128
EDGE_SIZE = 16
GLOBAL_SIZE = 32
HIDDEN = 64
N_NODES = 10000
N_EDGES = 320000
N_GRAPHS = 16


def setup_inputs(seed: int = 0) -> dict:
    key = jax.random.key(seed)
    ks = jax.random.split(key, 16)
    x = jax.random.normal(ks[0], (N_NODES, NODE_SIZE), dtype=jnp.float32)
    edge_index = jax.random.randint(ks[1], (2, N_EDGES), 0, N_NODES, dtype=jnp.int64)
    edge_attr = jax.random.normal(ks[2], (N_EDGES, EDGE_SIZE), dtype=jnp.float32)
    u = jax.random.normal(ks[3], (N_GRAPHS, GLOBAL_SIZE), dtype=jnp.float32)
    batch = jnp.sort(jax.random.randint(ks[4], (N_NODES,), 0, N_GRAPHS, dtype=jnp.int64))
    in1 = NODE_SIZE + EDGE_SIZE
    in2 = NODE_SIZE + HIDDEN + GLOBAL_SIZE
    W1 = jax.random.normal(ks[5], (in1, HIDDEN), dtype=jnp.float32) / np.sqrt(in1)
    b1 = jnp.zeros((HIDDEN,), dtype=jnp.float32)
    W2 = jax.random.normal(ks[6], (HIDDEN, HIDDEN), dtype=jnp.float32) / np.sqrt(HIDDEN)
    b2 = jnp.zeros((HIDDEN,), dtype=jnp.float32)
    W3 = jax.random.normal(ks[7], (in2, HIDDEN), dtype=jnp.float32) / np.sqrt(in2)
    b3 = jnp.zeros((HIDDEN,), dtype=jnp.float32)
    W4 = jax.random.normal(ks[8], (HIDDEN, NODE_SIZE), dtype=jnp.float32) / np.sqrt(HIDDEN)
    b4 = jnp.zeros((NODE_SIZE,), dtype=jnp.float32)
    return {"x": x, "edge_index": edge_index, "edge_attr": edge_attr, "u": u, "batch": batch,
            "W1": W1, "b1": b1, "W2": W2, "b2": b2, "W3": W3, "b3": b3, "W4": W4, "b4": b4}


def reference(x, edge_index, edge_attr, u, batch, W1, b1, W2, b2, W3, b3, W4, b4):
    row = edge_index[0]
    col = edge_index[1]
    out = jnp.concatenate([x[row], edge_attr], axis=1)
    out = jax.nn.selu(out @ W1 + b1) @ W2 + b2
    n = x.shape[0]
    s = jax.ops.segment_sum(out, col, num_segments=n)
    cnt = jax.ops.segment_sum(jnp.ones((col.shape[0],), dtype=x.dtype), col, num_segments=n)
    mean = s / jnp.maximum(cnt, 1.0)[:, None]
    out2 = jnp.concatenate([x, mean, u[batch]], axis=1)
    return jax.nn.selu(out2 @ W3 + b3) @ W4 + b4

if __name__ == "__main__":
    import jax
    _d = setup_inputs()
    print(jax.jit(kernel)(*tuple(_d.values())))

</pallas_src>

<mosaic_0001>
#map = affine_map<(d0, d1) -> (0, 0)>
#map1 = affine_map<(d0, d1) -> (0)>
module attributes {stable_mosaic.version = 14 : i64} {
  func.func @_sc_body(%arg0: i32, %arg1: i32, %arg2: memref<10000x64xf32, #tpu.memory_space<hbm>>, %arg3: memref<40960000xf32, #tpu.memory_space<hbm>>, %arg4: memref<320000xi32, #tpu.memory_space<hbm>>, %arg5: memref<320000xi32, #tpu.memory_space<hbm>>, %arg6: memref<10240x128xf32, #tpu.memory_space<hbm>>, %arg7: memref<10240x128xf32, #tpu.memory_space<hbm>>, %arg8: memref<10000xi32, #tpu.memory_space<vmem>>, %arg9: memref<10000xi32, #tpu.memory_space<vmem>>, %arg10: memref<80x64xf32, #tpu.memory_space<vmem>>, %arg11: memref<80x64xf32, #tpu.memory_space<vmem>>, %arg12: memref<10240xf32, #tpu.memory_space<vmem>>, %arg13: memref<10240xf32, #tpu.memory_space<vmem>>, %arg14: memref<80x80xf32, #tpu.memory_space<vmem>>, %arg15: memref<80x80xf32, #tpu.memory_space<vmem>>, %arg16: memref<128x80xf32, #tpu.memory_space<vmem>>, %arg17: memref<10240x80xf32, #tpu.memory_space<vmem_shared>>, %arg18: memref<!tpu.dma_semaphore, #tpu.memory_space<semaphore_mem>>, %arg19: memref<!tpu.dma_semaphore, #tpu.memory_space<semaphore_mem>>, %arg20: memref<!tpu.dma_semaphore, #tpu.memory_space<semaphore_mem>>, %arg21: memref<!tpu.dma_semaphore, #tpu.memory_space<semaphore_mem>>, %arg22: memref<!tpu.dma_semaphore, #tpu.memory_space<semaphore_mem>>, %arg23: memref<!tpu.dma_semaphore, #tpu.memory_space<semaphore_mem>>) attributes {dimension_semantics = [#tpu.dimension_semantics<core_parallel>, #tpu.dimension_semantics<subcore_parallel>], iteration_bounds = array<i64: 2, 16>, scalar_prefetch = 0 : i64, scratch_operands = 16 : i64, tpu.core_type = #tpu.core_type<sc_vector_subcore>, window_params = [{transform_indices = #map}, {transform_indices = #map1}, {transform_indices = #map1}, {transform_indices = #map1}, {transform_indices = #map}, {transform_indices = #map}]} {
    %mul3A = arith.constant 2 : i32
    %mul3A_0 = arith.muli %arg1, %mul3A : i32
    %add3A = arith.addi %mul3A_0, %arg0 : i32
    %mul3A_1 = arith.constant 125 : i32
    %mul3A_2 = arith.muli %add3A, %mul3A_1 : i32
    %broadcast_in_dim3A = arith.constant 0.000000e+00 : f32
    %broadcast_in_dim3A_3 = vector.broadcast %broadcast_in_dim3A : f32 to vector<16xf32>
    %scan3A = arith.constant 0 : i32
    %scan3A_4 = arith.constant 0 : i32
    %scan3A_5 = arith.constant 128 : i32
    %scan3A_6 = arith.addi %scan3A_4, %scan3A_5 : i32
    %scan3A_7 = arith.constant 1 : i32
    scf.for %scan3A_110 = %scan3A_4 to %scan3A_6 step %scan3A_7  : i32 {
      %swap3A = arith.index_cast %scan3A_110 : i32 to index
      %swap3A_111 = arith.constant 0 : index
      %swap3A_112 = tpu.vector_load %arg16[%swap3A, %swap3A_111] {strides = array<i32>} : memref<128x80xf32, #tpu.memory_space<vmem>>, vector<1x16xf32>,
      %swap3A_113 = vector.shape_cast %swap3A_112 : vector<1x16xf32> to vector<16xf32>
      %swap3A_114 = vector.shape_cast %broadcast_in_dim3A_3 : vector<16xf32> to vector<1x16xf32>
      tpu.vector_store %arg16[%swap3A, %swap3A_111], %swap3A_114 {strides = array<i32>} : memref<128x80xf32, #tpu.memory_space<vmem>>, vector<1x16xf32>,
      %swap3A_115 = arith.index_cast %scan3A_110 : i32 to index
      %swap3A_116 = arith.constant 16 : index
      %swap3A_117 = tpu.vector_load %arg16[%swap3A_115, %swap3A_116] {strides = array<i32>} : memref<128x80xf32, #tpu.memory_space<vmem>>, vector<1x16xf32>,
      %swap3A_118 = vector.shape_cast %swap3A_117 : vector<1x16xf32> to vector<16xf32>
      %swap3A_119 = vector.shape_cast %broadcast_in_dim3A_3 : vector<16xf32> to vector<1x16xf32>
      tpu.vector_store %arg16[%swap3A_115, %swap3A_116], %swap3A_119 {strides = array<i32>} : memref<128x80xf32, #tpu.memory_space<vmem>>, vector<1x16xf32>,
      %swap3A_120 = arith.index_cast %scan3A_110 : i32 to index
      %swap3A_121 = arith.constant 32 : index
      %swap3A_122 = tpu.vector_load %arg16[%swap3A_120, %swap3A_121] {strides = array<i32>} : memref<128x80xf32, #tpu.memory_space<vmem>>, vector<1x16xf32>,
      %swap3A_123 = vector.shape_cast %swap3A_122 : vector<1x16xf32> to vector<16xf32>
      %swap3A_124 = vector.shape_cast %broadcast_in_dim3A_3 : vector<16xf32> to vector<1x16xf32>
      tpu.vector_store %arg16[%swap3A_120, %swap3A_121], %swap3A_124 {strides = array<i32>} : memref<128x80xf32, #tpu.memory_space<vmem>>, vector<1x16xf32>,
      %swap3A_125 = arith.index_cast %scan3A_110 : i32 to index
      %swap3A_126 = arith.constant 48 : index
      %swap3A_127 = tpu.vector_load %arg16[%swap3A_125, %swap3A_126] {strides = array<i32>} : memref<128x80xf32, #tpu.memory_space<vmem>>, vector<1x16xf32>,
      %swap3A_128 = vector.shape_cast %swap3A_127 : vector<1x16xf32> to vector<16xf32>
      %swap3A_129 = vector.shape_cast %broadcast_in_dim3A_3 : vector<16xf32> to vector<1x16xf32>
      tpu.vector_store %arg16[%swap3A_125, %swap3A_126], %swap3A_129 {strides = array<i32>} : memref<128x80xf32, #tpu.memory_space<vmem>>, vector<1x16xf32>,
      %swap3A_130 = arith.index_cast %scan3A_110 : i32 to index
      %swap3A_131 = arith.constant 64 : index
      %swap3A_132 = tpu.vector_load %arg16[%swap3A_130, %swap3A_131] {strides = array<i32>} : memref<128x80xf32, #tpu.memory_space<vmem>>, vector<1x16xf32>,
      %swap3A_133 = vector.shape_cast %swap3A_132 : vector<1x16xf32> to vector<16xf32>
      %swap3A_134 = vector.shape_cast %broadcast_in_dim3A_3 : vector<16xf32> to vector<1x16xf32>
      tpu.vector_store %arg16[%swap3A_130, %swap3A_131], %swap3A_134 {strides = array<i32>} : memref<128x80xf32, #tpu.memory_space<vmem>>, vector<1x16xf32>,
    }
    %scan3A_8 = arith.constant 128 : i32
    %mul3A_9 = arith.constant 640 : i32
    %mul3A_10 = arith.muli %arg1, %mul3A_9 : i32
    %add3A_11 = arith.constant 0 : i32
    %add3A_12 = arith.addi %mul3A_10, %add3A_11 : i32
    "tpu.region"() ({
      %run_scoped3A = tpu.sem_alloc : memref<!tpu.dma_semaphore, #tpu.memory_space<semaphore_mem>>
      %dma_start3A_110 = arith.constant 0 : i32
      %dma_start3A_111 = tpu.memref_slice %arg17[%add3A_12, %dma_start3A_110] : memref<10240x80xf32, #tpu.memory_space<vmem_shared>> -> memref<128x80xf32, #tpu.memory_space<vmem_shared>>
      %dma_start3A_112 = arith.constant 0 : i32
      %dma_start3A_113 = tpu.memref_slice %arg17[%add3A_12, %dma_start3A_112] : memref<10240x80xf32, #tpu.memory_space<vmem_shared>> -> memref<128x80xf32, #tpu.memory_space<vmem_shared>>
      tpu.enqueue_dma source(%arg16 : memref<128x80xf32, #tpu.memory_space<vmem>>) target(%dma_start3A_113 : memref<128x80xf32, #tpu.memory_space<vmem_shared>>) target_semaphore(%run_scoped3A : memref<!tpu.dma_semaphore, #tpu.memory_space<semaphore_mem>>)
      %dma_wait3A_114 = arith.constant 0 : i32
      %dma_wait3A_115 = tpu.memref_slice %arg17[%add3A_12, %dma_wait3A_114] : memref<10240x80xf32, #tpu.memory_space<vmem_shared>> -> memref<128x80xf32, #tpu.memory_space<vmem_shared>>
      %dma_wait3A_116 = arith.constant 0 : i32
      %dma_wait3A_117 = tpu.memref_slice %arg17[%add3A_12, %dma_wait3A_116] : memref<10240x80xf32, #tpu.memory_space<vmem_shared>> -> memref<128x80xf32, #tpu.memory_space<vmem_shared>>
      tpu.wait_dma2 semaphore(%run_scoped3A : memref<!tpu.dma_semaphore, #tpu.memory_space<semaphore_mem>>) src(%arg16 : memref<128x80xf32, #tpu.memory_space<vmem>>) dst(%dma_wait3A_117 : memref<128x80xf32, #tpu.memory_space<vmem_shared>>)
      tpu.yield
    }) : () -> ()
    %mul3A_13 = arith.constant 640 : i32
    %mul3A_14 = arith.muli %arg1, %mul3A_13 : i32
    %add3A_15 = arith.constant 128 : i32
    %add3A_16 = arith.addi %mul3A_14, %add3A_15 : i32
    "tpu.region"() ({
      %run_scoped3A = tpu.sem_alloc : memref<!tpu.dma_semaphore, #tpu.memory_space<semaphore_mem>>
      %dma_start3A_110 = arith.constant 0 : i32
      %dma_start3A_111 = tpu.memref_slice %arg17[%add3A_16, %dma_start3A_110] : memref<10240x80xf32, #tpu.memory_space<vmem_shared>> -> memref<128x80xf32, #tpu.memory_space<vmem_shared>>
      %dma_start3A_112 = arith.constant 0 : i32
      %dma_start3A_113 = tpu.memref_slice %arg17[%add3A_16, %dma_start3A_112] : memref<10240x80xf32, #tpu.memory_space<vmem_shared>> -> memref<128x80xf32, #tpu.memory_space<vmem_shared>>
      tpu.enqueue_dma source(%arg16 : memref<128x80xf32, #tpu.memory_space<vmem>>) target(%dma_start3A_113 : memref<128x80xf32, #tpu.memory_space<vmem_shared>>) target_semaphore(%run_scoped3A : memref<!tpu.dma_semaphore, #tpu.memory_space<semaphore_mem>>)
      %dma_wait3A_114 = arith.constant 0 : i32
      %dma_wait3A_115 = tpu.memref_slice %arg17[%add3A_16, %dma_wait3A_114] : memref<10240x80xf32, #tpu.memory_space<vmem_shared>> -> memref<128x80xf32, #tpu.memory_space<vmem_shared>>
      %dma_wait3A_116 = arith.constant 0 : i32
      %dma_wait3A_117 = tpu.memref_slice %arg17[%add3A_16, %dma_wait3A_116] : memref<10240x80xf32, #tpu.memory_space<vmem_shared>> -> memref<128x80xf32, #tpu.memory_space<vmem_shared>>
      tpu.wait_dma2 semaphore(%run_scoped3A : memref<!tpu.dma_semaphore, #tpu.memory_space<semaphore_mem>>) src(%arg16 : memref<128x80xf32, #tpu.memory_space<vmem>>) dst(%dma_wait3A_117 : memref<128x80xf32, #tpu.memory_space<vmem_shared>>)
      tpu.yield
    }) : () -> ()
    %mul3A_17 = arith.constant 640 : i32
    %mul3A_18 = arith.muli %arg1, %mul3A_17 : i32
    %add3A_19 = arith.constant 256 : i32
    %add3A_20 = arith.addi %mul3A_18, %add3A_19 : i32
    "tpu.region"() ({
      %run_scoped3A = tpu.sem_alloc : memref<!tpu.dma_semaphore, #tpu.memory_space<semaphore_mem>>
      %dma_start3A_110 = arith.constant 0 : i32
      %dma_start3A_111 = tpu.memref_slice %arg17[%add3A_20, %dma_start3A_110] : memref<10240x80xf32, #tpu.memory_space<vmem_shared>> -> memref<128x80xf32, #tpu.memory_space<vmem_shared>>
      %dma_start3A_112 = arith.constant 0 : i32
      %dma_start3A_113 = tpu.memref_slice %arg17[%add3A_20, %dma_start3A_112] : memref<10240x80xf32, #tpu.memory_space<vmem_shared>> -> memref<128x80xf32, #tpu.memory_space<vmem_shared>>
      tpu.enqueue_dma source(%arg16 : memref<128x80xf32, #tpu.memory_space<vmem>>) target(%dma_start3A_113 : memref<128x80xf32, #tpu.memory_space<vmem_shared>>) target_semaphore(%run_scoped3A : memref<!tpu.dma_semaphore, #tpu.memory_space<semaphore_mem>>)
      %dma_wait3A_114 = arith.constant 0 : i32
      %dma_wait3A_115 = tpu.memref_slice %arg17[%add3A_20, %dma_wait3A_114] : memref<10240x80xf32, #tpu.memory_space<vmem_shared>> -> memref<128x80xf32, #tpu.memory_space<vmem_shared>>
      %dma_wait3A_116 = arith.constant 0 : i32
      %dma_wait3A_117 = tpu.memref_slice %arg17[%add3A_20, %dma_wait3A_116] : memref<10240x80xf32, #tpu.memory_space<vmem_shared>> -> memref<128x80xf32, #tpu.memory_space<vmem_shared>>
      tpu.wait_dma2 semaphore(%run_scoped3A : memref<!tpu.dma_semaphore, #tpu.memory_space<semaphore_mem>>) src(%arg16 : memref<128x80xf32, #tpu.memory_space<vmem>>) dst(%dma_wait3A_117 : memref<128x80xf32, #tpu.memory_space<vmem_shared>>)
      tpu.yield
    }) : () -> ()
    %mul3A_21 = arith.constant 640 : i32
    %mul3A_22 = arith.muli %arg1, %mul3A_21 : i32
    %add3A_23 = arith.constant 384 : i32
    %add3A_24 = arith.addi %mul3A_22, %add3A_23 : i32
    "tpu.region"() ({
      %run_scoped3A = tpu.sem_alloc : memref<!tpu.dma_semaphore, #tpu.memory_space<semaphore_mem>>
      %dma_start3A_110 = arith.constant 0 : i32
      %dma_start3A_111 = tpu.memref_slice %arg17[%add3A_24, %dma_start3A_110] : memref<10240x80xf32, #tpu.memory_space<vmem_shared>> -> memref<128x80xf32, #tpu.memory_space<vmem_shared>>
      %dma_start3A_112 = arith.constant 0 : i32
      %dma_start3A_113 = tpu.memref_slice %arg17[%add3A_24, %dma_start3A_112] : memref<10240x80xf32, #tpu.memory_space<vmem_shared>> -> memref<128x80xf32, #tpu.memory_space<vmem_shared>>
      tpu.enqueue_dma source(%arg16 : memref<128x80xf32, #tpu.memory_space<vmem>>) target(%dma_start3A_113 : memref<128x80xf32, #tpu.memory_space<vmem_shared>>) target_semaphore(%run_scoped3A : memref<!tpu.dma_semaphore, #tpu.memory_space<semaphore_mem>>)
      %dma_wait3A_114 = arith.constant 0 : i32
      %dma_wait3A_115 = tpu.memref_slice %arg17[%add3A_24, %dma_wait3A_114] : memref<10240x80xf32, #tpu.memory_space<vmem_shared>> -> memref<128x80xf32, #tpu.memory_space<vmem_shared>>
      %dma_wait3A_116 = arith.constant 0 : i32
      %dma_wait3A_117 = tpu.memref_slice %arg17[%add3A_24, %dma_wait3A_116] : memref<10240x80xf32, #tpu.memory_space<vmem_shared>> -> memref<128x80xf32, #tpu.memory_space<vmem_shared>>
      tpu.wait_dma2 semaphore(%run_scoped3A : memref<!tpu.dma_semaphore, #tpu.memory_space<semaphore_mem>>) src(%arg16 : memref<128x80xf32, #tpu.memory_space<vmem>>) dst(%dma_wait3A_117 : memref<128x80xf32, #tpu.memory_space<vmem_shared>>)
      tpu.yield
    }) : () -> ()
    %mul3A_25 = arith.constant 640 : i32
    %mul3A_26 = arith.muli %arg1, %mul3A_25 : i32
    %add3A_27 = arith.constant 512 : i32
    %add3A_28 = arith.addi %mul3A_26, %add3A_27 : i32
    "tpu.region"() ({
      %run_scoped3A = tpu.sem_alloc : memref<!tpu.dma_semaphore, #tpu.memory_space<semaphore_mem>>
      %dma_start3A_110 = arith.constant 0 : i32
      %dma_start3A_111 = tpu.memref_slice %arg17[%add3A_28, %dma_start3A_110] : memref<10240x80xf32, #tpu.memory_space<vmem_shared>> -> memref<128x80xf32, #tpu.memory_space<vmem_shared>>
      %dma_start3A_112 = arith.constant 0 : i32
      %dma_start3A_113 = tpu.memref_slice %arg17[%add3A_28, %dma_start3A_112] : memref<10240x80xf32, #tpu.memory_space<vmem_shared>> -> memref<128x80xf32, #tpu.memory_space<vmem_shared>>
      tpu.enqueue_dma source(%arg16 : memref<128x80xf32, #tpu.memory_space<vmem>>) target(%dma_start3A_113 : memref<128x80xf32, #tpu.memory_space<vmem_shared>>) target_semaphore(%run_scoped3A : memref<!tpu.dma_semaphore, #tpu.memory_space<semaphore_mem>>)
      %dma_wait3A_114 = arith.constant 0 : i32
      %dma_wait3A_115 = tpu.memref_slice %arg17[%add3A_28, %dma_wait3A_114] : memref<10240x80xf32, #tpu.memory_space<vmem_shared>> -> memref<128x80xf32, #tpu.memory_space<vmem_shared>>
      %dma_wait3A_116 = arith.constant 0 : i32
      %dma_wait3A_117 = tpu.memref_slice %arg17[%add3A_28, %dma_wait3A_116] : memref<10240x80xf32, #tpu.memory_space<vmem_shared>> -> memref<128x80xf32, #tpu.memory_space<vmem_shared>>
      tpu.wait_dma2 semaphore(%run_scoped3A : memref<!tpu.dma_semaphore, #tpu.memory_space<semaphore_mem>>) src(%arg16 : memref<128x80xf32, #tpu.memory_space<vmem>>) dst(%dma_wait3A_117 : memref<128x80xf32, #tpu.memory_space<vmem_shared>>)
      tpu.yield
    }) : () -> ()
    %iota3A = tpu.iota {dimensions = array<i32: 0>} : vector<16xi32>
    %eq3A = arith.constant 0 : i32
    %eq3A_29 = vector.broadcast %eq3A : i32 to vector<16xi32>
    %eq3A_30 = arith.cmpi eq, %iota3A, %eq3A_29 : vector<16xi32>
    %jit3A = arith.constant 1.000000e+00 : f32
    %jit3A_31 = arith.constant 0.000000e+00 : f32
    %broadcast_in_dim3A_32 = vector.broadcast %jit3A : f32 to vector<16xf32>
    %broadcast_in_dim3A_33 = vector.broadcast %jit3A_31 : f32 to vector<16xf32>
    %select_n3A = arith.select %eq3A_30, %broadcast_in_dim3A_32, %broadcast_in_dim3A_33 : vector<16xi1>, vector<16xf32>
    %scan3A_34 = arith.constant 0 : i32
    %scan3A_35 = arith.constant 0 : i32
    %scan3A_36 = arith.constant 80 : i32
    %scan3A_37 = arith.addi %scan3A_35, %scan3A_36 : i32
    %scan3A_38 = arith.constant 1 : i32
    scf.for %scan3A_110 = %scan3A_35 to %scan3A_37 step %scan3A_38  : i32 {
      %swap3A = arith.index_cast %scan3A_110 : i32 to index
      %swap3A_111 = arith.constant 64 : index
      %swap3A_112 = tpu.vector_load %arg14[%swap3A, %swap3A_111] {strides = array<i32>} : memref<80x80xf32, #tpu.memory_space<vmem>>, vector<1x16xf32>,
      %swap3A_113 = vector.shape_cast %swap3A_112 : vector<1x16xf32> to vector<16xf32>
      %swap3A_114 = vector.shape_cast %select_n3A : vector<16xf32> to vector<1x16xf32>
      tpu.vector_store %arg14[%swap3A, %swap3A_111], %swap3A_114 {strides = array<i32>} : memref<80x80xf32, #tpu.memory_space<vmem>>, vector<1x16xf32>,
      %swap3A_115 = arith.index_cast %scan3A_110 : i32 to index
      %swap3A_116 = arith.constant 64 : index
      %swap3A_117 = tpu.vector_load %arg15[%swap3A_115, %swap3A_116] {strides = array<i32>} : memref<80x80xf32, #tpu.memory_space<vmem>>, vector<1x16xf32>,
      %swap3A_118 = vector.shape_cast %swap3A_117 : vector<1x16xf32> to vector<16xf32>
      %swap3A_119 = vector.shape_cast %select_n3A : vector<16xf32> to vector<1x16xf32>
      tpu.vector_store %arg15[%swap3A_115, %swap3A_116], %swap3A_119 {strides = array<i32>} : memref<80x80xf32, #tpu.memory_space<vmem>>, vector<1x16xf32>,
    }
    %scan3A_39 = arith.constant 80 : i32
    %mul3A_40 = arith.constant 10000 : i32
    %mul3A_41 = arith.muli %add3A, %mul3A_40 : i32
    %multiple_of3A = tpu.assume_multiple %mul3A_41, 16 : i32
    "tpu.region"() ({
      %run_scoped3A = tpu.sem_alloc : memref<!tpu.dma_semaphore, #tpu.memory_space<semaphore_mem>>
      %dma_start3A_110 = tpu.memref_slice %arg4[%multiple_of3A] : memref<320000xi32, #tpu.memory_space<hbm>> -> memref<10000xi32, #tpu.memory_space<hbm>>
      %dma_start3A_111 = tpu.memref_slice %arg4[%multiple_of3A] : memref<320000xi32, #tpu.memory_space<hbm>> -> memref<10000xi32, #tpu.memory_space<hbm>>
      tpu.enqueue_dma source(%dma_start3A_111 : memref<10000xi32, #tpu.memory_space<hbm>>) target(%arg8 : memref<10000xi32, #tpu.memory_space<vmem>>) target_semaphore(%run_scoped3A : memref<!tpu.dma_semaphore, #tpu.memory_space<semaphore_mem>>)
      %dma_wait3A_112 = tpu.memref_slice %arg4[%multiple_of3A] : memref<320000xi32, #tpu.memory_space<hbm>> -> memref<10000xi32, #tpu.memory_space<hbm>>
      %dma_wait3A_113 = tpu.memref_slice %arg4[%multiple_of3A] : memref<320000xi32, #tpu.memory_space<hbm>> -> memref<10000xi32, #tpu.memory_space<hbm>>
      tpu.wait_dma2 semaphore(%run_scoped3A : memref<!tpu.dma_semaphore, #tpu.memory_space<semaphore_mem>>) src(%dma_wait3A_113 : memref<10000xi32, #tpu.memory_space<hbm>>) dst(%arg8 : memref<10000xi32, #tpu.memory_space<vmem>>)
      tpu.yield
    }) : () -> ()
    "tpu.region"() ({
      %run_scoped3A = tpu.sem_alloc : memref<!tpu.dma_semaphore, #tpu.memory_space<semaphore_mem>>
      %dma_start3A_110 = tpu.memref_slice %arg5[%multiple_of3A] : memref<320000xi32, #tpu.memory_space<hbm>> -> memref<10000xi32, #tpu.memory_space<hbm>>
      %dma_start3A_111 = tpu.memref_slice %arg5[%multiple_of3A] : memref<320000xi32, #tpu.memory_space<hbm>> -> memref<10000xi32, #tpu.memory_space<hbm>>
      tpu.enqueue_dma source(%dma_start3A_111 : memref<10000xi32, #tpu.memory_space<hbm>>) target(%arg9 : memref<10000xi32, #tpu.memory_space<vmem>>) target_semaphore(%run_scoped3A : memref<!tpu.dma_semaphore, #tpu.memory_space<semaphore_mem>>)
      %dma_wait3A_112 = tpu.memref_slice %arg5[%multiple_of3A] : memref<320000xi32, #tpu.memory_space<hbm>> -> memref<10000xi32, #tpu.memory_space<hbm>>
      %dma_wait3A_113 = tpu.memref_slice %arg5[%multiple_of3A] : memref<320000xi32, #tpu.memory_space<hbm>> -> memref<10000xi32, #tpu.memory_space<hbm>>
      tpu.wait_dma2 semaphore(%run_scoped3A : memref<!tpu.dma_semaphore, #tpu.memory_space<semaphore_mem>>) src(%dma_wait3A_113 : memref<10000xi32, #tpu.memory_space<hbm>>) dst(%arg9 : memref<10000xi32, #tpu.memory_space<vmem>>)
      tpu.yield
    }) : () -> ()
    %barrier3A = arith.constant 0 : index
    tpu.barrier barrier_id(%barrier3A)
    %multiple_of3A_42 = arith.constant 0 : i32
    %multiple_of3A_43 = tpu.assume_multiple %multiple_of3A_42, 16 : i32
    %dma_start3A = tpu.memref_slice %arg8[%multiple_of3A_43] : memref<10000xi32, #tpu.memory_space<vmem>> -> memref<80xi32, #tpu.memory_space<vmem>>
    %dma_start3A_44 = arith.constant 0 : i32
    %dma_start3A_45 = arith.constant 0 : i32
    %dma_start3A_46 = tpu.memref_slice %arg2[%dma_start3A_44, %dma_start3A_45] : memref<10000x64xf32, #tpu.memory_space<hbm>> -> memref<10000x64xf32, #tpu.memory_space<hbm>>
    tpu.enqueue_indirect_dma source(%dma_start3A_46 : memref<10000x64xf32, #tpu.memory_space<hbm>>) target(%arg10 : memref<80x64xf32, #tpu.memory_space<vmem>>) offsets(%dma_start3A : memref<80xi32, #tpu.memory_space<vmem>>) semaphore(%arg18 : memref<!tpu.dma_semaphore, #tpu.memory_space<semaphore_mem>>)
    %add3A_47 = arith.constant 0 : i32
    %add3A_48 = arith.addi %mul3A_2, %add3A_47 : i32
    %mul3A_49 = arith.constant 80 : i32
    %mul3A_50 = arith.muli %add3A_48, %mul3A_49 : i32
    %mul3A_51 = arith.constant 2 : i32
    %mul3A_52 = arith.muli %mul3A_50, %mul3A_51 : i32
    %mul3A_53 = arith.constant 64 : i32
    %mul3A_54 = arith.muli %mul3A_52, %mul3A_53 : i32
    %multiple_of3A_55 = tpu.assume_multiple %mul3A_54, 1024 : i32
    %dma_start3A_56 = tpu.memref_slice %arg3[%multiple_of3A_55] : memref<40960000xf32, #tpu.memory_space<hbm>> -> memref<10240xf32, #tpu.memory_space<hbm>>
    %dma_start3A_57 = tpu.memref_slice %arg3[%multiple_of3A_55] : memref<40960000xf32, #tpu.memory_space<hbm>> -> memref<10240xf32, #tpu.memory_space<hbm>>
    tpu.enqueue_dma source(%dma_start3A_57 : memref<10240xf32, #tpu.memory_space<hbm>>) target(%arg12 : memref<10240xf32, #tpu.memory_space<vmem>>) target_semaphore(%arg20 : memref<!tpu.dma_semaphore, #tpu.memory_space<semaphore_mem>>)
    %multiple_of3A_58 = arith.constant 80 : i32
    %multiple_of3A_59 = tpu.assume_multiple %multiple_of3A_58, 16 : i32
    %dma_start3A_60 = tpu.memref_slice %arg8[%multiple_of3A_59] : memref<10000xi32, #tpu.memory_space<vmem>> -> memref<80xi32, #tpu.memory_space<vmem>>
    %dma_start3A_61 = arith.constant 0 : i32
    %dma_start3A_62 = arith.constant 0 : i32
    %dma_start3A_63 = tpu.memref_slice %arg2[%dma_start3A_61, %dma_start3A_62] : memref<10000x64xf32, #tpu.memory_space<hbm>> -> memref<10000x64xf32, #tpu.memory_space<hbm>>
    tpu.enqueue_indirect_dma source(%dma_start3A_63 : memref<10000x64xf32, #tpu.memory_space<hbm>>) target(%arg11 : memref<80x64xf32, #tpu.memory_space<vmem>>) offsets(%dma_start3A_60 : memref<80xi32, #tpu.memory_space<vmem>>) semaphore(%arg19 : memref<!tpu.dma_semaphore, #tpu.memory_space<semaphore_mem>>)
    %add3A_64 = arith.constant 1 : i32
    %add3A_65 = arith.addi %mul3A_2, %add3A_64 : i32
    %mul3A_66 = arith.constant 80 : i32
    %mul3A_67 = arith.muli %add3A_65, %mul3A_66 : i32
    %mul3A_68 = arith.constant 2 : i32
    %mul3A_69 = arith.muli %mul3A_67, %mul3A_68 : i32
    %mul3A_70 = arith.constant 64 : i32
    %mul3A_71 = arith.muli %mul3A_69, %mul3A_70 : i32
    %multiple_of3A_72 = tpu.assume_multiple %mul3A_71, 1024 : i32
    %dma_start3A_73 = tpu.memref_slice %arg3[%multiple_of3A_72] : memref<40960000xf32, #tpu.memory_space<hbm>> -> memref<10240xf32, #tpu.memory_space<hbm>>
    %dma_start3A_74 = tpu.memref_slice %arg3[%multiple_of3A_72] : memref<40960000xf32, #tpu.memory_space<hbm>> -> memref<10240xf32, #tpu.memory_space<hbm>>
    tpu.enqueue_dma source(%dma_start3A_74 : memref<10240xf32, #tpu.memory_space<hbm>>) target(%arg13 : memref<10240xf32, #tpu.memory_space<vmem>>) target_semaphore(%arg21 : memref<!tpu.dma_semaphore, #tpu.memory_space<semaphore_mem>>)
    %scan3A_75 = arith.constant 0 : i32
    %scan3A_76 = arith.constant 0 : i32
    %scan3A_77 = arith.constant 62 : i32
    %scan3A_78 = arith.addi %scan3A_76, %scan3A_77 : i32
    %scan3A_79 = arith.constant 1 : i32
    scf.for %scan3A_110 = %scan3A_76 to %scan3A_78 step %scan3A_79  : i32 {
      %mul3A_111 = arith.constant 2 : i32
      %mul3A_112 = arith.muli %mul3A_111, %scan3A_110 : i32
      %gt3A = arith.constant 0 : i32
      %gt3A_113 = arith.cmpi sgt, %scan3A_110, %gt3A : i32
      %convert_element_type3A_114 = arith.extui %gt3A_113 : i1 to i32
      %cond3A_115 = arith.constant 0 : i32
      %cond3A_116 = arith.cmpi ne, %convert_element_type3A_114, %cond3A_115 : i32
      scf.if %cond3A_116 {
        %dma_wait3A_185 = arith.constant 0 : i32
        %dma_wait3A_186 = tpu.memref_slice %arg9[%dma_wait3A_185] : memref<10000xi32, #tpu.memory_space<vmem>> -> memref<80xi32, #tpu.memory_space<vmem>>
        %dma_wait3A_187 = arith.constant 0 : i32
        %dma_wait3A_188 = arith.constant 0 : i32
        %dma_wait3A_189 = tpu.memref_slice %arg17[%dma_wait3A_187, %dma_wait3A_188] : memref<10240x80xf32, #tpu.memory_space<vmem_shared>> -> memref<10240x80xf32, #tpu.memory_space<vmem_shared>>
        tpu.wait_indirect_dma semaphore(%arg22 : memref<!tpu.dma_semaphore, #tpu.memory_space<semaphore_mem>>) src(%arg14 : memref<80x80xf32, #tpu.memory_space<vmem>>) dst(%dma_wait3A_189 : memref<10240x80xf32, #tpu.memory_space<vmem_shared>>)
      } else {
      }
      %dma_wait3A_117 = arith.constant 0 : i32
      %dma_wait3A_118 = tpu.memref_slice %arg8[%dma_wait3A_117] : memref<10000xi32, #tpu.memory_space<vmem>> -> memref<80xi32, #tpu.memory_space<vmem>>
      %dma_wait3A_119 = arith.constant 0 : i32
      %dma_wait3A_120 = arith.constant 0 : i32
      %dma_wait3A_121 = tpu.memref_slice %arg2[%dma_wait3A_119, %dma_wait3A_120] : memref<10000x64xf32, #tpu.memory_space<hbm>> -> memref<10000x64xf32, #tpu.memory_space<hbm>>
      tpu.wait_indirect_dma semaphore(%arg18 : memref<!tpu.dma_semaphore, #tpu.memory_space<semaphore_mem>>) src(%dma_wait3A_121 : memref<10000x64xf32, #tpu.memory_space<hbm>>) dst(%arg10 : memref<80x64xf32, #tpu.memory_space<vmem>>)
      %dma_wait3A_122 = arith.constant 0 : i32
      %dma_wait3A_123 = tpu.memref_slice %arg3[%dma_wait3A_122] : memref<40960000xf32, #tpu.memory_space<hbm>> -> memref<10240xf32, #tpu.memory_space<hbm>>
      %dma_wait3A_124 = arith.constant 0 : i32
      %dma_wait3A_125 = tpu.memref_slice %arg3[%dma_wait3A_124] : memref<40960000xf32, #tpu.memory_space<hbm>> -> memref<10240xf32, #tpu.memory_space<hbm>>
      tpu.wait_dma2 semaphore(%arg20 : memref<!tpu.dma_semaphore, #tpu.memory_space<semaphore_mem>>) src(%dma_wait3A_125 : memref<10240xf32, #tpu.memory_space<hbm>>) dst(%arg12 : memref<10240xf32, #tpu.memory_space<vmem>>)
      %parallel_loop3A_126 = arith.constant 0 : i32
      %parallel_loop3A_127 = arith.constant 80 : i32
      %parallel_loop3A_128 = arith.constant 1 : i32
      scf.for %parallel_loop3A_185 = %parallel_loop3A_126 to %parallel_loop3A_127 step %parallel_loop3A_128  : i32 {
        %parallel_loop3A_186 = arith.index_cast %parallel_loop3A_185 : i32 to index
        %parallel_loop3A_187 = arith.constant 0 : index
        %parallel_loop3A_188 = tpu.vector_load %arg10[%parallel_loop3A_186, %parallel_loop3A_187] {strides = array<i32>} : memref<80x64xf32, #tpu.memory_space<vmem>>, vector<1x16xf32>,
        %parallel_loop3A_189 = vector.shape_cast %parallel_loop3A_188 : vector<1x16xf32> to vector<16xf32>
        %parallel_loop3A_190 = arith.constant 2 : i32
        %parallel_loop3A_191 = arith.muli %parallel_loop3A_185, %parallel_loop3A_190 : i32
        %parallel_loop3A_192 = arith.constant 64 : i32
        %parallel_loop3A_193 = arith.muli %parallel_loop3A_191, %parallel_loop3A_192 : i32
        %parallel_loop3A_194 = arith.constant 0 : i32
        %parallel_loop3A_195 = arith.addi %parallel_loop3A_193, %parallel_loop3A_194 : i32
        %parallel_loop3A_196 = arith.index_cast %parallel_loop3A_195 : i32 to index
        %parallel_loop3A_197 = tpu.vector_load %arg12[%parallel_loop3A_196] {strides = array<i32>} : memref<10240xf32, #tpu.memory_space<vmem>>, vector<16xf32>,
        %parallel_loop3A_198 = vector.shape_cast %parallel_loop3A_197 : vector<16xf32> to vector<16xf32>
        %parallel_loop3A_199 = arith.addf %parallel_loop3A_189, %parallel_loop3A_198 : vector<16xf32>
        %parallel_loop3A_200 = arith.constant 0.000000e+00 : f32
        %parallel_loop3A_201 = vector.broadcast %parallel_loop3A_200 : f32 to vector<16xf32>
        %parallel_loop3A_202 = arith.cmpf ogt, %parallel_loop3A_199, %parallel_loop3A_201 : vector<16xf32>
        %parallel_loop3A_203 = math.exp %parallel_loop3A_199 : vector<16xf32>
        %parallel_loop3A_204 = arith.constant 1.000000e+00 : f32
        %parallel_loop3A_205 = vector.broadcast %parallel_loop3A_204 : f32 to vector<16xf32>
        %parallel_loop3A_206 = arith.subf %parallel_loop3A_203, %parallel_loop3A_205 : vector<16xf32>
        %parallel_loop3A_207 = arith.constant 1.67326319 : f32
        %parallel_loop3A_208 = vector.broadcast %parallel_loop3A_207 : f32 to vector<16xf32>
        %parallel_loop3A_209 = arith.mulf %parallel_loop3A_208, %parallel_loop3A_206 : vector<16xf32>
        %parallel_loop3A_210 = arith.select %parallel_loop3A_202, %parallel_loop3A_199, %parallel_loop3A_209 : vector<16xi1>, vector<16xf32>
        %parallel_loop3A_211 = arith.constant 1.05070102 : f32
        %parallel_loop3A_212 = vector.broadcast %parallel_loop3A_211 : f32 to vector<16xf32>
        %parallel_loop3A_213 = arith.mulf %parallel_loop3A_212, %parallel_loop3A_210 : vector<16xf32>
        %parallel_loop3A_214 = arith.index_cast %parallel_loop3A_185 : i32 to index
        %parallel_loop3A_215 = arith.constant 0 : index
        %parallel_loop3A_216 = tpu.vector_load %arg14[%parallel_loop3A_214, %parallel_loop3A_215] {strides = array<i32>} : memref<80x80xf32, #tpu.memory_space<vmem>>, vector<1x16xf32>,
        %parallel_loop3A_217 = vector.shape_cast %parallel_loop3A_216 : vector<1x16xf32> to vector<16xf32>
        %parallel_loop3A_218 = vector.shape_cast %parallel_loop3A_213 : vector<16xf32> to vector<1x16xf32>
        tpu.vector_store %arg14[%parallel_loop3A_214, %parallel_loop3A_215], %parallel_loop3A_218 {strides = array<i32>} : memref<80x80xf32, #tpu.memory_space<vmem>>, vector<1x16xf32>,
        %parallel_loop3A_219 = arith.index_cast %parallel_loop3A_185 : i32 to index
        %parallel_loop3A_220 = arith.constant 16 : index
        %parallel_loop3A_221 = tpu.vector_load %arg10[%parallel_loop3A_219, %parallel_loop3A_220] {strides = array<i32>} : memref<80x64xf32, #tpu.memory_space<vmem>>, vector<1x16xf32>,
        %parallel_loop3A_222 = vector.shape_cast %parallel_loop3A_221 : vector<1x16xf32> to vector<16xf32>
        %parallel_loop3A_223 = arith.constant 2 : i32
        %parallel_loop3A_224 = arith.muli %parallel_loop3A_185, %parallel_loop3A_223 : i32
        %parallel_loop3A_225 = arith.constant 64 : i32
        %parallel_loop3A_226 = arith.muli %parallel_loop3A_224, %parallel_loop3A_225 : i32
        %parallel_loop3A_227 = arith.constant 16 : i32
        %parallel_loop3A_228 = arith.addi %parallel_loop3A_226, %parallel_loop3A_227 : i32
        %parallel_loop3A_229 = arith.index_cast %parallel_loop3A_228 : i32 to index
        %parallel_loop3A_230 = tpu.vector_load %arg12[%parallel_loop3A_229] {strides = array<i32>} : memref<10240xf32, #tpu.memory_space<vmem>>, vector<16xf32>,
        %parallel_loop3A_231 = vector.shape_cast %parallel_loop3A_230 : vector<16xf32> to vector<16xf32>
        %parallel_loop3A_232 = arith.addf %parallel_loop3A_222, %parallel_loop3A_231 : vector<16xf32>
        %parallel_loop3A_233 = arith.constant 0.000000e+00 : f32
        %parallel_loop3A_234 = vector.broadcast %parallel_loop3A_233 : f32 to vector<16xf32>
        %parallel_loop3A_235 = arith.cmpf ogt, %parallel_loop3A_232, %parallel_loop3A_234 : vector<16xf32>
        %parallel_loop3A_236 = math.exp %parallel_loop3A_232 : vector<16xf32>
        %parallel_loop3A_237 = arith.constant 1.000000e+00 : f32
        %parallel_loop3A_238 = vector.broadcast %parallel_loop3A_237 : f32 to vector<16xf32>
        %parallel_loop3A_239 = arith.subf %parallel_loop3A_236, %parallel_loop3A_238 : vector<16xf32>
        %parallel_loop3A_240 = arith.constant 1.67326319 : f32
        %parallel_loop3A_241 = vector.broadcast %parallel_loop3A_240 : f32 to vector<16xf32>
        %parallel_loop3A_242 = arith.mulf %parallel_loop3A_241, %parallel_loop3A_239 : vector<16xf32>
        %parallel_loop3A_243 = arith.select %parallel_loop3A_235, %parallel_loop3A_232, %parallel_loop3A_242 : vector<16xi1>, vector<16xf32>
        %parallel_loop3A_244 = arith.constant 1.05070102 : f32
        %parallel_loop3A_245 = vector.broadcast %parallel_loop3A_244 : f32 to vector<16xf32>
        %parallel_loop3A_246 = arith.mulf %parallel_loop3A_245, %parallel_loop3A_243 : vector<16xf32>
        %parallel_loop3A_247 = arith.index_cast %parallel_loop3A_185 : i32 to index
        %parallel_loop3A_248 = arith.constant 16 : index
        %parallel_loop3A_249 = tpu.vector_load %arg14[%parallel_loop3A_247, %parallel_loop3A_248] {strides = array<i32>} : memref<80x80xf32, #tpu.memory_space<vmem>>, vector<1x16xf32>,
        %parallel_loop3A_250 = vector.shape_cast %parallel_loop3A_249 : vector<1x16xf32> to vector<16xf32>
        %parallel_loop3A_251 = vector.shape_cast %parallel_loop3A_246 : vector<16xf32> to vector<1x16xf32>
        tpu.vector_store %arg14[%parallel_loop3A_247, %parallel_loop3A_248], %parallel_loop3A_251 {strides = array<i32>} : memref<80x80xf32, #tpu.memory_space<vmem>>, vector<1x16xf32>,
        %parallel_loop3A_252 = arith.index_cast %parallel_loop3A_185 : i32 to index
        %parallel_loop3A_253 = arith.constant 32 : index
        %parallel_loop3A_254 = tpu.vector_load %arg10[%parallel_loop3A_252, %parallel_loop3A_253] {strides = array<i32>} : memref<80x64xf32, #tpu.memory_space<vmem>>, vector<1x16xf32>,
        %parallel_loop3A_255 = vector.shape_cast %parallel_loop3A_254 : vector<1x16xf32> to vector<16xf32>
        %parallel_loop3A_256 = arith.constant 2 : i32
        %parallel_loop3A_257 = arith.muli %parallel_loop3A_185, %parallel_loop3A_256 : i32
        %parallel_loop3A_258 = arith.constant 64 : i32
        %parallel_loop3A_259 = arith.muli %parallel_loop3A_257, %parallel_loop3A_258 : i32
        %parallel_loop3A_260 = arith.constant 32 : i32
        %parallel_loop3A_261 = arith.addi %parallel_loop3A_259, %parallel_loop3A_260 : i32
        %parallel_loop3A_262 = arith.index_cast %parallel_loop3A_261 : i32 to index
        %parallel_loop3A_263 = tpu.vector_load %arg12[%parallel_loop3A_262] {strides = array<i32>} : memref<10240xf32, #tpu.memory_space<vmem>>, vector<16xf32>,
        %parallel_loop3A_264 = vector.shape_cast %parallel_loop3A_263 : vector<16xf32> to vector<16xf32>
        %parallel_loop3A_265 = arith.addf %parallel_loop3A_255, %parallel_loop3A_264 : vector<16xf32>
        %parallel_loop3A_266 = arith.constant 0.000000e+00 : f32
        %parallel_loop3A_267 = vector.broadcast %parallel_loop3A_266 : f32 to vector<16xf32>
        %parallel_loop3A_268 = arith.cmpf ogt, %parallel_loop3A_265, %parallel_loop3A_267 : vector<16xf32>
        %parallel_loop3A_269 = math.exp %parallel_loop3A_265 : vector<16xf32>
        %parallel_loop3A_270 = arith.constant 1.000000e+00 : f32
        %parallel_loop3A_271 = vector.broadcast %parallel_loop3A_270 : f32 to vector<16xf32>
        %parallel_loop3A_272 = arith.subf %parallel_loop3A_269, %parallel_loop3A_271 : vector<16xf32>
        %parallel_loop3A_273 = arith.constant 1.67326319 : f32
        %parallel_loop3A_274 = vector.broadcast %parallel_loop3A_273 : f32 to vector<16xf32>
        %parallel_loop3A_275 = arith.mulf %parallel_loop3A_274, %parallel_loop3A_272 : vector<16xf32>
        %parallel_loop3A_276 = arith.select %parallel_loop3A_268, %parallel_loop3A_265, %parallel_loop3A_275 : vector<16xi1>, vector<16xf32>
        %parallel_loop3A_277 = arith.constant 1.05070102 : f32
        %parallel_loop3A_278 = vector.broadcast %parallel_loop3A_277 : f32 to vector<16xf32>
        %parallel_loop3A_279 = arith.mulf %parallel_loop3A_278, %parallel_loop3A_276 : vector<16xf32>
        %parallel_loop3A_280 = arith.index_cast %parallel_loop3A_185 : i32 to index
        %parallel_loop3A_281 = arith.constant 32 : index
        %parallel_loop3A_282 = tpu.vector_load %arg14[%parallel_loop3A_280, %parallel_loop3A_281] {strides = array<i32>} : memref<80x80xf32, #tpu.memory_space<vmem>>, vector<1x16xf32>,
        %parallel_loop3A_283 = vector.shape_cast %parallel_loop3A_282 : vector<1x16xf32> to vector<16xf32>
        %parallel_loop3A_284 = vector.shape_cast %parallel_loop3A_279 : vector<16xf32> to vector<1x16xf32>
        tpu.vector_store %arg14[%parallel_loop3A_280, %parallel_loop3A_281], %parallel_loop3A_284 {strides = array<i32>} : memref<80x80xf32, #tpu.memory_space<vmem>>, vector<1x16xf32>,
        %parallel_loop3A_285 = arith.index_cast %parallel_loop3A_185 : i32 to index
        %parallel_loop3A_286 = arith.constant 48 : index
        %parallel_loop3A_287 = tpu.vector_load %arg10[%parallel_loop3A_285, %parallel_loop3A_286] {strides = array<i32>} : memref<80x64xf32, #tpu.memory_space<vmem>>, vector<1x16xf32>,
        %parallel_loop3A_288 = vector.shape_cast %parallel_loop3A_287 : vector<1x16xf32> to vector<16xf32>
        %parallel_loop3A_289 = arith.constant 2 : i32
        %parallel_loop3A_290 = arith.muli %parallel_loop3A_185, %parallel_loop3A_289 : i32
        %parallel_loop3A_291 = arith.constant 64 : i32
        %parallel_loop3A_292 = arith.muli %parallel_loop3A_290, %parallel_loop3A_291 : i32
        %parallel_loop3A_293 = arith.constant 48 : i32
        %parallel_loop3A_294 = arith.addi %parallel_loop3A_292, %parallel_loop3A_293 : i32
        %parallel_loop3A_295 = arith.index_cast %parallel_loop3A_294 : i32 to index
        %parallel_loop3A_296 = tpu.vector_load %arg12[%parallel_loop3A_295] {strides = array<i32>} : memref<10240xf32, #tpu.memory_space<vmem>>, vector<16xf32>,
        %parallel_loop3A_297 = vector.shape_cast %parallel_loop3A_296 : vector<16xf32> to vector<16xf32>
        %parallel_loop3A_298 = arith.addf %parallel_loop3A_288, %parallel_loop3A_297 : vector<16xf32>
        %parallel_loop3A_299 = arith.constant 0.000000e+00 : f32
        %parallel_loop3A_300 = vector.broadcast %parallel_loop3A_299 : f32 to vector<16xf32>
        %parallel_loop3A_301 = arith.cmpf ogt, %parallel_loop3A_298, %parallel_loop3A_300 : vector<16xf32>
        %parallel_loop3A_302 = math.exp %parallel_loop3A_298 : vector<16xf32>
        %parallel_loop3A_303 = arith.constant 1.000000e+00 : f32
        %parallel_loop3A_304 = vector.broadcast %parallel_loop3A_303 : f32 to vector<16xf32>
        %parallel_loop3A_305 = arith.subf %parallel_loop3A_302, %parallel_loop3A_304 : vector<16xf32>
        %parallel_loop3A_306 = arith.constant 1.67326319 : f32
        %parallel_loop3A_307 = vector.broadcast %parallel_loop3A_306 : f32 to vector<16xf32>
        %parallel_loop3A_308 = arith.mulf %parallel_loop3A_307, %parallel_loop3A_305 : vector<16xf32>
        %parallel_loop3A_309 = arith.select %parallel_loop3A_301, %parallel_loop3A_298, %parallel_loop3A_308 : vector<16xi1>, vector<16xf32>
        %parallel_loop3A_310 = arith.constant 1.05070102 : f32
        %parallel_loop3A_311 = vector.broadcast %parallel_loop3A_310 : f32 to vector<16xf32>
        %parallel_loop3A_312 = arith.mulf %parallel_loop3A_311, %parallel_loop3A_309 : vector<16xf32>
        %parallel_loop3A_313 = arith.index_cast %parallel_loop3A_185 : i32 to index
        %parallel_loop3A_314 = arith.constant 48 : index
        %parallel_loop3A_315 = tpu.vector_load %arg14[%parallel_loop3A_313, %parallel_loop3A_314] {strides = array<i32>} : memref<80x80xf32, #tpu.memory_space<vmem>>, vector<1x16xf32>,
        %parallel_loop3A_316 = vector.shape_cast %parallel_loop3A_315 : vector<1x16xf32> to vector<16xf32>
        %parallel_loop3A_317 = vector.shape_cast %parallel_loop3A_312 : vector<16xf32> to vector<1x16xf32>
        tpu.vector_store %arg14[%parallel_loop3A_313, %parallel_loop3A_314], %parallel_loop3A_317 {strides = array<i32>} : memref<80x80xf32, #tpu.memory_space<vmem>>, vector<1x16xf32>,
      } {sc.loop_unroll_factor = 4 : i64, sc.parallel_access}
      %mul3A_129 = arith.constant 80 : i32
      %mul3A_130 = arith.muli %mul3A_112, %mul3A_129 : i32
      %multiple_of3A_131 = tpu.assume_multiple %mul3A_130, 16 : i32
      %dma_start3A_132 = tpu.memref_slice %arg9[%multiple_of3A_131] : memref<10000xi32, #tpu.memory_space<vmem>> -> memref<80xi32, #tpu.memory_space<vmem>>
      %dma_start3A_133 = arith.constant 0 : i32
      %dma_start3A_134 = arith.constant 0 : i32
      %dma_start3A_135 = tpu.memref_slice %arg17[%dma_start3A_133, %dma_start3A_134] : memref<10240x80xf32, #tpu.memory_space<vmem_shared>> -> memref<10240x80xf32, #tpu.memory_space<vmem_shared>>
      tpu.enqueue_indirect_dma source(%arg14 : memref<80x80xf32, #tpu.memory_space<vmem>>) target(%dma_start3A_135 : memref<10240x80xf32, #tpu.memory_space<vmem_shared>>) offsets(%dma_start3A_132 : memref<80xi32, #tpu.memory_space<vmem>>) semaphore(%arg22 : memref<!tpu.dma_semaphore, #tpu.memory_space<semaphore_mem>>) {add = true}
      %add3A_136 = arith.constant 2 : i32
      %add3A_137 = arith.addi %mul3A_112, %add3A_136 : i32
      %mul3A_138 = arith.constant 80 : i32
      %mul3A_139 = arith.muli %add3A_137, %mul3A_138 : i32
      %multiple_of3A_140 = tpu.assume_multiple %mul3A_139, 16 : i32
      %dma_start3A_141 = tpu.memref_slice %arg8[%multiple_of3A_140] : memref<10000xi32, #tpu.memory_space<vmem>> -> memref<80xi32, #tpu.memory_space<vmem>>
      %dma_start3A_142 = arith.constant 0 : i32
      %dma_start3A_143 = arith.constant 0 : i32
      %dma_start3A_144 = tpu.memref_slice %arg2[%dma_start3A_142, %dma_start3A_143] : memref<10000x64xf32, #tpu.memory_space<hbm>> -> memref<10000x64xf32, #tpu.memory_space<hbm>>
      tpu.enqueue_indirect_dma source(%dma_start3A_144 : memref<10000x64xf32, #tpu.memory_space<hbm>>) target(%arg10 : memref<80x64xf32, #tpu.memory_space<vmem>>) offsets(%dma_start3A_141 : memref<80xi32, #tpu.memory_space<vmem>>) semaphore(%arg18 : memref<!tpu.dma_semaphore, #tpu.memory_space<semaphore_mem>>)
      %add3A_145 = arith.addi %mul3A_2, %add3A_137 : i32
      %mul3A_146 = arith.constant 80 : i32
      %mul3A_147 = arith.muli %add3A_145, %mul3A_146 : i32
      %mul3A_148 = arith.constant 2 : i32
      %mul3A_149 = arith.muli %mul3A_147, %mul3A_148 : i32
      %mul3A_150 = arith.constant 64 : i32
      %mul3A_151 = arith.muli %mul3A_149, %mul3A_150 : i32
      %multiple_of3A_152 = tpu.assume_multiple %mul3A_151, 1024 : i32
      %dma_start3A_153 = tpu.memref_slice %arg3[%multiple_of3A_152] : memref<40960000xf32, #tpu.memory_space<hbm>> -> memref<10240xf32, #tpu.memory_space<hbm>>
      %dma_start3A_154 = tpu.memref_slice %arg3[%multiple_of3A_152] : memref<40960000xf32, #tpu.memory_space<hbm>> -> memref<10240xf32, #tpu.memory_space<hbm>>
      tpu.enqueue_dma source(%dma_start3A_154 : memref<10240xf32, #tpu.memory_space<hbm>>) target(%arg12 : memref<10240xf32, #tpu.memory_space<vmem>>) target_semaphore(%arg20 : memref<!tpu.dma_semaphore, #tpu.memory_space<semaphore_mem>>)
      %gt3A_155 = arith.constant 0 : i32
      %gt3A_156 = arith.cmpi sgt, %scan3A_110, %gt3A_155 : i32
      %convert_element_type3A_157 = arith.extui %gt3A_156 : i1 to i32
      %cond3A_158 = arith.constant 0 : i32
      %cond3A_159 = arith.cmpi ne, %convert_element_type3A_157, %cond3A_158 : i32
      scf.if %cond3A_159 {
        %dma_wait3A_185 = arith.constant 0 : i32
        %dma_wait3A_186 = tpu.memref_slice %arg9[%dma_wait3A_185] : memref<10000xi32, #tpu.memory_space<vmem>> -> memref<80xi32, #tpu.memory_space<vmem>>
        %dma_wait3A_187 = arith.constant 0 : i32
        %dma_wait3A_188 = arith.constant 0 : i32
        %dma_wait3A_189 = tpu.memref_slice %arg17[%dma_wait3A_187, %dma_wait3A_188] : memref<10240x80xf32, #tpu.memory_space<vmem_shared>> -> memref<10240x80xf32, #tpu.memory_space<vmem_shared>>
        tpu.wait_indirect_dma semaphore(%arg23 : memref<!tpu.dma_semaphore, #tpu.memory_space<semaphore_mem>>) src(%arg15 : memref<80x80xf32, #tpu.memory_space<vmem>>) dst(%dma_wait3A_189 : memref<10240x80xf32, #tpu.memory_space<vmem_shared>>)
      } else {
      }
      %dma_wait3A_160 = arith.constant 0 : i32
      %dma_wait3A_161 = tpu.memref_slice %arg8[%dma_wait3A_160] : memref<10000xi32, #tpu.memory_space<vmem>> -> memref<80xi32, #tpu.memory_space<vmem>>
      %dma_wait3A_162 = arith.constant 0 : i32
      %dma_wait3A_163 = arith.constant 0 : i32
      %dma_wait3A_164 = tpu.memref_slice %arg2[%dma_wait3A_162, %dma_wait3A_163] : memref<10000x64xf32, #tpu.memory_space<hbm>> -> memref<10000x64xf32, #tpu.memory_space<hbm>>
      tpu.wait_indirect_dma semaphore(%arg19 : memref<!tpu.dma_semaphore, #tpu.memory_space<semaphore_mem>>) src(%dma_wait3A_164 : memref<10000x64xf32, #tpu.memory_space<hbm>>) dst(%arg11 : memref<80x64xf32, #tpu.memory_space<vmem>>)
      %dma_wait3A_165 = arith.constant 0 : i32
      %dma_wait3A_166 = tpu.memref_slice %arg3[%dma_wait3A_165] : memref<40960000xf32, #tpu.memory_space<hbm>> -> memref<10240xf32, #tpu.memory_space<hbm>>
      %dma_wait3A_167 = arith.constant 0 : i32
      %dma_wait3A_168 = tpu.memref_slice %arg3[%dma_wait3A_167] : memref<40960000xf32, #tpu.memory_space<hbm>> -> memref<10240xf32, #tpu.memory_space<hbm>>
      tpu.wait_dma2 semaphore(%arg21 : memref<!tpu.dma_semaphore, #tpu.memory_space<semaphore_mem>>) src(%dma_wait3A_168 : memref<10240xf32, #tpu.memory_space<hbm>>) dst(%arg13 : memref<10240xf32, #tpu.memory_space<vmem>>)
      %parallel_loop3A_169 = arith.constant 0 : i32
      %parallel_loop3A_170 = arith.constant 80 : i32
      %parallel_loop3A_171 = arith.constant 1 : i32
      scf.for %parallel_loop3A_185 = %parallel_loop3A_169 to %parallel_loop3A_170 step %parallel_loop3A_171  : i32 {
        %parallel_loop3A_186 = arith.index_cast %parallel_loop3A_185 : i32 to index
        %parallel_loop3A_187 = arith.constant 0 : index
        %parallel_loop3A_188 = tpu.vector_load %arg11[%parallel_loop3A_186, %parallel_loop3A_187] {strides = array<i32>} : memref<80x64xf32, #tpu.memory_space<vmem>>, vector<1x16xf32>,
        %parallel_loop3A_189 = vector.shape_cast %parallel_loop3A_188 : vector<1x16xf32> to vector<16xf32>
        %parallel_loop3A_190 = arith.constant 2 : i32
        %parallel_loop3A_191 = arith.muli %parallel_loop3A_185, %parallel_loop3A_190 : i32
        %parallel_loop3A_192 = arith.constant 64 : i32
        %parallel_loop3A_193 = arith.muli %parallel_loop3A_191, %parallel_loop3A_192 : i32
        %parallel_loop3A_194 = arith.constant 0 : i32
        %parallel_loop3A_195 = arith.addi %parallel_loop3A_193, %parallel_loop3A_194 : i32
        %parallel_loop3A_196 = arith.index_cast %parallel_loop3A_195 : i32 to index
        %parallel_loop3A_197 = tpu.vector_load %arg13[%parallel_loop3A_196] {strides = array<i32>} : memref<10240xf32, #tpu.memory_space<vmem>>, vector<16xf32>,
        %parallel_loop3A_198 = vector.shape_cast %parallel_loop3A_197 : vector<16xf32> to vector<16xf32>
        %parallel_loop3A_199 = arith.addf %parallel_loop3A_189, %parallel_loop3A_198 : vector<16xf32>
        %parallel_loop3A_200 = arith.constant 0.000000e+00 : f32
        %parallel_loop3A_201 = vector.broadcast %parallel_loop3A_200 : f32 to vector<16xf32>
        %parallel_loop3A_202 = arith.cmpf ogt, %parallel_loop3A_199, %parallel_loop3A_201 : vector<16xf32>
        %parallel_loop3A_203 = math.exp %parallel_loop3A_199 : vector<16xf32>
        %parallel_loop3A_204 = arith.constant 1.000000e+00 : f32
        %parallel_loop3A_205 = vector.broadcast %parallel_loop3A_204 : f32 to vector<16xf32>
        %parallel_loop3A_206 = arith.subf %parallel_loop3A_203, %parallel_loop3A_205 : vector<16xf32>
        %parallel_loop3A_207 = arith.constant 1.67326319 : f32
        %parallel_loop3A_208 = vector.broadcast %parallel_loop3A_207 : f32 to vector<16xf32>
        %parallel_loop3A_209 = arith.mulf %parallel_loop3A_208, %parallel_loop3A_206 : vector<16xf32>
        %parallel_loop3A_210 = arith.select %parallel_loop3A_202, %parallel_loop3A_199, %parallel_loop3A_209 : vector<16xi1>, vector<16xf32>
        %parallel_loop3A_211 = arith.constant 1.05070102 : f32
        %parallel_loop3A_212 = vector.broadcast %parallel_loop3A_211 : f32 to vector<16xf32>
        %parallel_loop3A_213 = arith.mulf %parallel_loop3A_212, %parallel_loop3A_210 : vector<16xf32>
        %parallel_loop3A_214 = arith.index_cast %parallel_loop3A_185 : i32 to index
        %parallel_loop3A_215 = arith.constant 0 : index
        %parallel_loop3A_216 = tpu.vector_load %arg15[%parallel_loop3A_214, %parallel_loop3A_215] {strides = array<i32>} : memref<80x80xf32, #tpu.memory_space<vmem>>, vector<1x16xf32>,
        %parallel_loop3A_217 = vector.shape_cast %parallel_loop3A_216 : vector<1x16xf32> to vector<16xf32>
        %parallel_loop3A_218 = vector.shape_cast %parallel_loop3A_213 : vector<16xf32> to vector<1x16xf32>
        tpu.vector_store %arg15[%parallel_loop3A_214, %parallel_loop3A_215], %parallel_loop3A_218 {strides = array<i32>} : memref<80x80xf32, #tpu.memory_space<vmem>>, vector<1x16xf32>,
        %parallel_loop3A_219 = arith.index_cast %parallel_loop3A_185 : i32 to index
        %parallel_loop3A_220 = arith.constant 16 : index
        %parallel_loop3A_221 = tpu.vector_load %arg11[%parallel_loop3A_219, %parallel_loop3A_220] {strides = array<i32>} : memref<80x64xf32, #tpu.memory_space<vmem>>, vector<1x16xf32>,
        %parallel_loop3A_222 = vector.shape_cast %parallel_loop3A_221 : vector<1x16xf32> to vector<16xf32>
        %parallel_loop3A_223 = arith.constant 2 : i32
        %parallel_loop3A_224 = arith.muli %parallel_loop3A_185, %parallel_loop3A_223 : i32
        %parallel_loop3A_225 = arith.constant 64 : i32
        %parallel_loop3A_226 = arith.muli %parallel_loop3A_224, %parallel_loop3A_225 : i32
        %parallel_loop3A_227 = arith.constant 16 : i32
        %parallel_loop3A_228 = arith.addi %parallel_loop3A_226, %parallel_loop3A_227 : i32
        %parallel_loop3A_229 = arith.index_cast %parallel_loop3A_228 : i32 to index
        %parallel_loop3A_230 = tpu.vector_load %arg13[%parallel_loop3A_229] {strides = array<i32>} : memref<10240xf32, #tpu.memory_space<vmem>>, vector<16xf32>,
        %parallel_loop3A_231 = vector.shape_cast %parallel_loop3A_230 : vector<16xf32> to vector<16xf32>
        %parallel_loop3A_232 = arith.addf %parallel_loop3A_222, %parallel_loop3A_231 : vector<16xf32>
        %parallel_loop3A_233 = arith.constant 0.000000e+00 : f32
        %parallel_loop3A_234 = vector.broadcast %parallel_loop3A_233 : f32 to vector<16xf32>
        %parallel_loop3A_235 = arith.cmpf ogt, %parallel_loop3A_232, %parallel_loop3A_234 : vector<16xf32>
        %parallel_loop3A_236 = math.exp %parallel_loop3A_232 : vector<16xf32>
        %parallel_loop3A_237 = arith.constant 1.000000e+00 : f32
        %parallel_loop3A_238 = vector.broadcast %parallel_loop3A_237 : f32 to vector<16xf32>
        %parallel_loop3A_239 = arith.subf %parallel_loop3A_236, %parallel_loop3A_238 : vector<16xf32>
        %parallel_loop3A_240 = arith.constant 1.67326319 : f32
        %parallel_loop3A_241 = vector.broadcast %parallel_loop3A_240 : f32 to vector<16xf32>
        %parallel_loop3A_242 = arith.mulf %parallel_loop3A_241, %parallel_loop3A_239 : vector<16xf32>
        %parallel_loop3A_243 = arith.select %parallel_loop3A_235, %parallel_loop3A_232, %parallel_loop3A_242 : vector<16xi1>, vector<16xf32>
        %parallel_loop3A_244 = arith.constant 1.05070102 : f32
        %parallel_loop3A_245 = vector.broadcast %parallel_loop3A_244 : f32 to vector<16xf32>
        %parallel_loop3A_246 = arith.mulf %parallel_loop3A_245, %parallel_loop3A_243 : vector<16xf32>
        %parallel_loop3A_247 = arith.index_cast %parallel_loop3A_185 : i32 to index
        %parallel_loop3A_248 = arith.constant 16 : index
        %parallel_loop3A_249 = tpu.vector_load %arg15[%parallel_loop3A_247, %parallel_loop3A_248] {strides = array<i32>} : memref<80x80xf32, #tpu.memory_space<vmem>>, vector<1x16xf32>,
        %parallel_loop3A_250 = vector.shape_cast %parallel_loop3A_249 : vector<1x16xf32> to vector<16xf32>
        %parallel_loop3A_251 = vector.shape_cast %parallel_loop3A_246 : vector<16xf32> to vector<1x16xf32>
        tpu.vector_store %arg15[%parallel_loop3A_247, %parallel_loop3A_248], %parallel_loop3A_251 {strides = array<i32>} : memref<80x80xf32, #tpu.memory_space<vmem>>, vector<1x16xf32>,
        %parallel_loop3A_252 = arith.index_cast %parallel_loop3A_185 : i32 to index
        %parallel_loop3A_253 = arith.constant 32 : index
        %parallel_loop3A_254 = tpu.vector_load %arg11[%parallel_loop3A_252, %parallel_loop3A_253] {strides = array<i32>} : memref<80x64xf32, #tpu.memory_space<vmem>>, vector<1x16xf32>,
        %parallel_loop3A_255 = vector.shape_cast %parallel_loop3A_254 : vector<1x16xf32> to vector<16xf32>
        %parallel_loop3A_256 = arith.constant 2 : i32
        %parallel_loop3A_257 = arith.muli %parallel_loop3A_185, %parallel_loop3A_256 : i32
        %parallel_loop3A_258 = arith.constant 64 : i32
        %parallel_loop3A_259 = arith.muli %parallel_loop3A_257, %parallel_loop3A_258 : i32
        %parallel_loop3A_260 = arith.constant 32 : i32
        %parallel_loop3A_261 = arith.addi %parallel_loop3A_259, %parallel_loop3A_260 : i32
        %parallel_loop3A_262 = arith.index_cast %parallel_loop3A_261 : i32 to index
        %parallel_loop3A_263 = tpu.vector_load %arg13[%parallel_loop3A_262] {strides = array<i32>} : memref<10240xf32, #tpu.memory_space<vmem>>, vector<16xf32>,
        %parallel_loop3A_264 = vector.shape_cast %parallel_loop3A_263 : vector<16xf32> to vector<16xf32>
        %parallel_loop3A_265 = arith.addf %parallel_loop3A_255, %parallel_loop3A_264 : vector<16xf32>
        %parallel_loop3A_266 = arith.constant 0.000000e+00 : f32
        %parallel_loop3A_267 = vector.broadcast %parallel_loop3A_266 : f32 to vector<16xf32>
        %parallel_loop3A_268 = arith.cmpf ogt, %parallel_loop3A_265, %parallel_loop3A_267 : vector<16xf32>
        %parallel_loop3A_269 = math.exp %parallel_loop3A_265 : vector<16xf32>
        %parallel_loop3A_270 = arith.constant 1.000000e+00 : f32
        %parallel_loop3A_271 = vector.broadcast %parallel_loop3A_270 : f32 to vector<16xf32>
        %parallel_loop3A_272 = arith.subf %parallel_loop3A_269, %parallel_loop3A_271 : vector<16xf32>
        %parallel_loop3A_273 = arith.constant 1.67326319 : f32
        %parallel_loop3A_274 = vector.broadcast %parallel_loop3A_273 : f32 to vector<16xf32>
        %parallel_loop3A_275 = arith.mulf %parallel_loop3A_274, %parallel_loop3A_272 : vector<16xf32>
        %parallel_loop3A_276 = arith.select %parallel_loop3A_268, %parallel_loop3A_265, %parallel_loop3A_275 : vector<16xi1>, vector<16xf32>
        %parallel_loop3A_277 = arith.constant 1.05070102 : f32
        %parallel_loop3A_278 = vector.broadcast %parallel_loop3A_277 : f32 to vector<16xf32>
        %parallel_loop3A_279 = arith.mulf %parallel_loop3A_278, %parallel_loop3A_276 : vector<16xf32>
        %parallel_loop3A_280 = arith.index_cast %parallel_loop3A_185 : i32 to index
        %parallel_loop3A_281 = arith.constant 32 : index
        %parallel_loop3A_282 = tpu.vector_load %arg15[%parallel_loop3A_280, %parallel_loop3A_281] {strides = array<i32>} : memref<80x80xf32, #tpu.memory_space<vmem>>, vector<1x16xf32>,
        %parallel_loop3A_283 = vector.shape_cast %parallel_loop3A_282 : vector<1x16xf32> to vector<16xf32>
        %parallel_loop3A_284 = vector.shape_cast %parallel_loop3A_279 : vector<16xf32> to vector<1x16xf32>
        tpu.vector_store %arg15[%parallel_loop3A_280, %parallel_loop3A_281], %parallel_loop3A_284 {strides = array<i32>} : memref<80x80xf32, #tpu.memory_space<vmem>>, vector<1x16xf32>,
        %parallel_loop3A_285 = arith.index_cast %parallel_loop3A_185 : i32 to index
        %parallel_loop3A_286 = arith.constant 48 : index
        %parallel_loop3A_287 = tpu.vector_load %arg11[%parallel_loop3A_285, %parallel_loop3A_286] {strides = array<i32>} : memref<80x64xf32, #tpu.memory_space<vmem>>, vector<1x16xf32>,
        %parallel_loop3A_288 = vector.shape_cast %parallel_loop3A_287 : vector<1x16xf32> to vector<16xf32>
        %parallel_loop3A_289 = arith.constant 2 : i32
        %parallel_loop3A_290 = arith.muli %parallel_loop3A_185, %parallel_loop3A_289 : i32
        %parallel_loop3A_291 = arith.constant 64 : i32
        %parallel_loop3A_292 = arith.muli %parallel_loop3A_290, %parallel_loop3A_291 : i32
        %parallel_loop3A_293 = arith.constant 48 : i32
        %parallel_loop3A_294 = arith.addi %parallel_loop3A_292, %parallel_loop3A_293 : i32
        %parallel_loop3A_295 = arith.index_cast %parallel_loop3A_294 : i32 to index
        %parallel_loop3A_296 = tpu.vector_load %arg13[%parallel_loop3A_295] {strides = array<i32>} : memref<10240xf32, #tpu.memory_space<vmem>>, vector<16xf32>,
        %parallel_loop3A_297 = vector.shape_cast %parallel_loop3A_296 : vector<16xf32> to vector<16xf32>
        %parallel_loop3A_298 = arith.addf %parallel_loop3A_288, %parallel_loop3A_297 : vector<16xf32>
        %parallel_loop3A_299 = arith.constant 0.000000e+00 : f32
        %parallel_loop3A_300 = vector.broadcast %parallel_loop3A_299 : f32 to vector<16xf32>
        %parallel_loop3A_301 = arith.cmpf ogt, %parallel_loop3A_298, %parallel_loop3A_300 : vector<16xf32>
        %parallel_loop3A_302 = math.exp %parallel_loop3A_298 : vector<16xf32>
        %parallel_loop3A_303 = arith.constant 1.000000e+00 : f32
        %parallel_loop3A_304 = vector.broadcast %parallel_loop3A_303 : f32 to vector<16xf32>
        %parallel_loop3A_305 = arith.subf %parallel_loop3A_302, %parallel_loop3A_304 : vector<16xf32>
        %parallel_loop3A_306 = arith.constant 1.67326319 : f32
        %parallel_loop3A_307 = vector.broadcast %parallel_loop3A_306 : f32 to vector<16xf32>
        %parallel_loop3A_308 = arith.mulf %parallel_loop3A_307, %parallel_loop3A_305 : vector<16xf32>
        %parallel_loop3A_309 = arith.select %parallel_loop3A_301, %parallel_loop3A_298, %parallel_loop3A_308 : vector<16xi1>, vector<16xf32>
        %parallel_loop3A_310 = arith.constant 1.05070102 : f32
        %parallel_loop3A_311 = vector.broadcast %parallel_loop3A_310 : f32 to vector<16xf32>
        %parallel_loop3A_312 = arith.mulf %parallel_loop3A_311, %parallel_loop3A_309 : vector<16xf32>
        %parallel_loop3A_313 = arith.index_cast %parallel_loop3A_185 : i32 to index
        %parallel_loop3A_314 = arith.constant 48 : index
        %parallel_loop3A_315 = tpu.vector_load %arg15[%parallel_loop3A_313, %parallel_loop3A_314] {strides = array<i32>} : memref<80x80xf32, #tpu.memory_space<vmem>>, vector<1x16xf32>,
        %parallel_loop3A_316 = vector.shape_cast %parallel_loop3A_315 : vector<1x16xf32> to vector<16xf32>
        %parallel_loop3A_317 = vector.shape_cast %parallel_loop3A_312 : vector<16xf32> to vector<1x16xf32>
        tpu.vector_store %arg15[%parallel_loop3A_313, %parallel_loop3A_314], %parallel_loop3A_317 {strides = array<i32>} : memref<80x80xf32, #tpu.memory_space<vmem>>, vector<1x16xf32>,
      } {sc.loop_unroll_factor = 4 : i64, sc.parallel_access}
      %add3A_172 = arith.constant 1 : i32
      %add3A_173 = arith.addi %mul3A_112, %add3A_172 : i32
      %mul3A_174 = arith.constant 80 : i32
      %mul3A_175 = arith.muli %add3A_173, %mul3A_174 : i32
      %multiple_of3A_176 = tpu.assume_multiple %mul3A_175, 16 : i32
      %dma_start3A_177 = tpu.memref_slice %arg9[%multiple_of3A_176] : memref<10000xi32, #tpu.memory_space<vmem>> -> memref<80xi32, #tpu.memory_space<vmem>>
      %dma_start3A_178 = arith.constant 0 : i32
      %dma_start3A_179 = arith.constant 0 : i32
      %dma_start3A_180 = tpu.memref_slice %arg17[%dma_start3A_178, %dma_start3A_179] : memref<10240x80xf32, #tpu.memory_space<vmem_shared>> -> memref<10240x80xf32, #tpu.memory_space<vmem_shared>>
      tpu.enqueue_indirect_dma source(%arg15 : memref<80x80xf32, #tpu.memory_space<vmem>>) target(%dma_start3A_180 : memref<10240x80xf32, #tpu.memory_space<vmem_shared>>) offsets(%dma_start3A_177 : memref<80xi32, #tpu.memory_space<vmem>>) semaphore(%arg23 : memref<!tpu.dma_semaphore, #tpu.memory_space<semaphore_mem>>) {add = true}
      %lt3A = arith.constant 61 : i32
      %lt3A_181 = arith.cmpi slt, %scan3A_110, %lt3A : i32
      %convert_element_type3A_182 = arith.extui %lt3A_181 : i1 to i32
      %cond3A_183 = arith.constant 0 : i32
      %cond3A_184 = arith.cmpi ne, %convert_element_type3A_182, %cond3A_183 : i32
      scf.if %cond3A_184 {
        %add3A_185 = arith.constant 3 : i32
        %add3A_186 = arith.addi %mul3A_112, %add3A_185 : i32
        %mul3A_187 = arith.constant 80 : i32
        %mul3A_188 = arith.muli %add3A_186, %mul3A_187 : i32
        %multiple_of3A_189 = tpu.assume_multiple %mul3A_188, 16 : i32
        %dma_start3A_190 = tpu.memref_slice %arg8[%multiple_of3A_189] : memref<10000xi32, #tpu.memory_space<vmem>> -> memref<80xi32, #tpu.memory_space<vmem>>
        %dma_start3A_191 = arith.constant 0 : i32
        %dma_start3A_192 = arith.constant 0 : i32
        %dma_start3A_193 = tpu.memref_slice %arg2[%dma_start3A_191, %dma_start3A_192] : memref<10000x64xf32, #tpu.memory_space<hbm>> -> memref<10000x64xf32, #tpu.memory_space<hbm>>
        tpu.enqueue_indirect_dma source(%dma_start3A_193 : memref<10000x64xf32, #tpu.memory_space<hbm>>) target(%arg11 : memref<80x64xf32, #tpu.memory_space<vmem>>) offsets(%dma_start3A_190 : memref<80xi32, #tpu.memory_space<vmem>>) semaphore(%arg19 : memref<!tpu.dma_semaphore, #tpu.memory_space<semaphore_mem>>)
        %add3A_194 = arith.addi %mul3A_2, %add3A_186 : i32
        %mul3A_195 = arith.constant 80 : i32
        %mul3A_196 = arith.muli %add3A_194, %mul3A_195 : i32
        %mul3A_197 = arith.constant 2 : i32
        %mul3A_198 = arith.muli %mul3A_196, %mul3A_197 : i32
        %mul3A_199 = arith.constant 64 : i32
        %mul3A_200 = arith.muli %mul3A_198, %mul3A_199 : i32
        %multiple_of3A_201 = tpu.assume_multiple %mul3A_200, 1024 : i32
        %dma_start3A_202 = tpu.memref_slice %arg3[%multiple_of3A_201] : memref<40960000xf32, #tpu.memory_space<hbm>> -> memref<10240xf32, #tpu.memory_space<hbm>>
        %dma_start3A_203 = tpu.memref_slice %arg3[%multiple_of3A_201] : memref<40960000xf32, #tpu.memory_space<hbm>> -> memref<10240xf32, #tpu.memory_space<hbm>>
        tpu.enqueue_dma source(%dma_start3A_203 : memref<10240xf32, #tpu.memory_space<hbm>>) target(%arg13 : memref<10240xf32, #tpu.memory_space<vmem>>) target_semaphore(%arg21 : memref<!tpu.dma_semaphore, #tpu.memory_space<semaphore_mem>>)
      } else {
      }
    }
    %scan3A_80 = arith.constant 62 : i32
    %dma_wait3A = arith.constant 0 : i32
    %dma_wait3A_81 = tpu.memref_slice %arg9[%dma_wait3A] : memref<10000xi32, #tpu.memory_space<vmem>> -> memref<80xi32, #tpu.memory_space<vmem>>
    %dma_wait3A_82 = arith.constant 0 : i32
    %dma_wait3A_83 = arith.constant 0 : i32
    %dma_wait3A_84 = tpu.memref_slice %arg17[%dma_wait3A_82, %dma_wait3A_83] : memref<10240x80xf32, #tpu.memory_space<vmem_shared>> -> memref<10240x80xf32, #tpu.memory_space<vmem_shared>>
    tpu.wait_indirect_dma semaphore(%arg22 : memref<!tpu.dma_semaphore, #tpu.memory_space<semaphore_mem>>) src(%arg14 : memref<80x80xf32, #tpu.memory_space<vmem>>) dst(%dma_wait3A_84 : memref<10240x80xf32, #tpu.memory_space<vmem_shared>>)
    %dma_wait3A_85 = arith.constant 0 : i32
    %dma_wait3A_86 = tpu.memref_slice %arg8[%dma_wait3A_85] : memref<10000xi32, #tpu.memory_space<vmem>> -> memref<80xi32, #tpu.memory_space<vmem>>
    %dma_wait3A_87 = arith.constant 0 : i32
    %dma_wait3A_88 = arith.constant 0 : i32
    %dma_wait3A_89 = tpu.memref_slice %arg2[%dma_wait3A_87, %dma_wait3A_88] : memref<10000x64xf32, #tpu.memory_space<hbm>> -> memref<10000x64xf32, #tpu.memory_space<hbm>>
    tpu.wait_indirect_dma semaphore(%arg18 : memref<!tpu.dma_semaphore, #tpu.memory_space<semaphore_mem>>) src(%dma_wait3A_89 : memref<10000x64xf32, #tpu.memory_space<hbm>>) dst(%arg10 : memref<80x64xf32, #tpu.memory_space<vmem>>)
    %dma_wait3A_90 = arith.constant 0 : i32
    %dma_wait3A_91 = tpu.memref_slice %arg3[%dma_wait3A_90] : memref<40960000xf32, #tpu.memory_space<hbm>> -> memref<10240xf32, #tpu.memory_space<hbm>>
    %dma_wait3A_92 = arith.constant 0 : i32
    %dma_wait3A_93 = tpu.memref_slice %arg3[%dma_wait3A_92] : memref<40960000xf32, #tpu.memory_space<hbm>> -> memref<10240xf32, #tpu.memory_space<hbm>>
    tpu.wait_dma2 semaphore(%arg20 : memref<!tpu.dma_semaphore, #tpu.memory_space<semaphore_mem>>) src(%dma_wait3A_93 : memref<10240xf32, #tpu.memory_space<hbm>>) dst(%arg12 : memref<10240xf32, #tpu.memory_space<vmem>>)
    %parallel_loop3A = arith.constant 0 : i32
    %parallel_loop3A_94 = arith.constant 80 : i32
    %parallel_loop3A_95 = arith.constant 1 : i32
    scf.for %parallel_loop3A_110 = %parallel_loop3A to %parallel_loop3A_94 step %parallel_loop3A_95  : i32 {
      %parallel_loop3A_111 = arith.index_cast %parallel_loop3A_110 : i32 to index
      %parallel_loop3A_112 = arith.constant 0 : index
      %parallel_loop3A_113 = tpu.vector_load %arg10[%parallel_loop3A_111, %parallel_loop3A_112] {strides = array<i32>} : memref<80x64xf32, #tpu.memory_space<vmem>>, vector<1x16xf32>,
      %parallel_loop3A_114 = vector.shape_cast %parallel_loop3A_113 : vector<1x16xf32> to vector<16xf32>
      %parallel_loop3A_115 = arith.constant 2 : i32
      %parallel_loop3A_116 = arith.muli %parallel_loop3A_110, %parallel_loop3A_115 : i32
      %parallel_loop3A_117 = arith.constant 64 : i32
      %parallel_loop3A_118 = arith.muli %parallel_loop3A_116, %parallel_loop3A_117 : i32
      %parallel_loop3A_119 = arith.constant 0 : i32
      %parallel_loop3A_120 = arith.addi %parallel_loop3A_118, %parallel_loop3A_119 : i32
      %parallel_loop3A_121 = arith.index_cast %parallel_loop3A_120 : i32 to index
      %parallel_loop3A_122 = tpu.vector_load %arg12[%parallel_loop3A_121] {strides = array<i32>} : memref<10240xf32, #tpu.memory_space<vmem>>, vector<16xf32>,
      %parallel_loop3A_123 = vector.shape_cast %parallel_loop3A_122 : vector<16xf32> to vector<16xf32>
      %parallel_loop3A_124 = arith.addf %parallel_loop3A_114, %parallel_loop3A_123 : vector<16xf32>
      %parallel_loop3A_125 = arith.constant 0.000000e+00 : f32
      %parallel_loop3A_126 = vector.broadcast %parallel_loop3A_125 : f32 to vector<16xf32>
      %parallel_loop3A_127 = arith.cmpf ogt, %parallel_loop3A_124, %parallel_loop3A_126 : vector<16xf32>
      %parallel_loop3A_128 = math.exp %parallel_loop3A_124 : vector<16xf32>
      %parallel_loop3A_129 = arith.constant 1.000000e+00 : f32
      %parallel_loop3A_130 = vector.broadcast %parallel_loop3A_129 : f32 to vector<16xf32>
      %parallel_loop3A_131 = arith.subf %parallel_loop3A_128, %parallel_loop3A_130 : vector<16xf32>
      %parallel_loop3A_132 = arith.constant 1.67326319 : f32
      %parallel_loop3A_133 = vector.broadcast %parallel_loop3A_132 : f32 to vector<16xf32>
      %parallel_loop3A_134 = arith.mulf %parallel_loop3A_133, %parallel_loop3A_131 : vector<16xf32>
      %parallel_loop3A_135 = arith.select %parallel_loop3A_127, %parallel_loop3A_124, %parallel_loop3A_134 : vector<16xi1>, vector<16xf32>
      %parallel_loop3A_136 = arith.constant 1.05070102 : f32
      %parallel_loop3A_137 = vector.broadcast %parallel_loop3A_136 : f32 to vector<16xf32>
      %parallel_loop3A_138 = arith.mulf %parallel_loop3A_137, %parallel_loop3A_135 : vector<16xf32>
      %parallel_loop3A_139 = arith.index_cast %parallel_loop3A_110 : i32 to index
      %parallel_loop3A_140 = arith.constant 0 : index
      %parallel_loop3A_141 = tpu.vector_load %arg14[%parallel_loop3A_139, %parallel_loop3A_140] {strides = array<i32>} : memref<80x80xf32, #tpu.memory_space<vmem>>, vector<1x16xf32>,
      %parallel_loop3A_142 = vector.shape_cast %parallel_loop3A_141 : vector<1x16xf32> to vector<16xf32>
      %parallel_loop3A_143 = vector.shape_cast %parallel_loop3A_138 : vector<16xf32> to vector<1x16xf32>
      tpu.vector_store %arg14[%parallel_loop3A_139, %parallel_loop3A_140], %parallel_loop3A_143 {strides = array<i32>} : memref<80x80xf32, #tpu.memory_space<vmem>>, vector<1x16xf32>,
      %parallel_loop3A_144 = arith.index_cast %parallel_loop3A_110 : i32 to index
      %parallel_loop3A_145 = arith.constant 16 : index
      %parallel_loop3A_146 = tpu.vector_load %arg10[%parallel_loop3A_144, %parallel_loop3A_145] {strides = array<i32>} : memref<80x64xf32, #tpu.memory_space<vmem>>, vector<1x16xf32>,
      %parallel_loop3A_147 = vector.shape_cast %parallel_loop3A_146 : vector<1x16xf32> to vector<16xf32>
      %parallel_loop3A_148 = arith.constant 2 : i32
      %parallel_loop3A_149 = arith.muli %parallel_loop3A_110, %parallel_loop3A_148 : i32
      %parallel_loop3A_150 = arith.constant 64 : i32
      %parallel_loop3A_151 = arith.muli %parallel_loop3A_149, %parallel_loop3A_150 : i32
      %parallel_loop3A_152 = arith.constant 16 : i32
      %parallel_loop3A_153 = arith.addi %parallel_loop3A_151, %parallel_loop3A_152 : i32
      %parallel_loop3A_154 = arith.index_cast %parallel_loop3A_153 : i32 to index
      %parallel_loop3A_155 = tpu.vector_load %arg12[%parallel_loop3A_154] {strides = array<i32>} : memref<10240xf32, #tpu.memory_space<vmem>>, vector<16xf32>,
      %parallel_loop3A_156 = vector.shape_cast %parallel_loop3A_155 : vector<16xf32> to vector<16xf32>
      %parallel_loop3A_157 = arith.addf %parallel_loop3A_147, %parallel_loop3A_156 : vector<16xf32>
      %parallel_loop3A_158 = arith.constant 0.000000e+00 : f32
      %parallel_loop3A_159 = vector.broadcast %parallel_loop3A_158 : f32 to vector<16xf32>
      %parallel_loop3A_160 = arith.cmpf ogt, %parallel_loop3A_157, %parallel_loop3A_159 : vector<16xf32>
      %parallel_loop3A_161 = math.exp %parallel_loop3A_157 : vector<16xf32>
      %parallel_loop3A_162 = arith.constant 1.000000e+00 : f32
      %parallel_loop3A_163 = vector.broadcast %parallel_loop3A_162 : f32 to vector<16xf32>
      %parallel_loop3A_164 = arith.subf %parallel_loop3A_161, %parallel_loop3A_163 : vector<16xf32>
      %parallel_loop3A_165 = arith.constant 1.67326319 : f32
      %parallel_loop3A_166 = vector.broadcast %parallel_loop3A_165 : f32 to vector<16xf32>
      %parallel_loop3A_167 = arith.mulf %parallel_loop3A_166, %parallel_loop3A_164 : vector<16xf32>
      %parallel_loop3A_168 = arith.select %parallel_loop3A_160, %parallel_loop3A_157, %parallel_loop3A_167 : vector<16xi1>, vector<16xf32>
      %parallel_loop3A_169 = arith.constant 1.05070102 : f32
      %parallel_loop3A_170 = vector.broadcast %parallel_loop3A_169 : f32 to vector<16xf32>
      %parallel_loop3A_171 = arith.mulf %parallel_loop3A_170, %parallel_loop3A_168 : vector<16xf32>
      %parallel_loop3A_172 = arith.index_cast %parallel_loop3A_110 : i32 to index
      %parallel_loop3A_173 = arith.constant 16 : index
      %parallel_loop3A_174 = tpu.vector_load %arg14[%parallel_loop3A_172, %parallel_loop3A_173] {strides = array<i32>} : memref<80x80xf32, #tpu.memory_space<vmem>>, vector<1x16xf32>,
      %parallel_loop3A_175 = vector.shape_cast %parallel_loop3A_174 : vector<1x16xf32> to vector<16xf32>
      %parallel_loop3A_176 = vector.shape_cast %parallel_loop3A_171 : vector<16xf32> to vector<1x16xf32>
      tpu.vector_store %arg14[%parallel_loop3A_172, %parallel_loop3A_173], %parallel_loop3A_176 {strides = array<i32>} : memref<80x80xf32, #tpu.memory_space<vmem>>, vector<1x16xf32>,
      %parallel_loop3A_177 = arith.index_cast %parallel_loop3A_110 : i32 to index
      %parallel_loop3A_178 = arith.constant 32 : index
      %parallel_loop3A_179 = tpu.vector_load %arg10[%parallel_loop3A_177, %parallel_loop3A_178] {strides = array<i32>} : memref<80x64xf32, #tpu.memory_space<vmem>>, vector<1x16xf32>,
      %parallel_loop3A_180 = vector.shape_cast %parallel_loop3A_179 : vector<1x16xf32> to vector<16xf32>
      %parallel_loop3A_181 = arith.constant 2 : i32
      %parallel_loop3A_182 = arith.muli %parallel_loop3A_110, %parallel_loop3A_181 : i32
      %parallel_loop3A_183 = arith.constant 64 : i32
      %parallel_loop3A_184 = arith.muli %parallel_loop3A_182, %parallel_loop3A_183 : i32
      %parallel_loop3A_185 = arith.constant 32 : i32
      %parallel_loop3A_186 = arith.addi %parallel_loop3A_184, %parallel_loop3A_185 : i32
      %parallel_loop3A_187 = arith.index_cast %parallel_loop3A_186 : i32 to index
      %parallel_loop3A_188 = tpu.vector_load %arg12[%parallel_loop3A_187] {strides = array<i32>} : memref<10240xf32, #tpu.memory_space<vmem>>, vector<16xf32>,
      %parallel_loop3A_189 = vector.shape_cast %parallel_loop3A_188 : vector<16xf32> to vector<16xf32>
      %parallel_loop3A_190 = arith.addf %parallel_loop3A_180, %parallel_loop3A_189 : vector<16xf32>
      %parallel_loop3A_191 = arith.constant 0.000000e+00 : f32
      %parallel_loop3A_192 = vector.broadcast %parallel_loop3A_191 : f32 to vector<16xf32>
      %parallel_loop3A_193 = arith.cmpf ogt, %parallel_loop3A_190, %parallel_loop3A_192 : vector<16xf32>
      %parallel_loop3A_194 = math.exp %parallel_loop3A_190 : vector<16xf32>
      %parallel_loop3A_195 = arith.constant 1.000000e+00 : f32
      %parallel_loop3A_196 = vector.broadcast %parallel_loop3A_195 : f32 to vector<16xf32>
      %parallel_loop3A_197 = arith.subf %parallel_loop3A_194, %parallel_loop3A_196 : vector<16xf32>
      %parallel_loop3A_198 = arith.constant 1.67326319 : f32
      %parallel_loop3A_199 = vector.broadcast %parallel_loop3A_198 : f32 to vector<16xf32>
      %parallel_loop3A_200 = arith.mulf %parallel_loop3A_199, %parallel_loop3A_197 : vector<16xf32>
      %parallel_loop3A_201 = arith.select %parallel_loop3A_193, %parallel_loop3A_190, %parallel_loop3A_200 : vector<16xi1>, vector<16xf32>
      %parallel_loop3A_202 = arith.constant 1.05070102 : f32
      %parallel_loop3A_203 = vector.broadcast %parallel_loop3A_202 : f32 to vector<16xf32>
      %parallel_loop3A_204 = arith.mulf %parallel_loop3A_203, %parallel_loop3A_201 : vector<16xf32>
      %parallel_loop3A_205 = arith.index_cast %parallel_loop3A_110 : i32 to index
      %parallel_loop3A_206 = arith.constant 32 : index
      %parallel_loop3A_207 = tpu.vector_load %arg14[%parallel_loop3A_205, %parallel_loop3A_206] {strides = array<i32>} : memref<80x80xf32, #tpu.memory_space<vmem>>, vector<1x16xf32>,
      %parallel_loop3A_208 = vector.shape_cast %parallel_loop3A_207 : vector<1x16xf32> to vector<16xf32>
      %parallel_loop3A_209 = vector.shape_cast %parallel_loop3A_204 : vector<16xf32> to vector<1x16xf32>
      tpu.vector_store %arg14[%parallel_loop3A_205, %parallel_loop3A_206], %parallel_loop3A_209 {strides = array<i32>} : memref<80x80xf32, #tpu.memory_space<vmem>>, vector<1x16xf32>,
      %parallel_loop3A_210 = arith.index_cast %parallel_loop3A_110 : i32 to index
      %parallel_loop3A_211 = arith.constant 48 : index
      %parallel_loop3A_212 = tpu.vector_load %arg10[%parallel_loop3A_210, %parallel_loop3A_211] {strides = array<i32>} : memref<80x64xf32, #tpu.memory_space<vmem>>, vector<1x16xf32>,
      %parallel_loop3A_213 = vector.shape_cast %parallel_loop3A_212 : vector<1x16xf32> to vector<16xf32>
      %parallel_loop3A_214 = arith.constant 2 : i32
      %parallel_loop3A_215 = arith.muli %parallel_loop3A_110, %parallel_loop3A_214 : i32
      %parallel_loop3A_216 = arith.constant 64 : i32
      %parallel_loop3A_217 = arith.muli %parallel_loop3A_215, %parallel_loop3A_216 : i32
      %parallel_loop3A_218 = arith.constant 48 : i32
      %parallel_loop3A_219 = arith.addi %parallel_loop3A_217, %parallel_loop3A_218 : i32
      %parallel_loop3A_220 = arith.index_cast %parallel_loop3A_219 : i32 to index
      %parallel_loop3A_221 = tpu.vector_load %arg12[%parallel_loop3A_220] {strides = array<i32>} : memref<10240xf32, #tpu.memory_space<vmem>>, vector<16xf32>,
      %parallel_loop3A_222 = vector.shape_cast %parallel_loop3A_221 : vector<16xf32> to vector<16xf32>
      %parallel_loop3A_223 = arith.addf %parallel_loop3A_213, %parallel_loop3A_222 : vector<16xf32>
      %parallel_loop3A_224 = arith.constant 0.000000e+00 : f32
      %parallel_loop3A_225 = vector.broadcast %parallel_loop3A_224 : f32 to vector<16xf32>
      %parallel_loop3A_226 = arith.cmpf ogt, %parallel_loop3A_223, %parallel_loop3A_225 : vector<16xf32>
      %parallel_loop3A_227 = math.exp %parallel_loop3A_223 : vector<16xf32>
      %parallel_loop3A_228 = arith.constant 1.000000e+00 : f32
      %parallel_loop3A_229 = vector.broadcast %parallel_loop3A_228 : f32 to vector<16xf32>
      %parallel_loop3A_230 = arith.subf %parallel_loop3A_227, %parallel_loop3A_229 : vector<16xf32>
      %parallel_loop3A_231 = arith.constant 1.67326319 : f32
      %parallel_loop3A_232 = vector.broadcast %parallel_loop3A_231 : f32 to vector<16xf32>
      %parallel_loop3A_233 = arith.mulf %parallel_loop3A_232, %parallel_loop3A_230 : vector<16xf32>
      %parallel_loop3A_234 = arith.select %parallel_loop3A_226, %parallel_loop3A_223, %parallel_loop3A_233 : vector<16xi1>, vector<16xf32>
      %parallel_loop3A_235 = arith.constant 1.05070102 : f32
      %parallel_loop3A_236 = vector.broadcast %parallel_loop3A_235 : f32 to vector<16xf32>
      %parallel_loop3A_237 = arith.mulf %parallel_loop3A_236, %parallel_loop3A_234 : vector<16xf32>
      %parallel_loop3A_238 = arith.index_cast %parallel_loop3A_110 : i32 to index
      %parallel_loop3A_239 = arith.constant 48 : index
      %parallel_loop3A_240 = tpu.vector_load %arg14[%parallel_loop3A_238, %parallel_loop3A_239] {strides = array<i32>} : memref<80x80xf32, #tpu.memory_space<vmem>>, vector<1x16xf32>,
      %parallel_loop3A_241 = vector.shape_cast %parallel_loop3A_240 : vector<1x16xf32> to vector<16xf32>
      %parallel_loop3A_242 = vector.shape_cast %parallel_loop3A_237 : vector<16xf32> to vector<1x16xf32>
      tpu.vector_store %arg14[%parallel_loop3A_238, %parallel_loop3A_239], %parallel_loop3A_242 {strides = array<i32>} : memref<80x80xf32, #tpu.memory_space<vmem>>, vector<1x16xf32>,
    } {sc.loop_unroll_factor = 4 : i64, sc.parallel_access}
    "tpu.region"() ({
      %run_scoped3A = tpu.sem_alloc : memref<!tpu.dma_semaphore, #tpu.memory_space<semaphore_mem>>
      %dma_start3A_110 = arith.constant 9920 : i32
      %dma_start3A_111 = tpu.memref_slice %arg9[%dma_start3A_110] : memref<10000xi32, #tpu.memory_space<vmem>> -> memref<80xi32, #tpu.memory_space<vmem>>
      %dma_start3A_112 = arith.constant 0 : i32
      %dma_start3A_113 = arith.constant 0 : i32
      %dma_start3A_114 = tpu.memref_slice %arg17[%dma_start3A_112, %dma_start3A_113] : memref<10240x80xf32, #tpu.memory_space<vmem_shared>> -> memref<10240x80xf32, #tpu.memory_space<vmem_shared>>
      tpu.enqueue_indirect_dma source(%arg14 : memref<80x80xf32, #tpu.memory_space<vmem>>) target(%dma_start3A_114 : memref<10240x80xf32, #tpu.memory_space<vmem_shared>>) offsets(%dma_start3A_111 : memref<80xi32, #tpu.memory_space<vmem>>) semaphore(%run_scoped3A : memref<!tpu.dma_semaphore, #tpu.memory_space<semaphore_mem>>) {add = true}
      %dma_wait3A_115 = arith.constant 9920 : i32
      %dma_wait3A_116 = tpu.memref_slice %arg9[%dma_wait3A_115] : memref<10000xi32, #tpu.memory_space<vmem>> -> memref<80xi32, #tpu.memory_space<vmem>>
      %dma_wait3A_117 = arith.constant 0 : i32
      %dma_wait3A_118 = arith.constant 0 : i32
      %dma_wait3A_119 = tpu.memref_slice %arg17[%dma_wait3A_117, %dma_wait3A_118] : memref<10240x80xf32, #tpu.memory_space<vmem_shared>> -> memref<10240x80xf32, #tpu.memory_space<vmem_shared>>
      tpu.wait_indirect_dma semaphore(%run_scoped3A : memref<!tpu.dma_semaphore, #tpu.memory_space<semaphore_mem>>) src(%arg14 : memref<80x80xf32, #tpu.memory_space<vmem>>) dst(%dma_wait3A_119 : memref<10240x80xf32, #tpu.memory_space<vmem_shared>>)
      tpu.yield
    }) : () -> ()
    %dma_wait3A_96 = arith.constant 0 : i32
    %dma_wait3A_97 = tpu.memref_slice %arg9[%dma_wait3A_96] : memref<10000xi32, #tpu.memory_space<vmem>> -> memref<80xi32, #tpu.memory_space<vmem>>
    %dma_wait3A_98 = arith.constant 0 : i32
    %dma_wait3A_99 = arith.constant 0 : i32
    %dma_wait3A_100 = tpu.memref_slice %arg17[%dma_wait3A_98, %dma_wait3A_99] : memref<10240x80xf32, #tpu.memory_space<vmem_shared>> -> memref<10240x80xf32, #tpu.memory_space<vmem_shared>>
    tpu.wait_indirect_dma semaphore(%arg23 : memref<!tpu.dma_semaphore, #tpu.memory_space<semaphore_mem>>) src(%arg15 : memref<80x80xf32, #tpu.memory_space<vmem>>) dst(%dma_wait3A_100 : memref<10240x80xf32, #tpu.memory_space<vmem_shared>>)
    %barrier3A_101 = arith.constant 0 : index
    tpu.barrier barrier_id(%barrier3A_101)
    %eq3A_102 = arith.constant 0 : i32
    %eq3A_103 = arith.cmpi eq, %arg0, %eq3A_102 : i32
    %convert_element_type3A = arith.extui %eq3A_103 : i1 to i32
    %cond3A = arith.constant 0 : i32
    %cond3A_104 = arith.cmpi ne, %convert_element_type3A, %cond3A : i32
    scf.if %cond3A_104 {
      %mul3A_110 = arith.constant 640 : i32
      %mul3A_111 = arith.muli %arg1, %mul3A_110 : i32
      %mul3A_112 = arith.constant 640 : i32
      %mul3A_113 = arith.muli %arg1, %mul3A_112 : i32
      "tpu.region"() ({
        %run_scoped3A = tpu.sem_alloc : memref<!tpu.dma_semaphore, #tpu.memory_space<semaphore_mem>>
        %dma_start3A_114 = arith.constant 0 : i32
        %dma_start3A_115 = tpu.memref_slice %arg6[%mul3A_113, %dma_start3A_114] : memref<10240x128xf32, #tpu.memory_space<hbm>> -> memref<640x80xf32, #tpu.memory_space<hbm>>
        %dma_start3A_116 = arith.constant 0 : i32
        %dma_start3A_117 = tpu.memref_slice %arg17[%mul3A_111, %dma_start3A_116] : memref<10240x80xf32, #tpu.memory_space<vmem_shared>> -> memref<640x80xf32, #tpu.memory_space<vmem_shared>>
        tpu.enqueue_dma source(%dma_start3A_117 : memref<640x80xf32, #tpu.memory_space<vmem_shared>>) target(%dma_start3A_115 : memref<640x80xf32, #tpu.memory_space<hbm>>) target_semaphore(%run_scoped3A : memref<!tpu.dma_semaphore, #tpu.memory_space<semaphore_mem>>)
        %dma_wait3A_118 = arith.constant 0 : i32
        %dma_wait3A_119 = tpu.memref_slice %arg6[%mul3A_113, %dma_wait3A_118] : memref<10240x128xf32, #tpu.memory_space<hbm>> -> memref<640x80xf32, #tpu.memory_space<hbm>>
        %dma_wait3A_120 = arith.constant 0 : i32
        %dma_wait3A_121 = tpu.memref_slice %arg17[%mul3A_111, %dma_wait3A_120] : memref<10240x80xf32, #tpu.memory_space<vmem_shared>> -> memref<640x80xf32, #tpu.memory_space<vmem_shared>>
        tpu.wait_dma2 semaphore(%run_scoped3A : memref<!tpu.dma_semaphore, #tpu.memory_space<semaphore_mem>>) src(%dma_wait3A_121 : memref<640x80xf32, #tpu.memory_space<vmem_shared>>) dst(%dma_wait3A_119 : memref<640x80xf32, #tpu.memory_space<hbm>>)
        tpu.yield
      }) : () -> ()
    } else {
    }
    %eq3A_105 = arith.constant 1 : i32
    %eq3A_106 = arith.cmpi eq, %arg0, %eq3A_105 : i32
    %convert_element_type3A_107 = arith.extui %eq3A_106 : i1 to i32
    %cond3A_108 = arith.constant 0 : i32
    %cond3A_109 = arith.cmpi ne, %convert_element_type3A_107, %cond3A_108 : i32
    scf.if %cond3A_109 {
      %mul3A_110 = arith.constant 640 : i32
      %mul3A_111 = arith.muli %arg1, %mul3A_110 : i32
      %mul3A_112 = arith.constant 640 : i32
      %mul3A_113 = arith.muli %arg1, %mul3A_112 : i32
      "tpu.region"() ({
        %run_scoped3A = tpu.sem_alloc : memref<!tpu.dma_semaphore, #tpu.memory_space<semaphore_mem>>
        %dma_start3A_114 = arith.constant 0 : i32
        %dma_start3A_115 = tpu.memref_slice %arg7[%mul3A_113, %dma_start3A_114] : memref<10240x128xf32, #tpu.memory_space<hbm>> -> memref<640x80xf32, #tpu.memory_space<hbm>>
        %dma_start3A_116 = arith.constant 0 : i32
        %dma_start3A_117 = tpu.memref_slice %arg17[%mul3A_111, %dma_start3A_116] : memref<10240x80xf32, #tpu.memory_space<vmem_shared>> -> memref<640x80xf32, #tpu.memory_space<vmem_shared>>
        tpu.enqueue_dma source(%dma_start3A_117 : memref<640x80xf32, #tpu.memory_space<vmem_shared>>) target(%dma_start3A_115 : memref<640x80xf32, #tpu.memory_space<hbm>>) target_semaphore(%run_scoped3A : memref<!tpu.dma_semaphore, #tpu.memory_space<semaphore_mem>>)
        %dma_wait3A_118 = arith.constant 0 : i32
        %dma_wait3A_119 = tpu.memref_slice %arg7[%mul3A_113, %dma_wait3A_118] : memref<10240x128xf32, #tpu.memory_space<hbm>> -> memref<640x80xf32, #tpu.memory_space<hbm>>
        %dma_wait3A_120 = arith.constant 0 : i32
        %dma_wait3A_121 = tpu.memref_slice %arg17[%mul3A_111, %dma_wait3A_120] : memref<10240x80xf32, #tpu.memory_space<vmem_shared>> -> memref<640x80xf32, #tpu.memory_space<vmem_shared>>
        tpu.wait_dma2 semaphore(%run_scoped3A : memref<!tpu.dma_semaphore, #tpu.memory_space<semaphore_mem>>) src(%dma_wait3A_121 : memref<640x80xf32, #tpu.memory_space<vmem_shared>>) dst(%dma_wait3A_119 : memref<640x80xf32, #tpu.memory_space<hbm>>)
        tpu.yield
      }) : () -> ()
    } else {
    }
    return
  }
}

module attributes {stable_mosaic.version = 14 : i64} {
  func.func @_e1_body(%arg0: i32, %arg1: memref<16x6400xf32, #tpu.memory_space<vmem>>, %arg2: memref<16x64xf32, #tpu.memory_space<vmem>>, %arg3: memref<1x64xf32, #tpu.memory_space<vmem>>, %arg4: memref<800x8x128xf32, #tpu.memory_space<vmem>>) attributes {dimension_semantics = [#tpu.dimension_semantics<arbitrary>], iteration_bounds = array<i64: 50>, scalar_prefetch = 0 : i64, scratch_operands = 0 : i64, tpu.core_type = #tpu.core_type<tc>, window_params = [{transform_indices = @transform_0, window_bounds = array<i64: 16, 6400>}, {pipeline_mode = #tpu.pipeline_mode<synchronous>, transform_indices = @transform_1, window_bounds = array<i64: 16, 64>}, {pipeline_mode = #tpu.pipeline_mode<synchronous>, transform_indices = @transform_2, window_bounds = array<i64: 1, 64>}, {transform_indices = @transform_3, window_bounds = array<i64: 800, 8, 128>}]} {
    %get3A = arith.constant 0 : index
    %get3A_0 = arith.constant 0 : index
    %get3A_1 = vector.load %arg1[%get3A, %get3A_0] : memref<16x6400xf32, #tpu.memory_space<vmem>>, vector<16x6400xf32>
    %get3A_2 = arith.constant 0 : index
    %get3A_3 = arith.constant 0 : index
    %get3A_4 = vector.load %arg2[%get3A_2, %get3A_3] : memref<16x64xf32, #tpu.memory_space<vmem>>, vector<16x64xf32>
    %dot_general3A = arith.constant dense<0.000000e+00> : vector<6400x64xf32>
    %dot_general3A_5 = tpu.matmul %get3A_1, %get3A_4, %dot_general3A {dimension_numbers = #tpu.dot_dimension_numbers<[0], [0], [1], [1], [0, 1, 1, 1], [], []>, transpose_lhs_hint = false} : vector<16x6400xf32>, vector<16x64xf32>, vector<6400x64xf32> -> vector<6400x64xf32>
    %get3A_6 = arith.constant 0 : index
    %get3A_7 = arith.constant 0 : index
    %get3A_8 = vector.load %arg3[%get3A_6, %get3A_7] : memref<1x64xf32, #tpu.memory_space<vmem>>, vector<1x64xf32>
    %add3A = vector.broadcast %get3A_8 : vector<1x64xf32> to vector<6400x64xf32>
    %add3A_9 = arith.addf %dot_general3A_5, %add3A : vector<6400x64xf32>
    %broadcast_in_dim3A = arith.constant 0.000000e+00 : f32
    %broadcast_in_dim3A_10 = vector.broadcast %broadcast_in_dim3A : f32 to vector<6400x64xf32>
    %concatenate3A = tpu.concatenate %add3A_9, %broadcast_in_dim3A_10 in 1 : vector<6400x64xf32>, vector<6400x64xf32> -> vector<6400x128xf32>
    %reshape3A = vector.shape_cast %concatenate3A : vector<6400x128xf32> to vector<800x8x128xf32>
    %swap3A = arith.constant 0 : index
    %swap3A_11 = arith.constant 0 : index
    %swap3A_12 = arith.constant 0 : index
    %swap3A_13 = vector.load %arg4[%swap3A, %swap3A_11, %swap3A_12] : memref<800x8x128xf32, #tpu.memory_space<vmem>>, vector<800x8x128xf32>
    tpu.vector_store %arg4[%swap3A, %swap3A_11, %swap3A_12], %reshape3A {strides = array<i32>} : memref<800x8x128xf32, #tpu.memory_space<vmem>>, vector<800x8x128xf32>,
    return
  }
  func.func @transform_0(%arg0: i32) -> (i32, i32) {
    %c0_i32 = arith.constant 0 : i32
    %c0_i32_0 = arith.constant 0 : i32
    return %c0_i32, %arg0 : i32, i32
  }
  func.func @transform_1(%arg0: i32) -> (i32, i32) {
    %c0_i32 = arith.constant 0 : i32
    %c0_i32_0 = arith.constant 0 : i32
    %c0_i32_1 = arith.constant 0 : i32
    return %c0_i32, %c0_i32_0 : i32, i32
  }
  func.func @transform_2(%arg0: i32) -> (i32, i32) {
    %c0_i32 = arith.constant 0 : i32
    %c0_i32_0 = arith.constant 0 : i32
    %c0_i32_1 = arith.constant 0 : i32
    return %c0_i32, %c0_i32_0 : i32, i32
  }
  func.func @transform_3(%arg0: i32) -> (i32, i32, i32) {
    %c0_i32 = arith.constant 0 : i32
    %c0_i32_0 = arith.constant 0 : i32
    %c0_i32_1 = arith.constant 0 : i32
    return %arg0, %c0_i32, %c0_i32_0 : i32, i32, i32
  }
}

module attributes {stable_mosaic.version = 14 : i64} {
  func.func @_x1_body(%arg0: i32, %arg1: memref<2000x128xf32, #tpu.memory_space<vmem>>, %arg2: memref<128x64xf32, #tpu.memory_space<vmem>>, %arg3: memref<2000x64xf32, #tpu.memory_space<vmem>>) attributes {dimension_semantics = [#tpu.dimension_semantics<arbitrary>], iteration_bounds = array<i64: 5>, scalar_prefetch = 0 : i64, scratch_operands = 0 : i64, tpu.core_type = #tpu.core_type<tc>, window_params = [{transform_indices = @transform_0, window_bounds = array<i64: 2000, 128>}, {pipeline_mode = #tpu.pipeline_mode<synchronous>, transform_indices = @transform_1, window_bounds = array<i64: 128, 64>}, {transform_indices = @transform_2, window_bounds = array<i64: 2000, 64>}]} {
    %get3A = arith.constant 0 : index
    %get3A_0 = arith.constant 0 : index
    %get3A_1 = vector.load %arg1[%get3A, %get3A_0] : memref<2000x128xf32, #tpu.memory_space<vmem>>, vector<2000x128xf32>
    %get3A_2 = arith.constant 0 : index
    %get3A_3 = arith.constant 0 : index
    %get3A_4 = vector.load %arg2[%get3A_2, %get3A_3] : memref<128x64xf32, #tpu.memory_space<vmem>>, vector<128x64xf32>
    %dot_general3A = arith.constant dense<0.000000e+00> : vector<2000x64xf32>
    %dot_general3A_5 = tpu.matmul %get3A_1, %get3A_4, %dot_general3A {dimension_numbers = #tpu.dot_dimension_numbers<[1], [0], [0], [1], [0, 0, 1, 1], [], []>, transpose_lhs_hint = false} : vector<2000x128xf32>, vector<128x64xf32>, vector<2000x64xf32> -> vector<2000x64xf32>
    %swap3A = arith.constant 0 : index
    %swap3A_6 = arith.constant 0 : index
    %swap3A_7 = vector.load %arg3[%swap3A, %swap3A_6] : memref<2000x64xf32, #tpu.memory_space<vmem>>, vector<2000x64xf32>
    tpu.vector_store %arg3[%swap3A, %swap3A_6], %dot_general3A_5 {strides = array<i32>} : memref<2000x64xf32, #tpu.memory_space<vmem>>, vector<2000x64xf32>,
    return
  }
  func.func @transform_0(%arg0: i32) -> (i32, i32) {
    %c0_i32 = arith.constant 0 : i32
    %c0_i32_0 = arith.constant 0 : i32
    return %arg0, %c0_i32 : i32, i32
  }
  func.func @transform_1(%arg0: i32) -> (i32, i32) {
    %c0_i32 = arith.constant 0 : i32
    %c0_i32_0 = arith.constant 0 : i32
    %c0_i32_1 = arith.constant 0 : i32
    return %c0_i32, %c0_i32_0 : i32, i32
  }
  func.func @transform_2(%arg0: i32) -> (i32, i32) {
    %c0_i32 = arith.constant 0 : i32
    %c0_i32_0 = arith.constant 0 : i32
    return %arg0, %c0_i32 : i32, i32
  }
}

module attributes {stable_mosaic.version = 14 : i64} {
  func.func @_node_body(%arg0: i32, %arg1: memref<2000x128xf32, #tpu.memory_space<vmem>>, %arg2: memref<2000x128xf32, #tpu.memory_space<vmem>>, %arg3: memref<2000x128xf32, #tpu.memory_space<vmem>>, %arg4: memref<1x1x2000xi32, #tpu.memory_space<vmem>>, %arg5: memref<16x32xf32, #tpu.memory_space<vmem>>, %arg6: memref<64x64xf32, #tpu.memory_space<vmem>>, %arg7: memref<1x64xf32, #tpu.memory_space<vmem>>, %arg8: memref<224x64xf32, #tpu.memory_space<vmem>>, %arg9: memref<1x64xf32, #tpu.memory_space<vmem>>, %arg10: memref<64x128xf32, #tpu.memory_space<vmem>>, %arg11: memref<1x128xf32, #tpu.memory_space<vmem>>, %arg12: memref<2000x128xf32, #tpu.memory_space<vmem>>) attributes {dimension_semantics = [#tpu.dimension_semantics<arbitrary>], iteration_bounds = array<i64: 5>, scalar_prefetch = 0 : i64, scratch_operands = 0 : i64, tpu.core_type = #tpu.core_type<tc>, window_params = [{transform_indices = @transform_0, window_bounds = array<i64: 2000, 128>}, {transform_indices = @transform_1, window_bounds = array<i64: 2000, 128>}, {transform_indices = @transform_2, window_bounds = array<i64: 2000, 128>}, {transform_indices = @transform_3, window_bounds = array<i64: 1, 1, 2000>}, {pipeline_mode = #tpu.pipeline_mode<synchronous>, transform_indices = @transform_4, window_bounds = array<i64: 16, 32>}, {pipeline_mode = #tpu.pipeline_mode<synchronous>, transform_indices = @transform_5, window_bounds = array<i64: 64, 64>}, {pipeline_mode = #tpu.pipeline_mode<synchronous>, transform_indices = @transform_6, window_bounds = array<i64: 1, 64>}, {pipeline_mode = #tpu.pipeline_mode<synchronous>, transform_indices = @transform_7, window_bounds = array<i64: 224, 64>}, {pipeline_mode = #tpu.pipeline_mode<synchronous>, transform_indices = @transform_8, window_bounds = array<i64: 1, 64>}, {pipeline_mode = #tpu.pipeline_mode<synchronous>, transform_indices = @transform_9, window_bounds = array<i64: 64, 128>}, {pipeline_mode = #tpu.pipeline_mode<synchronous>, transform_indices = @transform_10, window_bounds = array<i64: 1, 128>}, {transform_indices = @transform_11, window_bounds = array<i64: 2000, 128>}]} {
    %get3A = arith.constant 0 : index
    %get3A_0 = arith.constant 0 : index
    %get3A_1 = vector.load %arg2[%get3A, %get3A_0] : memref<2000x128xf32, #tpu.memory_space<vmem>>, vector<2000x64xf32>
    %get3A_2 = arith.constant 0 : index
    %get3A_3 = arith.constant 0 : index
    %get3A_4 = vector.load %arg3[%get3A_2, %get3A_3] : memref<2000x128xf32, #tpu.memory_space<vmem>>, vector<2000x64xf32>
    %add3A = arith.addf %get3A_1, %get3A_4 : vector<2000x64xf32>
    %get3A_5 = arith.constant 0 : index
    %get3A_6 = arith.constant 64 : index
    %get3A_7 = vector.load %arg2[%get3A_5, %get3A_6] : memref<2000x128xf32, #tpu.memory_space<vmem>>, vector<2000x1xf32>
    %get3A_8 = arith.constant 0 : index
    %get3A_9 = arith.constant 64 : index
    %get3A_10 = vector.load %arg3[%get3A_8, %get3A_9] : memref<2000x128xf32, #tpu.memory_space<vmem>>, vector<2000x1xf32>
    %add3A_11 = arith.addf %get3A_7, %get3A_10 : vector<2000x1xf32>
    %get3A_12 = arith.constant 0 : index
    %get3A_13 = arith.constant 0 : index
    %get3A_14 = vector.load %arg6[%get3A_12, %get3A_13] : memref<64x64xf32, #tpu.memory_space<vmem>>, vector<64x64xf32>
    %dot_general3A = arith.constant dense<0.000000e+00> : vector<2000x64xf32>
    %dot_general3A_15 = tpu.matmul %add3A, %get3A_14, %dot_general3A {dimension_numbers = #tpu.dot_dimension_numbers<[1], [0], [0], [1], [0, 0, 1, 1], [], []>, transpose_lhs_hint = false} : vector<2000x64xf32>, vector<64x64xf32>, vector<2000x64xf32> -> vector<2000x64xf32>
    %get3A_16 = arith.constant 0 : index
    %get3A_17 = arith.constant 0 : index
    %get3A_18 = vector.load %arg7[%get3A_16, %get3A_17] : memref<1x64xf32, #tpu.memory_space<vmem>>, vector<1x64xf32>
    %mul3A = vector.broadcast %add3A_11 : vector<2000x1xf32> to vector<2000x64xf32>
    %mul3A_19 = vector.broadcast %get3A_18 : vector<1x64xf32> to vector<2000x64xf32>
    %mul3A_20 = arith.mulf %mul3A, %mul3A_19 : vector<2000x64xf32>
    %add3A_21 = arith.addf %dot_general3A_15, %mul3A_20 : vector<2000x64xf32>
    %max3A = arith.constant 1.000000e+00 : f32
    %max3A_22 = vector.broadcast %max3A : f32 to vector<2000x1xf32>
    %max3A_23 = arith.maximumf %add3A_11, %max3A_22 : vector<2000x1xf32>
    %div3A = vector.broadcast %max3A_23 : vector<2000x1xf32> to vector<2000x64xf32>
    %div3A_24 = arith.divf %add3A_21, %div3A : vector<2000x64xf32>
    %get3A_25 = arith.constant 0 : index
    %get3A_26 = arith.constant 0 : index
    %get3A_27 = arith.constant 0 : index
    %get3A_28 = vector.load %arg4[%get3A_25, %get3A_26, %get3A_27] : memref<1x1x2000xi32, #tpu.memory_space<vmem>>, vector<1x1x2000xi32>
    %get3A_29 = vector.shape_cast %get3A_28 : vector<1x1x2000xi32> to vector<2000xi32>
    %reshape3A = vector.shape_cast %get3A_29 : vector<2000xi32> to vector<2000x1xi32>
    %iota3A = tpu.iota {dimensions = array<i32: 1>} : vector<2000x16xi32>
    %eq3A = vector.broadcast %reshape3A : vector<2000x1xi32> to vector<2000x16xi32>
    %eq3A_30 = arith.cmpi eq, %eq3A, %iota3A : vector<2000x16xi32>
    %convert_element_type3A = arith.extui %eq3A_30 : vector<2000x16xi1> to vector<2000x16xi32>
    %convert_element_type3A_31 = arith.sitofp %convert_element_type3A : vector<2000x16xi32> to vector<2000x16xf32>
    %get3A_32 = arith.constant 0 : index
    %get3A_33 = arith.constant 0 : index
    %get3A_34 = vector.load %arg5[%get3A_32, %get3A_33] : memref<16x32xf32, #tpu.memory_space<vmem>>, vector<16x32xf32>
    %get3A_35 = arith.constant 192 : index
    %get3A_36 = arith.constant 0 : index
    %get3A_37 = vector.load %arg8[%get3A_35, %get3A_36] : memref<224x64xf32, #tpu.memory_space<vmem>>, vector<32x64xf32>
    %dot_general3A_38 = arith.constant dense<0.000000e+00> : vector<16x64xf32>
    %dot_general3A_39 = tpu.matmul %get3A_34, %get3A_37, %dot_general3A_38 {dimension_numbers = #tpu.dot_dimension_numbers<[1], [0], [0], [1], [0, 0, 1, 1], [], []>, transpose_lhs_hint = false} : vector<16x32xf32>, vector<32x64xf32>, vector<16x64xf32> -> vector<16x64xf32>
    %get3A_40 = arith.constant 0 : index
    %get3A_41 = arith.constant 0 : index
    %get3A_42 = vector.load %arg1[%get3A_40, %get3A_41] : memref<2000x128xf32, #tpu.memory_space<vmem>>, vector<2000x128xf32>
    %get3A_43 = arith.constant 0 : index
    %get3A_44 = arith.constant 0 : index
    %get3A_45 = vector.load %arg8[%get3A_43, %get3A_44] : memref<224x64xf32, #tpu.memory_space<vmem>>, vector<128x64xf32>
    %dot_general3A_46 = arith.constant dense<0.000000e+00> : vector<2000x64xf32>
    %dot_general3A_47 = tpu.matmul %get3A_42, %get3A_45, %dot_general3A_46 {dimension_numbers = #tpu.dot_dimension_numbers<[1], [0], [0], [1], [0, 0, 1, 1], [], []>, transpose_lhs_hint = false} : vector<2000x128xf32>, vector<128x64xf32>, vector<2000x64xf32> -> vector<2000x64xf32>
    %get3A_48 = arith.constant 128 : index
    %get3A_49 = arith.constant 0 : index
    %get3A_50 = vector.load %arg8[%get3A_48, %get3A_49] : memref<224x64xf32, #tpu.memory_space<vmem>>, vector<64x64xf32>
    %dot_general3A_51 = arith.constant dense<0.000000e+00> : vector<2000x64xf32>
    %dot_general3A_52 = tpu.matmul %div3A_24, %get3A_50, %dot_general3A_51 {dimension_numbers = #tpu.dot_dimension_numbers<[1], [0], [0], [1], [0, 0, 1, 1], [], []>, transpose_lhs_hint = false} : vector<2000x64xf32>, vector<64x64xf32>, vector<2000x64xf32> -> vector<2000x64xf32>
    %add3A_53 = arith.addf %dot_general3A_47, %dot_general3A_52 : vector<2000x64xf32>
    %dot_general3A_54 = arith.constant dense<0.000000e+00> : vector<2000x64xf32>
    %dot_general3A_55 = tpu.matmul %convert_element_type3A_31, %dot_general3A_39, %dot_general3A_54 {dimension_numbers = #tpu.dot_dimension_numbers<[1], [0], [0], [1], [0, 0, 1, 1], [], []>, transpose_lhs_hint = false} : vector<2000x16xf32>, vector<16x64xf32>, vector<2000x64xf32> -> vector<2000x64xf32>
    %add3A_56 = arith.addf %add3A_53, %dot_general3A_55 : vector<2000x64xf32>
    %get3A_57 = arith.constant 0 : index
    %get3A_58 = arith.constant 0 : index
    %get3A_59 = vector.load %arg9[%get3A_57, %get3A_58] : memref<1x64xf32, #tpu.memory_space<vmem>>, vector<1x64xf32>
    %add3A_60 = vector.broadcast %get3A_59 : vector<1x64xf32> to vector<2000x64xf32>
    %add3A_61 = arith.addf %add3A_56, %add3A_60 : vector<2000x64xf32>
    %gt3A = arith.constant 0.000000e+00 : f32
    %gt3A_62 = vector.broadcast %gt3A : f32 to vector<2000x64xf32>
    %gt3A_63 = arith.cmpf ogt, %add3A_61, %gt3A_62 : vector<2000x64xf32>
    %exp3A = math.exp %add3A_61 : vector<2000x64xf32>
    %sub3A = arith.constant 1.000000e+00 : f32
    %sub3A_64 = vector.broadcast %sub3A : f32 to vector<2000x64xf32>
    %sub3A_65 = arith.subf %exp3A, %sub3A_64 : vector<2000x64xf32>
    %mul3A_66 = arith.constant 1.67326319 : f32
    %mul3A_67 = vector.broadcast %mul3A_66 : f32 to vector<2000x64xf32>
    %mul3A_68 = arith.mulf %mul3A_67, %sub3A_65 : vector<2000x64xf32>
    %select_n3A = arith.select %gt3A_63, %add3A_61, %mul3A_68 : vector<2000x64xi1>, vector<2000x64xf32>
    %mul3A_69 = arith.constant 1.05070102 : f32
    %mul3A_70 = vector.broadcast %mul3A_69 : f32 to vector<2000x64xf32>
    %mul3A_71 = arith.mulf %mul3A_70, %select_n3A : vector<2000x64xf32>
    %get3A_72 = arith.constant 0 : index
    %get3A_73 = arith.constant 0 : index
    %get3A_74 = vector.load %arg10[%get3A_72, %get3A_73] : memref<64x128xf32, #tpu.memory_space<vmem>>, vector<64x128xf32>
    %dot_general3A_75 = arith.constant dense<0.000000e+00> : vector<2000x128xf32>
    %dot_general3A_76 = tpu.matmul %mul3A_71, %get3A_74, %dot_general3A_75 {dimension_numbers = #tpu.dot_dimension_numbers<[1], [0], [0], [1], [0, 0, 1, 1], [], []>, transpose_lhs_hint = false} : vector<2000x64xf32>, vector<64x128xf32>, vector<2000x128xf32> -> vector<2000x128xf32>
    %get3A_77 = arith.constant 0 : index
    %get3A_78 = arith.constant 0 : index
    %get3A_79 = vector.load %arg11[%get3A_77, %get3A_78] : memref<1x128xf32, #tpu.memory_space<vmem>>, vector<1x128xf32>
    %add3A_80 = vector.broadcast %get3A_79 : vector<1x128xf32> to vector<2000x128xf32>
    %add3A_81 = arith.addf %dot_general3A_76, %add3A_80 : vector<2000x128xf32>
    %swap3A = arith.constant 0 : index
    %swap3A_82 = arith.constant 0 : index
    %swap3A_83 = vector.load %arg12[%swap3A, %swap3A_82] : memref<2000x128xf32, #tpu.memory_space<vmem>>, vector<2000x128xf32>
    tpu.vector_store %arg12[%swap3A, %swap3A_82], %add3A_81 {strides = array<i32>} : memref<2000x128xf32, #tpu.memory_space<vmem>>, vector<2000x128xf32>,
    return
  }
  func.func @transform_0(%arg0: i32) -> (i32, i32) {
    %c0_i32 = arith.constant 0 : i32
    %c0_i32_0 = arith.constant 0 : i32
    return %arg0, %c0_i32 : i32, i32
  }
  func.func @transform_1(%arg0: i32) -> (i32, i32) {
    %c0_i32 = arith.constant 0 : i32
    %c0_i32_0 = arith.constant 0 : i32
    return %arg0, %c0_i32 : i32, i32
  }
  func.func @transform_2(%arg0: i32) -> (i32, i32) {
    %c0_i32 = arith.constant 0 : i32
    %c0_i32_0 = arith.constant 0 : i32
    return %arg0, %c0_i32 : i32, i32
  }
  func.func @transform_3(%arg0: i32) -> (i32, i32, i32) {
    %c0_i32 = arith.constant 0 : i32
    %c0_i32_0 = arith.constant 0 : i32
    %c0_i32_1 = arith.constant 0 : i32
    return %arg0, %c0_i32, %c0_i32_0 : i32, i32, i32
  }
  func.func @transform_4(%arg0: i32) -> (i32, i32) {
    %c0_i32 = arith.constant 0 : i32
    %c0_i32_0 = arith.constant 0 : i32
    %c0_i32_1 = arith.constant 0 : i32
    return %c0_i32, %c0_i32_0 : i32, i32
  }
  func.func @transform_5(%arg0: i32) -> (i32, i32) {
    %c0_i32 = arith.constant 0 : i32
    %c0_i32_0 = arith.constant 0 : i32
    %c0_i32_1 = arith.constant 0 : i32
    return %c0_i32, %c0_i32_0 : i32, i32
  }
  func.func @transform_6(%arg0: i32) -> (i32, i32) {
    %c0_i32 = arith.constant 0 : i32
    %c0_i32_0 = arith.constant 0 : i32
    %c0_i32_1 = arith.constant 0 : i32
    return %c0_i32, %c0_i32_0 : i32, i32
  }
  func.func @transform_7(%arg0: i32) -> (i32, i32) {
    %c0_i32 = arith.constant 0 : i32
    %c0_i32_0 = arith.constant 0 : i32
    %c0_i32_1 = arith.constant 0 : i32
    return %c0_i32, %c0_i32_0 : i32, i32
  }
  func.func @transform_8(%arg0: i32) -> (i32, i32) {
    %c0_i32 = arith.constant 0 : i32
    %c0_i32_0 = arith.constant 0 : i32
    %c0_i32_1 = arith.constant 0 : i32
    return %c0_i32, %c0_i32_0 : i32, i32
  }
  func.func @transform_9(%arg0: i32) -> (i32, i32) {
    %c0_i32 = arith.constant 0 : i32
    %c0_i32_0 = arith.constant 0 : i32
    %c0_i32_1 = arith.constant 0 : i32
    return %c0_i32, %c0_i32_0 : i32, i32
  }
  func.func @transform_10(%arg0: i32) -> (i32, i32) {
    %c0_i32 = arith.constant 0 : i32
    %c0_i32_0 = arith.constant 0 : i32
    %c0_i32_1 = arith.constant 0 : i32
    return %c0_i32, %c0_i32_0 : i32, i32
  }
  func.func @transform_11(%arg0: i32) -> (i32, i32) {
    %c0_i32 = arith.constant 0 : i32
    %c0_i32_0 = arith.constant 0 : i32
    return %arg0, %c0_i32 : i32, i32
  }
}

</mosaic_0001>

<sc_bundles>
// kernel: kernel.6.cloned.1.call-start
scs
__scs_entry_jumppad:
0x0: {  	(pc) =	sbr.rel $0x88, $3  }
0x1: {  	(tag) =	ssettag $0x0;
	lr =	simm.s32 $0x1  }
0x2: {  	[smem:$0x3F94] =	sst lr;
	_ =	strace $0xD0000000  }
0x3: {  	_ = 	snop  }
0x4: {  	_ = 	snop  }
0x5: {  	_ = 	snop  }
0x6: {  	_ = 	snop  }
0x7: {  	_ = 	snop  }
__scs_overlays_trampoline_lowered:
0x8: {  	[smem:$0x3FA3] =	sst s0  }
0x9: {  	[smem:$0x3FA4] =	sst s1  }
0xa: {  	[smem:$0x3FA5] =	sst s2  }
0xb: {  	[smem:$0x3FA6] =	sst s3  }
0xc: {  	[smem:$0x3FA7] =	sst s4  }
0xd: {  	[smem:$0x3FA8] =	sst s5  }
0xe: {  	[smem:$0x3FA9] =	sst s6  }
0xf: {  	[smem:$0x3FAA] =	sst s7  }
0x10: {  	[smem:$0x3FAB] =	sst s8  }
0x11: {  	[smem:$0x3FAC] =	sst s9;
	s0 =	simm.s32 @!p0 $0x0  }
0x12: {  	s1 =	sld [smem:$0x3F92];
	s0 =	simm.s32 @p0 $0x1  }
0x13: {  	[smem:$0x3FAD] =	sst s0;
	s0 =	simm.s32 @!p1 $0x0  }
0x14: {  	s2 =	sld [smem:$0x3F91];
	s0 =	simm.s32 @p1 $0x1  }
0x15: {  	[smem:$0x3FAE] =	sst s0;
	s0 =	simm.s32 @!p2 $0x0  }
0x16: {  	s3 =	sld [smem:$0x3FDB];
	s0 =	simm.s32 @p2 $0x1  }
0x17: {  	s4 =	simm.s32 $0x1BF5;
	[smem:$0x3FB0] =	sst s0  }
0x18: {  	s0 =	sld [smem:$0x3F93];
	_ =	swait.ge [sflag:s4], $0x0  }
0x19: {  	s7 =	sld [smem:$0x3F94]  }
0x1a: {  	s8 =	sadd.s32 $0xFFFFE003, lr  }
0x1b: {  	s9 =	sadd.s32 $0xFFFFFEF7, lr;
	s5 =	simm.s32 $0xFFFFFFFF;
	p2 =	slt.u32 s8, $0xFFFFF086  }
0x1c: {  	p1 =	slt.u32 s9, $0xF7A;
	s5 =	simm.s32 @!p2 $0x0  }
0x1d: {  	s5 =	simm.s32 @p1 $0x1;
	p0 =	seq.s32 s7, s2  }
0x1e: {  	s7 =	smul.u32 @!p0 $0xF7A, s2;
	p2 =	seq.s32 @!p0 s5, $0x0  }
0x1f: {  	s9 =	smul.u32 $0xF7A, s1;
	s8 =	simm.s32 @!p0 $0x1BF5;
	p2 =	por !p2, p0  }
0x20: {  	[sflag:s8] =	ssyncset.s32 @!p0 $0xFFFFF086;
	s6 =	sadd.s32 @!p0 s3, s7;
	s7 =	simm.s32 @!p0 $0x108  }
0x21: {  	s3 =	sadd.s32 s3, s9;
	s6 =	sadd.s32 @!p0 $0x88, s6;
	s7 =	simm.s32 @p2 $0x1082  }
0x22: {  	[simem:s7], [sflag:s8] =	dma.local @!p0 [hbm:s6], $0xF7A  }
0x23: {  	s9 =	sor.u32 $0xD0000000, s2;
	s6 =	simm.s32 $0x108;
	_ =	swait.ge @!p0 [sflag:s8], $0x0  }
0x24: {  	s3 =	sadd.s32 $0x88, s3;
	s6 =	simm.s32 @!p1 $0x1082;
	[sflag:s4] =	ssyncset.s32 $0xFFFFF086  }
0x25: {  	[simem:s6], [sflag:s4] =	dma.local [hbm:s3], $0xF7A  }
0x26: {  	[smem:$0x3F94] =	sst s1;
	(tag) =	ssettag s2;
	_ =	strace s9  }
0x27: {  	s1 =	sld [smem:$0x3FA4]  }
0x28: {  	s2 =	sld [smem:$0x3FA5]  }
0x29: {  	s4 =	sld [smem:$0x3FA7]  }
0x2a: {  	p0 =	seq.s32 s5, $0x0;
	s5 =	sld [smem:$0x3FA8]  }
0x2b: {  	s6 =	sld [smem:$0x3FA9]  }
0x2c: {  	s7 =	sld [smem:$0x3FAA]  }
0x2d: {  	s3 =	simm.s32 $0x108;
	s8 =	sld [smem:$0x3FAB]  }
0x2e: {  	s3 =	simm.s32 @!p0 $0x1082;
	s9 =	sld [smem:$0x3FAC]  }
0x2f: {  	lr =	sadd.s32 s0, s3;
	s0 =	sld [smem:$0x3FA3]  }
0x30: {  	s3 =	sld [smem:$0x3FA6]  }
0x31: {  	[smem:$0x3FAF] =	sst s10  }
0x32: {  	s10 =	sld [smem:$0x3FAD];
	_ =	sdelay $0x3  }
0x33: {  	p0 =	seq.s32 s10, $0x1;
	s10 =	sld [smem:$0x3FAF];
	_ =	sdelay $0x3  }
0x34: {  	[smem:$0x3FAF] =	sst s10  }
0x35: {  	s10 =	sld [smem:$0x3FAE];
	_ =	sdelay $0x3  }
0x36: {  	p1 =	seq.s32 s10, $0x1;
	s10 =	sld [smem:$0x3FAF];
	_ =	sdelay $0x3  }
0x37: {  	[smem:$0x3FAF] =	sst s10  }
0x38: {  	s10 =	sld [smem:$0x3FB0]  }
0x39: {  	_ = 	snop;
	(pc) =	sbr.ind lr, $3  }
0x3a: {  	_ = 	snop  }
0x3b: {  	_ = 	snop  }
0x3c: {  	p2 =	seq.s32 s10, $0x1;
	s10 =	sld [smem:$0x3FAF]  }
0x3d: {  	_ =	shalt  }
0x3e: {  	_ =	shalt  }
0x3f: {  	_ =	shalt  }
0x40: {  	_ =	shalt  }
0x41: {  	_ =	shalt  }
0x42: {  	_ =	shalt  }
0x43: {  	_ =	shalt  }
0x44: {  	_ =	shalt  }
0x45: {  	_ =	shalt  }
0x46: {  	_ =	shalt  }
0x47: {  	_ =	shalt  }
0x48: {  	_ =	shalt  }
0x49: {  	_ =	shalt  }
0x4a: {  	_ =	shalt  }
0x4b: {  	_ =	shalt  }
0x4c: {  	_ =	shalt  }
0x4d: {  	_ =	shalt  }
0x4e: {  	_ =	shalt  }
0x4f: {  	_ =	shalt  }
0x50: {  	_ =	shalt  }
0x51: {  	_ =	shalt  }
0x52: {  	_ =	shalt  }
0x53: {  	_ =	shalt  }
0x54: {  	_ =	shalt  }
0x55: {  	_ =	shalt  }
0x56: {  	_ =	shalt  }
0x57: {  	_ =	shalt  }
0x58: {  	_ =	shalt  }
0x59: {  	_ =	shalt  }
0x5a: {  	_ =	shalt  }
0x5b: {  	_ =	shalt  }
0x5c: {  	_ =	shalt  }
0x5d: {  	_ =	shalt  }
0x5e: {  	_ =	shalt  }
0x5f: {  	_ =	shalt  }
0x60: {  	_ =	shalt  }
0x61: {  	_ =	shalt  }
0x62: {  	_ =	shalt  }
0x63: {  	_ =	shalt  }
0x64: {  	_ =	shalt  }
0x65: {  	_ =	shalt  }
0x66: {  	_ =	shalt  }
0x67: {  	_ =	shalt  }
0x68: {  	_ =	shalt  }
0x69: {  	_ =	shalt  }
0x6a: {  	_ =	shalt  }
0x6b: {  	_ =	shalt  }
0x6c: {  	_ =	shalt  }
0x6d: {  	_ =	shalt  }
0x6e: {  	_ =	shalt  }
0x6f: {  	_ =	shalt  }
0x70: {  	_ =	shalt  }
0x71: {  	_ =	shalt  }
0x72: {  	_ =	shalt  }
0x73: {  	_ =	shalt  }
0x74: {  	_ =	shalt  }
0x75: {  	_ =	shalt  }
0x76: {  	_ =	shalt  }
0x77: {  	_ =	shalt  }
0x78: {  	_ =	shalt  }
0x79: {  	_ =	shalt  }
0x7a: {  	_ =	shalt  }
0x7b: {  	_ =	shalt  }
0x7c: {  	_ =	shalt  }
0x7d: {  	_ =	shalt  }
0x7e: {  	_ =	shalt  }
0x7f: {  	_ =	shalt  }
0x80: {  	_ =	shalt  }
0x81: {  	_ =	shalt  }
0x82: {  	_ =	shalt  }
0x83: {  	_ =	shalt  }
0x84: {  	_ =	shalt  }
0x85: {  	_ =	shalt  }
0x86: {  	_ =	shalt  }
0x87: {  	_ =	shalt  }
.Lfunc_end0:
.L_simem_size_0:
called_computation_lowered:
.L_overlay_start_0:
0x88: {  	s2 =	sld [smem:$0x3FD9]  }
0x89: {  	s3 =	sld [smem:$0x3FFE];
	_ =	sdelay $0x1  }
0x8a: {  	s1 =	srdreg.scid  }
0x8b: {  	s0 =	sand.u32 $0x1, s1  }
0x8c: {  	s17 =	sshll.u32 s0, $0xA;
	s2 =	sadd.s32 s3, s2  }
0x8d: {  	s2 =	sadd.s32 s2, s17  }
0x8e: {  	[smem:$0x3FBB] =	sst s2  }
0x8f: {  	_ = 	snop  }
0x90: {  	s2 =	sld [smem:$0x3FD0];
	(tm) =	ssettm $0x1  }
0x91: {  	s18 =	sld [smem:$0x3FFB];
	_ =	sdelay $0x3  }
0x92: {  	_ =	strace s18  }
0x93: {  	s3 =	sld [smem:$0x3FFC];
	_ =	sdelay $0x3  }
0x94: {  	_ =	strace s3  }
0x95: {  	s3 =	sld [smem:$0x3FFD];
	_ =	sdelay $0x3  }
0x96: {  	_ =	strace s3  }
0x97: {  	_ =	strace $0x8FFFFFFF  }
0x98: {  	s19 =	sld [smem:$0x3FDB];
	_ =	sdelay $0x1  }
0x99: {  	s4 =	simm.s32 $_scs_section_size  }
0x9a: {  	s5 =	simm.s32 $_size__tile_overlayer_lowered;
	s6 =	simm.s32 $_tile_overlayer_lowered  }
0x9b: {  	s22 =	simm.s32 $0x1BFF;
	s21 =	sshll.u32 s6, $0x1;
	s3 =	sadd.s32 s4, s19  }
0x9c: {  	s7 =	simm.s32 $0x0;
	s20 =	sshll.u32 s5, $0x1;
	s5 =	sadd.s32 s21, s3  }
0x9d: {  	[timem:s7], [sflag:s22] =	dma.local [hbm:s5], s20  }
0x9e: {  	_ =	swait.ge [sflag:s22], s20  }
0x9f: {  	s4 =	ssub.s32 $0x0, s20;
	[sflag:s22] =	ssyncset.done $0x0  }
0xa0: {  	[sflag:s22] =	ssyncadd.s32 s4;
	_ =	sdelay $0x1  }
0xa1: {  	s23 =	simm.s32 $0x1B8B  }
0xa2: {  	_ =	swait.ge [sflag:s23], $0x1  }
0xa3: {  	[sflag:s23] =	ssyncset.done $0x0  }
0xa4: {  	s25 =	simm.s32 $0x1B8E;
	s24 =	sld [smem:$0x3FFE];
	[sflag:s23] =	ssyncadd.s32 $0xFFFFFFFF  }
0xa5: {  	s26 =	simm.s32 $execute0_lowered;
	[smem:$0x3FD2] =	sst s25  }
0xa6: {  	s5 =	sshll.u32 s26, $0x1;
	_ =	strace $0x80000046;
	[dreg:$0x1] =	wrdreg $0xFFFFFFFF  }
0xa7: {  	s28 =	simm.s32 $_size_execute0_lowered;
	s3 =	sadd.s32 s3, s5;
	[dreg:$0x0] =	wrdreg $0x0  }
0xa8: {  	s5 =	sshll.u32 s28, $0x1;
	[dreg:$0x2] =	wrdreg s3  }
0xa9: {  	[dreg:$0x3] =	wrdreg s5  }
0xaa: {  	[dreg:$0x4] =	wrdreg $0xC0  }
0xab: {  	_ =	task [dreg:s7], $0x5FFFF  }
0xac: {  	[dreg:$0x1] =	wrdreg $0xFFFFFFFF  }
0xad: {  	[dreg:$0x0] =	wrdreg $0x60  }
0xae: {  	[dreg:$0x2] =	wrdreg s2  }
0xaf: {  	[dreg:$0x3] =	wrdreg s24  }
0xb0: {  	[dreg:$0x4] =	wrdreg $0x120200  }
0xb1: {  	[dreg:$0x5] =	wrdreg $0x9  }
0xb2: {  	_ =	task.clear_ibuf [dreg:s7], $0x6FFFF;
	_ =	strace $0x90000046  }
0xb3: {  	s29 =	simm.s32 $0x9;
	_ =	strace $0x80000048  }
0xb4: {  	_ =	swait.ge [sflag:s29], $0x1  }
0xb5: {  	[sflag:s29] =	ssyncadd.s32 $0xFFFFFFFF  }
0xb6: {  	_ =	strace $0x90000048  }
0xb7: {  	_ =	sfence  }
0xb8: {  	s30 =	sld [smem:$0x0];
	_ =	sdelay $0x2  }
0xb9: {  	s31 =	sshll.u32 s1, $0xD;
	s1 =	sshrl.u32 s1, $0x2  }
0xba: {  	s3 =	sand.u32 $0x4000, s31;
	s1 =	sadd.s32 s1, s30  }
0xbb: {  	s0 =	sor.u32 s3, s0;
	s1 =	sshll.u32 s1, $0x11  }
0xbc: {  	s0 =	sor.u32 s1, s0  }
0xbd: {  	s0 =	sadd.s32 $0x8F2B, s0  }
0xbe: {  	[sflag:s0] =	ssyncadd.remote.s32 $0x1  }
0xbf: {  	_ =	sfence.sel $0xFFFF  }
0xc0: {  	[dreg:$0x0] =	wrdreg $0xFFFFFFFF;
	(pc) =	sbr.abs _section_cstart, $3  }
0xc1: {  	[dreg:$0x1] =	wrdreg $0xFFFFFFFF  }
0xc2: {  	_ =	task.clear_ibuf [dreg:s7], $0x2FFFF;
	_ =	strace $0x9FFFFFFF  }
0xc3: {  	(tm) =	ssettm $0x7FFFFFFF  }
tec
execute0_lowered:
.L_overlay_start_1:
0x0: {  	(tag) =	ssettag $0x1  }
0x1: {  	s1 =	rddreg [dreg:$0x0];
	s0 =	srdreg.scid  }
0x2: {  	s11 =	stileid.u32;
	s2 =	rddreg [dreg:$0x1]  }
0x3: {  	s3 =	rddreg [dreg:$0x2];
	s19 =	simm.s32 $0x7;
	s28 =	simm.s32 $0x3  }
0x4: {  	s29 =	simm.s32 $0xC620;
	s30 =	simm.s32 $0x2;
	s31 =	simm.s32 $0x4  }
0x5: {  	s0 =	sand.u32 $0x1, s0;
	s4 =	sshll.u32 s11, $0x1;
	s8 =	smul.u32 $0x32000, s11  }
0x6: {  	s5 =	sadd.s32 $0x16600, s2;
	s25 =	smul.u32 $0x2800, s11;
	s7 =	sor.u32 s0, s4  }
0x7: {  	s4 =	simm.s32 $0x0;
	s9 =	ssub.s32 $0x2, s0;
	p0 =	seq.s32 s0, $0x1  }
0x8: {  	s0 =	simm.s32 $0x520600;
	s6 =	smul.u32 $0x4E2, s7;
	[smem:$0x7FF] =	sst s4  }
0x9: {  	s20 =	sshrl.u32 s9, $0x1;
	s8 =	sshrl.u32 s8, $0x2;
	s22 =	smul.u32 $0x27100, s7  }
0xa: {  	s0 =	simm.s32 @!p0 $0x4F8600;
	_ =	strace $0x80000047;
	s9 =	ssub.s32 s9, s20  }
0xb: {  	s12 =	sadd.s32 s8, s3;
	s0 =	sadd.s32 s0, s2;
	s10 =	sadd.s32 s6, s2  }
0xc: {  	s6 =	smul.u32 $0x7D, s7;
	s8 =	sadd.s32 $0x2800, s12;
	[dreg:$0x4] =	wrdreg s12  }
0xd: {  	s21 =	sadd.s32 $0x5000, s12;
	s13 =	sadd.s32 $0x7800, s12;
	[dreg:$0x5] =	wrdreg s8  }
0xe: {  	s23 =	sadd.s32 $0xA000, s12;
	s7 =	smul.u32 $0x138800, s7;
	[dreg:$0x6] =	wrdreg s21  }
0xf: {  	s26 =	smax.u32 s9, $0x1;
	s0 =	sadd.s32 s0, s25;
	[dreg:$0x7] =	wrdreg s13  }
0x10: {  	s25 =	simm.s32 $0x9E20;
	s2 =	simm.s32 $0xDF20;
	[dreg:$0x8] =	wrdreg s23  }
0x11: {  	s24 =	sadd.s32 $0xC800, s10;
	s10 =	sadd.s32 $0x2A00, s10;
	[dreg:$0xd] =	wrdreg s26  }
0x12: {  	s8 =	sadd.s32 s5, s22;
	[dreg:$0xe] =	wrdreg s0;
	s21 =	simm.s32 $0x50  }
0x13: {  	s22 =	simm.s32 $0x4E20;
	[dreg:$0x9] =	wrdreg s24;
	s7 =	sshrl.u32 s7, $0x3  }
0x14: {  	s23 =	simm.s32 $0x7620;
	[dreg:$0xa] =	wrdreg s10;
	s7 =	sadd.s32 s5, s7  }
0x15: {  	v0 =	vimm.f32 $0.0e+00;
	vm0 =	vcmask $0x300;
	s26 =	simm.s32 $0x1;
	[dreg:$0xb] =	wrdreg s8;
	s7 =	sadd.s32 $0x500, s7  }
0x16: {  	v1 =	vsel vm0, $0x3F800000, v0;
	s24 =	simm.s32 $0x6220;
	s8 =	simm.s32 $0x0;
	[dreg:$0xc] =	wrdreg s7  }
.LBB2_1:
0x17: {  	s7 =	simm.s32 $0x140;
	s0 =	simm.s32 $0x0  }
.LBB2_2:
0x18: {  	p0 =	sne.s32 s7, $0x9EC0;
	[tilespmem:s0+$0xF860] =	vst v0;
	s9 =	smov.u32 s7;
	s7 =	sadd.s32 $0x140, s7  }
.Ltmp0:
0x19: {  	[tilespmem:s0+$0xF850] =	vst v0;
	(pc) =	sbr.rel @p0 .LBB2_2-.Ltmp0, $4  }
0x1a: {  	[tilespmem:s0+$0xF840] =	vst v0  }
0x1b: {  	[tilespmem:s0+$0xF820] =	vst v0  }
0x1c: {  	[tilespmem:s0+$0xF830] =	vst v0  }
0x1d: {  	s0 =	sshra.s32 s9, $0x2  }
0x1e: {  	[tilespmem:s0+$0xF860] =	vst v0  }
0x1f: {  	[tilespmem:s0+$0xF850] =	vst v0  }
0x20: {  	[tilespmem:s0+$0xF840] =	vst v0  }
0x21: {  	[tilespmem:s0+$0xF820] =	vst v0  }
0x22: {  	[tilespmem:s0+$0xF830] =	vst v0;
	s7 =	simm.s32 $0xF820  }
0x23: {  	[spmem:s12] =	stream.linear.scatter [tilespmem:s7], [sflag:$0x7], $0x2800, $0x38;
	[tilespmem:$0x1E820] =	vst v63  }
0x24: {  	_ =	swait.ge [sflag:s19], $0x2800  }
0x25: {  	[sflag:s19] =	ssyncset.done $0x0  }
0x26: {  	s16 =	rddreg [dreg:$0x5];
	[sflag:s19] =	ssyncadd.s32 $0xFFFFD800  }
0x27: {  	[spmem:s16] =	stream.linear.scatter [tilespmem:s7], [sflag:$0x7], $0x2800, $0x38;
	[tilespmem:$0x1E820] =	vst v63  }
0x28: {  	_ =	swait.ge [sflag:s19], $0x2800  }
0x29: {  	[sflag:s19] =	ssyncset.done $0x0  }
0x2a: {  	s17 =	rddreg [dreg:$0x6];
	[sflag:s19] =	ssyncadd.s32 $0xFFFFD800  }
0x2b: {  	[spmem:s17] =	stream.linear.scatter [tilespmem:s7], [sflag:$0x7], $0x2800, $0x38;
	[tilespmem:$0x1E820] =	vst v63  }
0x2c: {  	_ =	swait.ge [sflag:s19], $0x2800  }
0x2d: {  	[sflag:s19] =	ssyncset.done $0x0  }
0x2e: {  	s18 =	rddreg [dreg:$0x7];
	[sflag:s19] =	ssyncadd.s32 $0xFFFFD800  }
0x2f: {  	[spmem:s18] =	stream.linear.scatter [tilespmem:s7], [sflag:$0x7], $0x2800, $0x38;
	[tilespmem:$0x1E820] =	vst v63  }
0x30: {  	_ =	swait.ge [sflag:s19], $0x2800  }
0x31: {  	[sflag:s19] =	ssyncset.done $0x0  }
0x32: {  	s20 =	rddreg [dreg:$0x8];
	[sflag:s19] =	ssyncadd.s32 $0xFFFFD800  }
0x33: {  	[spmem:s20] =	stream.linear.scatter [tilespmem:s7], [sflag:$0x7], $0x2800, $0x38;
	[tilespmem:$0x1E820] =	vst v63  }
0x34: {  	_ =	swait.ge [sflag:s19], $0x2800  }
0x35: {  	[sflag:s19] =	ssyncset.done $0x0  }
0x36: {  	s0 =	simm.s32 $0x240;
	s7 =	simm.s32 $0x40;
	[sflag:s19] =	ssyncadd.s32 $0xFFFFD800  }
.LBB2_4:
0x37: {  	p0 =	sne.s32 s0, $0x63C0;
	[tilespmem:s7+$0xC620] =	vst v1;
	s9 =	smov.u32 s0;
	s0 =	sadd.s32 $0x140, s0  }
.Ltmp1:
0x38: {  	[tilespmem:s7+$0xDF20] =	vst v1;
	(pc) =	sbr.rel @p0 .LBB2_4-.Ltmp1, $2  }
0x39: {  	_ =	sdelay $0x2  }
0x3a: {  	s7 =	sshra.s32 s9, $0x2  }
0x3b: {  	[tilespmem:s7+$0xC620] =	vst v1  }
0x3c: {  	[tilespmem:s7+$0xDF20] =	vst v1;
	s9 =	simm.s32 $0x0;
	s0 =	rddreg [dreg:$0x9]  }
0x3d: {  	[tilespmem:s9], [sflag:$0x7] =	stream.linear.gather [hbm4b:s0+s9], $0x2710, $0x38;
	[tilespmem:$0x1E820] =	vst v63  }
0x3e: {  	_ =	swait.ge [sflag:s19], $0x2710  }
0x3f: {  	[sflag:s19] =	ssyncset.done $0x0  }
0x40: {  	s17 =	simm.s32 $0x2710;
	s16 =	rddreg [dreg:$0xa];
	[sflag:s19] =	ssyncadd.s32 $0xFFFFD8F0  }
0x41: {  	[tilespmem:s17], [sflag:$0x7] =	stream.linear.gather [hbm4b:s16+s9], $0x2710, $0x38;
	[tilespmem:$0x1E820] =	vst v63  }
0x42: {  	_ =	swait.ge [sflag:s19], $0x2710  }
0x43: {  	[sflag:s19] =	ssyncset.done $0x0  }
0x44: {  	[sflag:s19] =	ssyncadd.s32 $0xFFFFD8F0  }
0x45: {  	[bflag:$0x0] =	sbarrier.arrive $0xFFFF  }
0x46: {  	[tilespmem:s22], [sflag:$0x1] =	stream.indirect.gather [hbm4b:s1+s21], $0x40, s9, s21, $0xb8;
	[tilespmem:$0x1E820] =	vst v63  }
0x47: {  	s18 =	rddreg [dreg:$0xb]  }
0x48: {  	[tilespmem:s23], [sflag:$0x3] =	stream.linear.gather [hbm4b:s18+s9], $0x2800, $0x38;
	[tilespmem:$0x1E820] =	vst v63  }
0x49: {  	_ = 	snop  }
0x4a: {  	[tilespmem:s24], [sflag:$0x2] =	stream.indirect.gather [hbm4b:s1+s21], $0x40, s21, s21, $0xb8;
	[tilespmem:$0x1E820] =	vst v63  }
0x4b: {  	s20 =	rddreg [dreg:$0xc]  }
0x4c: {  	[tilespmem:s25], [sflag:$0x4] =	stream.linear.gather [hbm4b:s20+s9], $0x2800, $0x38;
	[tilespmem:$0x1E820] =	vst v63  }
.LBB2_6:
0x4d: {  	p0 =	seq.s32 s9, $0x0  }
0x4e: {  	s0 =	simm.s32 @!p0 $0x5  }
0x4f: {  	_ =	swait.ge @!p0 [sflag:s0], $0x1900  }
0x50: {  	[sflag:s0] =	ssyncset.done @!p0 $0x0  }
0x51: {  	[sflag:s0] =	ssyncadd.s32 @!p0 $0xFFFFE700  }
0x52: {  	_ =	swait.ge [sflag:s26], $0x1400  }
0x53: {  	[sflag:s26] =	ssyncset.done $0x0  }
0x54: {  	[sflag:s26] =	ssyncadd.s32 $0xFFFFEC00  }
0x55: {  	_ =	swait.ge [sflag:s28], $0x2800  }
0x56: {  	[sflag:s28] =	ssyncset.done $0x0  }
0x57: {  	s10 =	simm.s32 $0x4EA0;
	[sflag:s28] =	ssyncadd.s32 $0xFFFFD800  }
0x58: {  	s20 =	simm.s32 $0x7720;
	v2 =	vld [tilespmem:s10+$0x40]  }
0x59: {  	v3 =	vld [tilespmem:s20+$0x80];
	_ =	sdelay $0x1  }
0x5a: {  	v4 =	vld [tilespmem:s20+$0xFFFFFF00]  }
0x5b: {  	v5 =	vld [tilespmem:s10+$0xFFFFFFC0]  }
0x5c: {  	v6 =	vld [tilespmem:s10+$0x0]  }
0x5d: {  	v2 =	vadd.f32 v3, v2;
	v3 =	vld [tilespmem:s20+$0xFFFFFF80]  }
0x5e: {  	v8 =	vld [tilespmem:s20+$0x0]  }
0x5f: {  	v9 =	vld [tilespmem:s10+$0xFFFFFF80];
	v7 =	vmul.f32 $1.442695020e+00, v2;
	_ =	sdelay $0x1  }
0x60: {  	(erf) = vpow2.f32 v7  }
0x61: {  	v3 =	vadd.f32 v3, v5;
	_ =	sdelay $0x1  }
0x62: {  	v4 =	vadd.f32 v4, v9;
	v5 =	vadd.f32 v8, v6;
	v6 =	vmul.f32 $1.442695020e+00, v3;
	_ =	sdelay $0x1  }
0x63: {  	(erf) = vpow2.f32 v6;
	v6 =	vmul.f32 $1.442695020e+00, v4  }
0x64: {  	v7 =	vmul.f32 $1.442695020e+00, v5;
	_ =	sdelay $0x1  }
0x65: {  	(erf) = vpow2.f32 v7  }
0x66: {  	(erf) = vpow2.f32 v6;
	v6 =	vpop (erf)  }
0x67: {  	v6 =	vadd.f32 $-1.000000000e+00, v6;
	_ =	sdelay $0x1  }
0x68: {  	v6 =	vmul.f32 $1.673263190e+00, v6  }
0x69: {  	vm0 =	vgt.f32 v2, $0.0e+00  }
0x6a: {  	v2 =	vsel vm0, v2, v6  }
0x6b: {  	v2 =	vmul.f32 $1.050701020e+00, v2;
	_ =	sdelay $0x1  }
0x6c: {  	s11 =	simm.s32 $0xC6C0;
	v6 =	vpop (erf)  }
0x6d: {  	v6 =	vadd.f32 $-1.000000000e+00, v6;
	v7 =	vpop (erf);
	[tilespmem:s11+$0x50] =	vst v2  }
0x6e: {  	v8 =	vld [tilespmem:s10+$0x50];
	v2 =	vpop (erf)  }
0x6f: {  	v9 =	vld [tilespmem:s20+$0x90];
	v6 =	vmul.f32 $1.673263190e+00, v6;
	v2 =	vadd.f32 $-1.000000000e+00, v2  }
0x70: {  	vm0 =	vgt.f32 v3, $0.0e+00  }
0x71: {  	v3 =	vsel vm0, v3, v6;
	v2 =	vmul.f32 $1.673263190e+00, v2  }
0x72: {  	vm0 =	vgt.f32 v4, $0.0e+00;
	v3 =	vmul.f32 $1.050701020e+00, v3  }
0x73: {  	v6 =	vadd.f32 $-1.000000000e+00, v7;
	v2 =	vsel vm0, v4, v2  }
0x74: {  	[tilespmem:s11+$0xFFFFFFB0] =	vst v3;
	v3 =	vadd.f32 v9, v8;
	v2 =	vmul.f32 $1.050701020e+00, v2  }
0x75: {  	v4 =	vmul.f32 $1.673263190e+00, v6;
	v6 =	vld [tilespmem:s10+$0xFFFFFFD0]  }
0x76: {  	vm0 =	vgt.f32 v5, $0.0e+00;
	v7 =	vld [tilespmem:s20+$0xFFFFFF90];
	[tilespmem:s11+$0xFFFFFF60] =	vst v2;
	v2 =	vmul.f32 $1.442695020e+00, v3  }
0x77: {  	v4 =	vsel vm0, v5, v4;
	v5 =	vld [tilespmem:s10+$0xFFFFFF90]  }
0x78: {  	v8 =	vld [tilespmem:s20+$0xFFFFFF10];
	(erf) = vpow2.f32 v2  }
0x79: {  	v4 =	vmul.f32 $1.050701020e+00, v4;
	_ =	sdelay $0x1  }
0x7a: {  	[tilespmem:s11+$0x0] =	vst v4;
	v6 =	vadd.f32 v7, v6  }
0x7b: {  	v2 =	vld [tilespmem:s10+$0x10]  }
0x7c: {  	s14 =	simm.s32 $0x7920;
	v4 =	vld [tilespmem:s20+$0x10];
	v5 =	vadd.f32 v8, v5;
	v8 =	vmul.f32 $1.442695020e+00, v6  }
0x7d: {  	s13 =	simm.s32 $0x4FA0;
	v9 =	vld [tilespmem:s14+$0x80]  }
0x7e: {  	v7 =	vld [tilespmem:s13+$0x40]  }
0x7f: {  	v10 =	vmul.f32 $1.442695020e+00, v5  }
0x80: {  	(erf) = vpow2.f32 v8;
	v8 =	vpop (erf)  }
0x81: {  	v2 =	vadd.f32 v4, v2;
	(erf) = vpow2.f32 v10;
	v8 =	vadd.f32 $-1.000000000e+00, v8  }
0x82: {  	v12 =	vld [tilespmem:s14+$0xFFFFFF80]  }
0x83: {  	v7 =	vadd.f32 v9, v7;
	v9 =	vld [tilespmem:s13+$0x0];
	v11 =	vmul.f32 $1.442695020e+00, v2;
	v8 =	vmul.f32 $1.673263190e+00, v8  }
0x84: {  	vm0 =	vgt.f32 v3, $0.0e+00;
	v10 =	vld [tilespmem:s13+$0xFFFFFFC0]  }
0x85: {  	(erf) = vpow2.f32 v11;
	v11 =	vld [tilespmem:s14+$0x0];
	v3 =	vsel vm0, v3, v8  }
0x86: {  	v14 =	vld [tilespmem:s13+$0xFFFFFF80];
	v13 =	vmul.f32 $1.442695020e+00, v7;
	v3 =	vmul.f32 $1.050701020e+00, v3  }
0x87: {  	v4 =	vld [tilespmem:s14+$0xFFFFFF00]  }
0x88: {  	(erf) = vpow2.f32 v13  }
0x89: {  	v8 =	vadd.f32 v12, v10;
	v10 =	vpop (erf);
	[tilespmem:s11+$0x60] =	vst v3  }
0x8a: {  	v9 =	vadd.f32 v11, v9;
	v11 =	vld [tilespmem:s10+$0x60];
	v3 =	vpop (erf)  }
0x8b: {  	v12 =	vmul.f32 $1.442695020e+00, v8;
	v13 =	vld [tilespmem:s20+$0xA0];
	v3 =	vadd.f32 $-1.000000000e+00, v3  }
0x8c: {  	v4 =	vadd.f32 v4, v14;
	v14 =	vmul.f32 $1.442695020e+00, v9  }
0x8d: {  	(erf) = vpow2.f32 v12;
	v3 =	vmul.f32 $1.673263190e+00, v3  }
0x8e: {  	vm0 =	vgt.f32 v5, $0.0e+00;
	v10 =	vadd.f32 $-1.000000000e+00, v10;
	v12 =	vmul.f32 $1.442695020e+00, v4;
	v15 =	vpop (erf)  }
0x8f: {  	(erf) = vpow2.f32 v14;
	v14 =	vadd.f32 $-1.000000000e+00, v15;
	v3 =	vsel vm0, v5, v3  }
0x90: {  	v10 =	vmul.f32 $1.673263190e+00, v10;
	v5 =	vadd.f32 v13, v11;
	v3 =	vmul.f32 $1.050701020e+00, v3  }
0x91: {  	(erf) = vpow2.f32 v12;
	v12 =	vmul.f32 $1.673263190e+00, v14;
	vm0 =	vgt.f32 v6, $0.0e+00;
	v11 =	vpop (erf)  }
0x92: {  	v6 =	vsel vm0, v6, v10;
	v10 =	vadd.f32 $-1.000000000e+00, v11;
	[tilespmem:s11+$0xFFFFFF70] =	vst v3;
	v3 =	vmul.f32 $1.442695020e+00, v5  }
0x93: {  	vm0 =	vgt.f32 v2, $0.0e+00  }
0x94: {  	v6 =	vmul.f32 $1.050701020e+00, v6;
	v2 =	vsel vm0, v2, v12;
	v10 =	vmul.f32 $1.673263190e+00, v10  }
0x95: {  	v2 =	vmul.f32 $1.050701020e+00, v2  }
0x96: {  	v11 =	vld [tilespmem:s10+$0xFFFFFFA0];
	[tilespmem:s11+$0xFFFFFFC0] =	vst v6;
	(erf) = vpow2.f32 v3;
	v3 =	vpop (erf)  }
0x97: {  	vm0 =	vgt.f32 v7, $0.0e+00;
	v6 =	vld [tilespmem:s20+$0xFFFFFF20];
	[tilespmem:s11+$0x10] =	vst v2;
	v2 =	vadd.f32 $-1.000000000e+00, v3  }
0x98: {  	v12 =	vld [tilespmem:s10+$0xFFFFFFE0];
	v7 =	vsel vm0, v7, v10;
	v10 =	vpop (erf)  }
0x99: {  	v7 =	vmul.f32 $1.050701020e+00, v7;
	v13 =	vld [tilespmem:s10+$0x20];
	v10 =	vadd.f32 $-1.000000000e+00, v10;
	v2 =	vmul.f32 $1.673263190e+00, v2  }
0x9a: {  	s12 =	simm.s32 $0xC800;
	vm0 =	vgt.f32 v8, $0.0e+00;
	v3 =	vld [tilespmem:s20+$0xFFFFFFA0];
	v14 =	vpop (erf)  }
0x9b: {  	v15 =	vld [tilespmem:s20+$0x20];
	[tilespmem:s12+$0x50] =	vst v7;
	v7 =	vadd.f32 $-1.000000000e+00, v14;
	v2 =	vsel vm0, v8, v2;
	v8 =	vmul.f32 $1.673263190e+00, v10  }
0x9c: {  	vm1 =	vgt.f32 v9, $0.0e+00;
	v14 =	vld [tilespmem:s13+$0x50]  }
0x9d: {  	v10 =	vld [tilespmem:s14+$0x90];
	v7 =	vmul.f32 $1.673263190e+00, v7;
	v2 =	vmul.f32 $1.050701020e+00, v2;
	v8 =	vsel vm1, v9, v8  }
0x9e: {  	v6 =	vadd.f32 v6, v11;
	vm0 =	vgt.f32 v4, $0.0e+00  }
0x9f: {  	v3 =	vadd.f32 v3, v12;
	v4 =	vsel vm0, v4, v7;
	[tilespmem:s12+$0xFFFFFFB0] =	vst v2;
	v2 =	vmul.f32 $1.050701020e+00, v8  }
0xa0: {  	v9 =	vmul.f32 $1.442695020e+00, v6;
	v7 =	vadd.f32 v15, v13;
	v4 =	vmul.f32 $1.050701020e+00, v4;
	v11 =	vld [tilespmem:s13+$0xFFFFFFD0];
	v8 =	vpop (erf)  }
0xa1: {  	v12 =	vmul.f32 $1.442695020e+00, v3;
	v13 =	vld [tilespmem:s14+$0xFFFFFF90];
	[tilespmem:s12+$0x0] =	vst v2;
	v8 =	vadd.f32 $-1.000000000e+00, v8  }
0xa2: {  	(erf) = vpow2.f32 v9;
	v2 =	vmul.f32 $1.442695020e+00, v7;
	v9 =	vadd.f32 v10, v14;
	[tilespmem:s12+$0xFFFFFF60] =	vst v4;
	v4 =	vld [tilespmem:s13+$0x10]  }
0xa3: {  	(erf) = vpow2.f32 v12;
	v10 =	vld [tilespmem:s13+$0xFFFFFF90];
	v8 =	vmul.f32 $1.673263190e+00, v8  }
0xa4: {  	vm0 =	vgt.f32 v5, $0.0e+00;
	v12 =	vld [tilespmem:s14+$0xFFFFFF10];
	(erf) = vpow2.f32 v2;
	v2 =	vmul.f32 $1.442695020e+00, v9  }
0xa5: {  	v5 =	vsel vm0, v5, v8;
	v8 =	vld [tilespmem:s14+$0x10]  }
0xa6: {  	(erf) = vpow2.f32 v2;
	v2 =	vadd.f32 v13, v11;
	v5 =	vmul.f32 $1.050701020e+00, v5  }
0xa7: {  	s17 =	simm.s32 $0x7B20  }
0xa8: {  	v17 =	vld [tilespmem:s17+$0x80];
	[tilespmem:s11+$0x70] =	vst v5;
	v5 =	vmul.f32 $1.442695020e+00, v2  }
0xa9: {  	v10 =	vadd.f32 v12, v10;
	v11 =	vld [tilespmem:s10+$0x70]  }
0xaa: {  	s15 =	simm.s32 $0x50A0;
	v12 =	vld [tilespmem:s20+$0xB0];
	v4 =	vadd.f32 v8, v4  }
0xab: {  	v14 =	vld [tilespmem:s15+$0x40];
	v8 =	vmul.f32 $1.442695020e+00, v10  }
0xac: {  	(erf) = vpow2.f32 v5;
	v5 =	vpop (erf);
	v15 =	vmul.f32 $1.442695020e+00, v4  }
0xad: {  	vm2 =	vgt.f32 v6, $0.0e+00;
	(erf) = vpow2.f32 v8;
	v5 =	vadd.f32 $-1.000000000e+00, v5;
	v13 =	vpop (erf)  }
0xae: {  	v19 =	vld [tilespmem:s15+$0x0];
	vm1 =	vgt.f32 v3, $0.0e+00;
	v13 =	vadd.f32 $-1.000000000e+00, v13;
	v16 =	vpop (erf);
	(erf) = vpow2.f32 v15  }
0xaf: {  	v11 =	vadd.f32 v12, v11;
	v12 =	vld [tilespmem:s15+$0xFFFFFFC0];
	v5 =	vmul.f32 $1.673263190e+00, v5;
	v8 =	vadd.f32 $-1.000000000e+00, v16  }
0xb0: {  	vm3 =	vgt.f32 v7, $0.0e+00;
	v14 =	vadd.f32 v17, v14;
	v16 =	vld [tilespmem:s17+$0xFFFFFF00];
	v13 =	vmul.f32 $1.673263190e+00, v13;
	v15 =	vpop (erf)  }
0xb1: {  	v5 =	vsel vm2, v6, v5;
	v6 =	vmul.f32 $1.673263190e+00, v8;
	v8 =	vld [tilespmem:s17+$0xFFFFFF80];
	v15 =	vadd.f32 $-1.000000000e+00, v15  }
0xb2: {  	v18 =	vmul.f32 $1.442695020e+00, v11;
	v5 =	vmul.f32 $1.050701020e+00, v5;
	v3 =	vsel vm1, v3, v13;
	v13 =	vld [tilespmem:s17+$0x0]  }
0xb3: {  	v17 =	vmul.f32 $1.442695020e+00, v14;
	v15 =	vmul.f32 $1.673263190e+00, v15;
	v6 =	vsel vm3, v7, v6;
	v7 =	vld [tilespmem:s15+$0xFFFFFF80]  }
0xb4: {  	(erf) = vpow2.f32 v18;
	vm1 =	vgt.f32 v9, $0.0e+00  }
0xb5: {  	v3 =	vmul.f32 $1.050701020e+00, v3;
	(erf) = vpow2.f32 v17;
	[tilespmem:s11+$0xFFFFFF80] =	vst v5;
	v9 =	vsel vm1, v9, v15  }
0xb6: {  	vm0 =	vgt.f32 v2, $0.0e+00;
	v15 =	vld [tilespmem:s10+$0xFFFFFFB0];
	v5 =	vpop (erf);
	v8 =	vadd.f32 v8, v12;
	v9 =	vmul.f32 $1.050701020e+00, v9  }
0xb7: {  	v6 =	vmul.f32 $1.050701020e+00, v6;
	[tilespmem:s11+$0xFFFFFFD0] =	vst v3;
	v3 =	vld [tilespmem:s20+$0xFFFFFF30];
	v5 =	vadd.f32 $-1.000000000e+00, v5;
	v12 =	vpop (erf);
	v13 =	vadd.f32 v13, v19  }
0xb8: {  	v17 =	vld [tilespmem:s10+$0xFFFFFFF0];
	v18 =	vmul.f32 $1.442695020e+00, v8;
	[tilespmem:s12+$0x60] =	vst v9;
	v9 =	vadd.f32 $-1.000000000e+00, v12;
	v12 =	vpop (erf);
	v7 =	vadd.f32 v16, v7  }
0xb9: {  	v5 =	vmul.f32 $1.673263190e+00, v5;
	v16 =	vld [tilespmem:s13+$0x60];
	v12 =	vadd.f32 $-1.000000000e+00, v12;
	v19 =	vmul.f32 $1.442695020e+00, v13  }
0xba: {  	vm4 =	vgt.f32 v10, $0.0e+00;
	(erf) = vpow2.f32 v18;
	v18 =	vld [tilespmem:s14+$0xA0];
	v9 =	vmul.f32 $1.673263190e+00, v9  }
0xbb: {  	vm5 =	vgt.f32 v4, $0.0e+00;
	v20 =	vld [tilespmem:s20+$0xFFFFFFB0];
	[tilespmem:s11+$0x20] =	vst v6;
	v21 =	vmul.f32 $1.442695020e+00, v7;
	v6 =	vmul.f32 $1.673263190e+00, v12  }
0xbc: {  	(erf) = vpow2.f32 v19;
	v12 =	vld [tilespmem:s10+$0x30];
	v2 =	vsel vm0, v2, v5;
	v9 =	vsel vm4, v10, v9  }
0xbd: {  	v10 =	vld [tilespmem:s20+$0x30];
	v5 =	vpop (erf);
	(erf) = vpow2.f32 v21;
	v4 =	vsel vm5, v4, v6;
	v6 =	vmul.f32 $1.050701020e+00, v9  }
0xbe: {  	v3 =	vadd.f32 v3, v15;
	v5 =	vadd.f32 $-1.000000000e+00, v5;
	v15 =	vpop (erf)  }
0xbf: {  	v2 =	vmul.f32 $1.050701020e+00, v2;
	v9 =	vadd.f32 v18, v16;
	[tilespmem:s12+$0xFFFFFF70] =	vst v6;
	v6 =	vadd.f32 $-1.000000000e+00, v15  }
0xc0: {  	vm0 =	vgt.f32 v11, $0.0e+00;
	v4 =	vmul.f32 $1.050701020e+00, v4;
	v5 =	vmul.f32 $1.673263190e+00, v5  }
0xc1: {  	[tilespmem:s12+$0xFFFFFFC0] =	vst v2;
	v16 =	vadd.f32 v20, v17;
	v15 =	vld [tilespmem:s13+$0xFFFFFFA0];
	v17 =	vmul.f32 $1.442695020e+00, v9;
	v6 =	vmul.f32 $1.673263190e+00, v6  }
0xc2: {  	[tilespmem:s12+$0x10] =	vst v4;
	v2 =	vadd.f32 v10, v12;
	v12 =	vld [tilespmem:s13+$0xFFFFFFE0];
	v5 =	vsel vm0, v11, v5;
	vm0 =	vgt.f32 v14, $0.0e+00  }
0xc3: {  	vm1 =	vgt.f32 v8, $0.0e+00;
	v18 =	vmul.f32 $1.442695020e+00, v3;
	v20 =	vld [tilespmem:s13+$0x20];
	v10 =	vpop (erf);
	v6 =	vsel vm0, v14, v6  }
0xc4: {  	v19 =	vmul.f32 $1.442695020e+00, v16;
	v11 =	vld [tilespmem:s14+$0xFFFFFF20];
	(erf) = vpow2.f32 v17;
	v4 =	vadd.f32 $-1.000000000e+00, v10  }
0xc5: {  	vm2 =	vgt.f32 v13, $0.0e+00;
	v17 =	vmul.f32 $1.050701020e+00, v5;
	v5 =	vld [tilespmem:s14+$0xFFFFFFA0];
	v14 =	vpop (erf);
	(erf) = vpow2.f32 v18  }
0xc6: {  	v61 =	vld [tilespmem:s14+$0x20];
	v18 =	vmul.f32 $1.050701020e+00, v6;
	v14 =	vadd.f32 $-1.000000000e+00, v14;
	v4 =	vmul.f32 $1.673263190e+00, v4;
	v6 =	vpop (erf)  }
0xc7: {  	vm3 =	vgt.f32 v7, $0.0e+00;
	v10 =	vmul.f32 $1.442695020e+00, v2;
	v22 =	vadd.f32 $-1.000000000e+00, v6  }
0xc8: {  	(erf) = vpow2.f32 v19;
	v4 =	vsel vm1, v8, v4;
	v8 =	vmul.f32 $1.673263190e+00, v14  }
0xc9: {  	s16 =	simm.s32 $0xC940;
	v6 =	vadd.f32 v11, v15;
	v11 =	vmul.f32 $1.673263190e+00, v22;
	v4 =	vmul.f32 $1.050701020e+00, v4  }
0xca: {  	[tilespmem:s16+$0x50] =	vst v18;
	(erf) = vpow2.f32 v10;
	v10 =	vadd.f32 v5, v12;
	v5 =	vsel vm2, v13, v8  }
0xcb: {  	v11 =	vsel vm3, v7, v11;
	[tilespmem:s16+$0xFFFFFFB0] =	vst v4;
	v4 =	vmul.f32 $1.050701020e+00, v5;
	v7 =	vadd.f32 v61, v20  }
0xcc: {  	v14 =	vld [tilespmem:s15+$0x50]  }
0xcd: {  	v12 =	vmul.f32 $1.442695020e+00, v6;
	v8 =	vld [tilespmem:s17+$0x90];
	[tilespmem:s16+$0x0] =	vst v4;
	v4 =	vmul.f32 $1.442695020e+00, v7  }
0xce: {  	v13 =	vmul.f32 $1.442695020e+00, v10;
	v5 =	vmul.f32 $1.050701020e+00, v11;
	v11 =	vld [tilespmem:s15+$0xFFFFFFD0]  }
0xcf: {  	(erf) = vpow2.f32 v12;
	v15 =	vpop (erf);
	v18 =	vld [tilespmem:s17+$0xFFFFFF90]  }
0xd0: {  	vm7 =	vgt.f32 v3, $0.0e+00;
	(erf) = vpow2.f32 v13;
	v15 =	vadd.f32 $-1.000000000e+00, v15;
	[tilespmem:s16+$0xFFFFFF60] =	vst v5;
	v19 =	vld [tilespmem:s15+$0x10]  }
0xd1: {  	vm0 =	vgt.f32 v2, $0.0e+00;
	vm1 =	vgt.f32 v9, $0.0e+00;
	v5 =	vld [tilespmem:s15+$0xFFFFFF90];
	(erf) = vpow2.f32 v4;
	v4 =	vpop (erf)  }
0xd2: {  	v12 =	vadd.f32 v8, v14;
	v8 =	vmul.f32 $1.673263190e+00, v15;
	v13 =	vld [tilespmem:s17+$0xFFFFFF10];
	v14 =	vadd.f32 $-1.000000000e+00, v4  }
0xd3: {  	vm4 =	vgt.f32 v6, $0.0e+00;
	vm2 =	vgt.f32 v16, $0.0e+00;
	vm5 =	vgt.f32 v10, $0.0e+00;
	v15 =	vld [tilespmem:s17+$0x10]  }
0xd4: {  	v20 =	vmul.f32 $1.442695020e+00, v12;
	v8 =	vsel vm1, v9, v8;
	v4 =	vpop (erf);
	v14 =	vmul.f32 $1.673263190e+00, v14  }
0xd5: {  	v9 =	vadd.f32 $-1.000000000e+00, v4;
	v62 =	vpop (erf);
	v4 =	vadd.f32 v18, v11;
	v18 =	vmul.f32 $1.050701020e+00, v8  }
0xd6: {  	vm6 =	vgt.f32 v7, $0.0e+00;
	(erf) = vpow2.f32 v20;
	v8 =	vadd.f32 $-1.000000000e+00, v62  }
0xd7: {  	v11 =	vadd.f32 v13, v5;
	v20 =	vmul.f32 $1.442695020e+00, v4;
	v63 =	vmul.f32 $1.673263190e+00, v9;
	[tilespmem:s12+$0x70] =	vst v18  }
0xd8: {  	vm1 =	vgt.f32 v4, $0.0e+00;
	v9 =	vadd.f32 v15, v19;
	v5 =	vsel vm7, v3, v14;
	v13 =	vld [tilespmem:s13+$0x70];
	v14 =	vpop (erf)  }
0xd9: {  	(erf) = vpow2.f32 v20;
	v3 =	vsel vm2, v16, v63;
	v16 =	vadd.f32 $-1.000000000e+00, v14;
	v14 =	vld [tilespmem:s14+$0xB0]  }
0xda: {  	s7 =	simm.s32 $0x51A0;
	v8 =	vmul.f32 $1.673263190e+00, v8;
	vm3 =	vgt.f32 v11, $0.0e+00;
	v15 =	vmul.f32 $1.442695020e+00, v11;
	v18 =	vpop (erf)  }
0xdb: {  	s0 =	simm.s32 $0x8;
	s10 =	sshll.u32 s9, $0x1;
	s20 =	simm.s32 $0x7B20;
	[tilespmem:s11+$0x80] =	vst v17;
	vm2 =	vgt.f32 v9, $0.0e+00;
	v17 =	vmul.f32 $1.442695020e+00, v9;
	v18 =	vadd.f32 $-1.000000000e+00, v18;
	v19 =	vpop (erf)  }
.LBB2_7:
0xdc: {  	v20 =	vld [tilespmem:s7+$0x40];
	s17 =	sadd.s32 $0x200, s17;
	(erf) = vpow2.f32 v15;
	v15 =	vmul.f32 $1.673263190e+00, v16;
	v21 =	vadd.f32 $-1.000000000e+00, v19  }
0xdd: {  	v2 =	vsel vm0, v2, v8;
	v19 =	vld [tilespmem:s17+$0x80];
	(erf) = vpow2.f32 v17;
	v17 =	vmul.f32 $1.673263190e+00, v18  }
0xde: {  	v8 =	vld [tilespmem:s17+$0xFFFFFF00];
	v6 =	vsel vm4, v6, v15;
	v15 =	vmul.f32 $1.673263190e+00, v21;
	v13 =	vadd.f32 v14, v13  }
0xdf: {  	v5 =	vmul.f32 $1.050701020e+00, v5;
	v14 =	vld [tilespmem:s7+$0xFFFFFFC0];
	v16 =	vpop (erf);
	v6 =	vmul.f32 $1.050701020e+00, v6;
	v10 =	vsel vm5, v10, v17  }
0xe0: {  	s0 =	sadd.s32 $0x4, s0;
	v17 =	vld [tilespmem:s17+$0xFFFFFF80];
	v16 =	vadd.f32 $-1.000000000e+00, v16;
	v7 =	vsel vm6, v7, v15;
	v15 =	vmul.f32 $1.442695020e+00, v13  }
0xe1: {  	p1 =	slt.u32 s0, $0x4C;
	v18 =	vld [tilespmem:s7+$0x0];
	[tilespmem:s12+$0xFFFFFF80] =	vst v6;
	v6 =	vmul.f32 $1.050701020e+00, v10;
	v7 =	vmul.f32 $1.050701020e+00, v7  }
0xe2: {  	v10 =	vld [tilespmem:s17+$0x0];
	v19 =	vadd.f32 v19, v20;
	v16 =	vmul.f32 $1.673263190e+00, v16;
	v20 =	vpop (erf);
	(erf) = vpow2.f32 v15;
	[tilespmem:s11+$0xFFFFFF90] =	vst v5  }
0xe3: {  	vm0 =	vgt.f32 v12, $0.0e+00;
	v3 =	vmul.f32 $1.050701020e+00, v3;
	v5 =	vld [tilespmem:s7+$0xFFFFFF80];
	v20 =	vadd.f32 $-1.000000000e+00, v20;
	[tilespmem:s12+$0xFFFFFFD0] =	vst v6  }
0xe4: {  	v2 =	vmul.f32 $1.050701020e+00, v2;
	v21 =	vmul.f32 $1.442695020e+00, v19;
	v12 =	vsel vm0, v12, v16;
	v16 =	vld [tilespmem:s13+$0xFFFFFFB0];
	[tilespmem:s12+$0x20] =	vst v7  }
0xe5: {  	v7 =	vadd.f32 v17, v14;
	v14 =	vmul.f32 $1.673263190e+00, v20;
	v12 =	vmul.f32 $1.050701020e+00, v12;
	v15 =	vpop (erf);
	v17 =	vld [tilespmem:s14+$0xFFFFFF30];
	[tilespmem:s11+$0xFFFFFFE0] =	vst v3  }
0xe6: {  	(erf) = vpow2.f32 v21;
	v3 =	vadd.f32 $-1.000000000e+00, v15;
	v6 =	vpop (erf);
	v15 =	vld [tilespmem:s13+$0xFFFFFFF0];
	[tilespmem:s11+$0x30] =	vst v2;
	s11 =	smov.u32 s12;
	s12 =	smov.u32 s16  }
0xe7: {  	vm0 =	vgt.f32 v7, $0.0e+00;
	v2 =	vmul.f32 $1.442695020e+00, v7;
	v18 =	vadd.f32 v10, v18;
	[tilespmem:s16+$0x60] =	vst v12;
	v10 =	vld [tilespmem:s14+$0xFFFFFFB0]  }
0xe8: {  	v6 =	vadd.f32 $-1.000000000e+00, v6;
	v5 =	vadd.f32 v8, v5;
	v3 =	vmul.f32 $1.673263190e+00, v3;
	v8 =	vld [tilespmem:s15+$0x60]  }
0xe9: {  	vm4 =	vgt.f32 v18, $0.0e+00;
	v22 =	vmul.f32 $1.442695020e+00, v18;
	(erf) = vpow2.f32 v2;
	v2 =	vld [tilespmem:s20+$0xA0]  }
0xea: {  	v6 =	vmul.f32 $1.673263190e+00, v6;
	vm5 =	vgt.f32 v5, $0.0e+00;
	v20 =	vmul.f32 $1.442695020e+00, v5;
	v21 =	vld [tilespmem:s13+$0x30];
	s13 =	smov.u32 s15;
	s15 =	smov.u32 s7  }
0xeb: {  	v4 =	vsel vm1, v4, v14;
	v3 =	vsel vm3, v11, v3;
	(erf) = vpow2.f32 v22;
	v11 =	vld [tilespmem:s14+$0x30];
	v12 =	vpop (erf);
	s14 =	smov.u32 s20;
	s20 =	smov.u32 s17  }
0xec: {  	v6 =	vsel vm2, v9, v6;
	(erf) = vpow2.f32 v20;
	v12 =	vadd.f32 $-1.000000000e+00, v12  }
0xed: {  	v4 =	vmul.f32 $1.050701020e+00, v4;
	v14 =	vadd.f32 v17, v16;
	v3 =	vmul.f32 $1.050701020e+00, v3  }
0xee: {  	v6 =	vmul.f32 $1.050701020e+00, v6;
	v8 =	vadd.f32 v2, v8;
	v2 =	vmul.f32 $1.673263190e+00, v12  }
0xef: {  	vm1 =	vgt.f32 v13, $0.0e+00;
	v15 =	vadd.f32 v10, v15;
	v9 =	vpop (erf);
	[tilespmem:s16+$0xFFFFFF70] =	vst v3;
	v3 =	vmul.f32 $1.442695020e+00, v14  }
0xf0: {  	v9 =	vadd.f32 $-1.000000000e+00, v9;
	v10 =	vld [tilespmem:s13+$0xFFFFFFA0];
	[tilespmem:s16+$0xFFFFFFC0] =	vst v4;
	v4 =	vmul.f32 $1.442695020e+00, v8;
	v12 =	vsel vm1, v13, v2  }
0xf1: {  	v16 =	vmul.f32 $1.442695020e+00, v15;
	v2 =	vadd.f32 v11, v21;
	v13 =	vld [tilespmem:s14+$0xFFFFFF20];
	[tilespmem:s16+$0x10] =	vst v6;
	v6 =	vmul.f32 $1.050701020e+00, v12  }
0xf2: {  	vm2 =	vgt.f32 v14, $0.0e+00;
	v20 =	vmul.f32 $1.673263190e+00, v9;
	v11 =	vpop (erf);
	v12 =	vld [tilespmem:s13+$0xFFFFFFE0];
	(erf) = vpow2.f32 v4  }
0xf3: {  	vm1 =	vgt.f32 v19, $0.0e+00;
	v17 =	vmul.f32 $1.442695020e+00, v2;
	v4 =	vadd.f32 $-1.000000000e+00, v11;
	v11 =	vld [tilespmem:s14+$0xFFFFFFA0];
	[tilespmem:s11+$0x80] =	vst v6  }
0xf4: {  	vm3 =	vgt.f32 v15, $0.0e+00;
	v20 =	vsel vm1, v19, v20;
	v9 =	vpop (erf);
	v19 =	vld [tilespmem:s13+$0x20];
	(erf) = vpow2.f32 v3  }
0xf5: {  	v3 =	vmul.f32 $1.673263190e+00, v4;
	v4 =	vadd.f32 $-1.000000000e+00, v9;
	v9 =	vmul.f32 $1.050701020e+00, v20;
	v6 =	vpop (erf);
	v20 =	vld [tilespmem:s14+$0x20]  }
0xf6: {  	s16 =	sadd.s32 $0x140, s16;
	v21 =	vadd.f32 $-1.000000000e+00, v6;
	v6 =	vadd.f32 v13, v10;
	(erf) = vpow2.f32 v16  }
0xf7: {  	v3 =	vsel vm0, v7, v3;
	v4 =	vmul.f32 $1.673263190e+00, v4;
	[tilespmem:s16+$0x50] =	vst v9;
	(erf) = vpow2.f32 v17  }
0xf8: {  	v7 =	vmul.f32 $1.673263190e+00, v21;
	v3 =	vmul.f32 $1.050701020e+00, v3;
	v9 =	vld [tilespmem:s7+$0x50];
	v10 =	vadd.f32 v11, v12  }
0xf9: {  	v12 =	vmul.f32 $1.442695020e+00, v6;
	v4 =	vsel vm4, v18, v4;
	v11 =	vld [tilespmem:s17+$0x90];
	vm4 =	vgt.f32 v6, $0.0e+00  }
0xfa: {  	v5 =	vsel vm5, v5, v7;
	[tilespmem:s16+$0xFFFFFFB0] =	vst v3;
	v3 =	vmul.f32 $1.050701020e+00, v4;
	v7 =	vadd.f32 v20, v19  }
0xfb: {  	vm5 =	vgt.f32 v10, $0.0e+00;
	v13 =	vmul.f32 $1.442695020e+00, v10;
	v19 =	vmul.f32 $1.050701020e+00, v5;
	v5 =	vld [tilespmem:s7+$0xFFFFFFD0];
	v16 =	vpop (erf)  }
0xfc: {  	vm0 =	vgt.f32 v2, $0.0e+00;
	v17 =	vld [tilespmem:s17+$0xFFFFFF90]  }
0xfd: {  	[tilespmem:s16+$0x0] =	vst v3;
	v3 =	vmul.f32 $1.442695020e+00, v7;
	v16 =	vadd.f32 $-1.000000000e+00, v16;
	(erf) = vpow2.f32 v12  }
0xfe: {  	vm6 =	vgt.f32 v7, $0.0e+00;
	[tilespmem:s16+$0xFFFFFF60] =	vst v19;
	v18 =	vld [tilespmem:s7+$0x10];
	(erf) = vpow2.f32 v13;
	v4 =	vpop (erf);
	v12 =	vadd.f32 v11, v9  }
0xff: {  	v13 =	vld [tilespmem:s7+$0xFFFFFF90];
	v9 =	vmul.f32 $1.673263190e+00, v16;
	(erf) = vpow2.f32 v3  }
0x100: {  	vm1 =	vgt.f32 v8, $0.0e+00;
	v11 =	vadd.f32 $-1.000000000e+00, v4;
	v3 =	vld [tilespmem:s17+$0xFFFFFF10];
	v4 =	vpop (erf);
	v19 =	vmul.f32 $1.442695020e+00, v12  }
0x101: {  	v16 =	vld [tilespmem:s17+$0x10];
	v8 =	vsel vm1, v8, v9;
	v9 =	vadd.f32 $-1.000000000e+00, v4;
	v20 =	vpop (erf);
	v4 =	vadd.f32 v17, v5  }
0x102: {  	v5 =	vmul.f32 $1.050701020e+00, v8;
	v8 =	vadd.f32 $-1.000000000e+00, v20;
	v17 =	vmul.f32 $1.673263190e+00, v11  }
0x103: {  	(erf) = vpow2.f32 v19;
	v20 =	vmul.f32 $1.673263190e+00, v9  }
.Ltmp2:
0x104: {  	vm1 =	vgt.f32 v4, $0.0e+00;
	v19 =	vmul.f32 $1.442695020e+00, v4;
	[tilespmem:s12+$0x70] =	vst v5;
	(pc) =	sbr.rel @p1 .LBB2_7-.Ltmp2, $4  }
0x105: {  	v5 =	vsel vm2, v14, v17;
	v8 =	vmul.f32 $1.673263190e+00, v8;
	v11 =	vadd.f32 v3, v13;
	v13 =	vld [tilespmem:s13+$0x70]  }
0x106: {  	v3 =	vsel vm3, v15, v20;
	v9 =	vadd.f32 v16, v18;
	(erf) = vpow2.f32 v19;
	v14 =	vld [tilespmem:s14+$0xB0];
	v16 =	vpop (erf)  }
0x107: {  	vm3 =	vgt.f32 v11, $0.0e+00;
	v15 =	vmul.f32 $1.442695020e+00, v11;
	v16 =	vadd.f32 $-1.000000000e+00, v16;
	v18 =	vpop (erf)  }
0x108: {  	s7 =	sadd.s32 $0x100, s7;
	vm2 =	vgt.f32 v9, $0.0e+00;
	v17 =	vmul.f32 $1.442695020e+00, v9;
	v18 =	vadd.f32 $-1.000000000e+00, v18;
	v19 =	vpop (erf)  }
0x109: {  	(erf) = vpow2.f32 v15  }
0x10a: {  	v15 =	vmul.f32 $1.673263190e+00, v16;
	_ =	sdelay $0x1  }
0x10b: {  	(erf) = vpow2.f32 v17;
	v17 =	vmul.f32 $1.673263190e+00, v18;
	v6 =	vsel vm4, v6, v15  }
0x10c: {  	v16 =	vpop (erf);
	v6 =	vmul.f32 $1.050701020e+00, v6  }
0x10d: {  	v10 =	vsel vm5, v10, v17;
	v15 =	vadd.f32 $-1.000000000e+00, v16;
	v16 =	vadd.f32 $-1.000000000e+00, v19  }
0x10e: {  	[tilespmem:s12+$0xFFFFFF80] =	vst v6;
	v6 =	vmul.f32 $1.050701020e+00, v10  }
0x10f: {  	v15 =	vmul.f32 $1.673263190e+00, v15;
	v16 =	vmul.f32 $1.673263190e+00, v16  }
0x110: {  	vm4 =	vgt.f32 v12, $0.0e+00;
	v17 =	vpop (erf)  }
0x111: {  	[tilespmem:s12+$0xFFFFFFD0] =	vst v6;
	v12 =	vsel vm4, v12, v15;
	v15 =	vld [tilespmem:s13+$0xFFFFFFB0];
	v7 =	vsel vm6, v7, v16;
	v16 =	vadd.f32 $-1.000000000e+00, v17;
	v10 =	vpop (erf)  }
0x112: {  	v17 =	vld [tilespmem:s13+$0xFFFFFFF0];
	v6 =	vmul.f32 $1.050701020e+00, v12;
	v10 =	vadd.f32 $-1.000000000e+00, v10  }
0x113: {  	v12 =	vld [tilespmem:s14+$0xFFFFFF30];
	v16 =	vmul.f32 $1.673263190e+00, v16  }
0x114: {  	v7 =	vmul.f32 $1.050701020e+00, v7;
	v18 =	vpop (erf);
	[tilespmem:s16+$0x60] =	vst v6;
	v6 =	vld [tilespmem:s14+$0xFFFFFFB0];
	v10 =	vmul.f32 $1.673263190e+00, v10  }
0x115: {  	v18 =	vadd.f32 $-1.000000000e+00, v18;
	v19 =	vld [tilespmem:s15+$0x60];
	v4 =	vsel vm1, v4, v16  }
0x116: {  	[tilespmem:s12+$0x20] =	vst v7;
	v7 =	vld [tilespmem:s20+$0xA0];
	v4 =	vmul.f32 $1.050701020e+00, v4;
	v10 =	vsel vm3, v11, v10  }
0x117: {  	v16 =	vld [tilespmem:s14+$0x30];
	v11 =	vmul.f32 $1.673263190e+00, v18;
	v10 =	vmul.f32 $1.050701020e+00, v10  }
0x118: {  	v18 =	vld [tilespmem:s13+$0x30];
	[tilespmem:s16+$0xFFFFFFC0] =	vst v4  }
0x119: {  	v9 =	vsel vm2, v9, v11;
	v11 =	vadd.f32 v14, v13;
	v13 =	vld [tilespmem:s15+$0xFFFFFFE0];
	[tilespmem:s16+$0xFFFFFF70] =	vst v10  }
0x11a: {  	v9 =	vmul.f32 $1.050701020e+00, v9;
	v10 =	vld [tilespmem:s15+$0xFFFFFFA0]  }
0x11b: {  	v4 =	vld [tilespmem:s20+$0xFFFFFF20]  }
0x11c: {  	v7 =	vadd.f32 v7, v19;
	[tilespmem:s16+$0x10] =	vst v9;
	v9 =	vld [tilespmem:s20+$0xFFFFFFA0]  }
0x11d: {  	v12 =	vadd.f32 v12, v15;
	v6 =	vadd.f32 v6, v17;
	v14 =	vmul.f32 $1.442695020e+00, v11;
	v17 =	vld [tilespmem:s15+$0x20]  }
0x11e: {  	v15 =	vmul.f32 $1.442695020e+00, v7;
	v16 =	vadd.f32 v16, v18;
	v18 =	vld [tilespmem:s20+$0x20]  }
0x11f: {  	(erf) = vpow2.f32 v14;
	v14 =	vmul.f32 $1.442695020e+00, v12  }
0x120: {  	v19 =	vmul.f32 $1.442695020e+00, v6;
	(erf) = vpow2.f32 v15;
	v4 =	vadd.f32 v4, v10  }
0x121: {  	(erf) = vpow2.f32 v14;
	v10 =	vmul.f32 $1.442695020e+00, v16  }
0x122: {  	(erf) = vpow2.f32 v19;
	v9 =	vadd.f32 v9, v13;
	v13 =	vmul.f32 $1.442695020e+00, v4  }
0x123: {  	(erf) = vpow2.f32 v10;
	v10 =	vadd.f32 v18, v17  }
0x124: {  	v14 =	vmul.f32 $1.442695020e+00, v9;
	(erf) = vpow2.f32 v13  }
0x125: {  	v13 =	vmul.f32 $1.442695020e+00, v10  }
0x126: {  	(erf) = vpow2.f32 v14;
	_ =	sdelay $0x1  }
0x127: {  	v14 =	vpop (erf);
	(erf) = vpow2.f32 v13  }
0x128: {  	v13 =	vpop (erf)  }
0x129: {  	v15 =	vpop (erf)  }
0x12a: {  	v17 =	vpop (erf)  }
0x12b: {  	v13 =	vadd.f32 $-1.000000000e+00, v13;
	v18 =	vpop (erf)  }
0x12c: {  	v19 =	vpop (erf)  }
0x12d: {  	v13 =	vmul.f32 $1.673263190e+00, v13;
	v19 =	vadd.f32 $-1.000000000e+00, v19  }
0x12e: {  	vm1 =	vgt.f32 v7, $0.0e+00;
	v20 =	vpop (erf)  }
0x12f: {  	v7 =	vsel vm1, v7, v13;
	v13 =	vadd.f32 $-1.000000000e+00, v20;
	v19 =	vmul.f32 $1.673263190e+00, v19  }
0x130: {  	vm1 =	vgt.f32 v4, $0.0e+00;
	v7 =	vmul.f32 $1.050701020e+00, v7;
	v20 =	vpop (erf)  }
0x131: {  	v20 =	vadd.f32 $-1.000000000e+00, v20;
	v13 =	vmul.f32 $1.673263190e+00, v13;
	v4 =	vsel vm1, v4, v19  }
0x132: {  	[tilespmem:s16+$0x70] =	vst v7;
	vm1 =	vgt.f32 v9, $0.0e+00;
	v4 =	vmul.f32 $1.050701020e+00, v4  }
0x133: {  	v7 =	vld [tilespmem:s15+$0x70];
	v19 =	vmul.f32 $1.673263190e+00, v20;
	v9 =	vsel vm1, v9, v13  }
0x134: {  	vm1 =	vgt.f32 v10, $0.0e+00;
	v13 =	vld [tilespmem:s20+$0xB0];
	[tilespmem:s16+$0xFFFFFF80] =	vst v4;
	v4 =	vmul.f32 $1.050701020e+00, v9  }
0x135: {  	v9 =	vsel vm1, v10, v19;
	v10 =	vld [tilespmem:s15+$0xFFFFFFB0]  }
0x136: {  	v9 =	vmul.f32 $1.050701020e+00, v9;
	[tilespmem:s16+$0xFFFFFFD0] =	vst v4;
	v4 =	vld [tilespmem:s20+$0xFFFFFF30]  }
0x137: {  	v19 =	vld [tilespmem:s15+$0xFFFFFFF0]  }
0x138: {  	[tilespmem:s16+$0x20] =	vst v9;
	v9 =	vld [tilespmem:s20+$0xFFFFFFB0]  }
0x139: {  	v7 =	vadd.f32 v13, v7;
	v20 =	vld [tilespmem:s15+$0x30]  }
0x13a: {  	v21 =	vld [tilespmem:s20+$0x30]  }
0x13b: {  	v13 =	vmul.f32 $1.442695020e+00, v7  }
0x13c: {  	v4 =	vadd.f32 v4, v10  }
0x13d: {  	(erf) = vpow2.f32 v13  }
0x13e: {  	v9 =	vadd.f32 v9, v19;
	v10 =	vmul.f32 $1.442695020e+00, v4  }
0x13f: {  	v13 =	vadd.f32 v21, v20  }
0x140: {  	v19 =	vmul.f32 $1.442695020e+00, v9;
	(erf) = vpow2.f32 v10;
	v10 =	vadd.f32 $-1.000000000e+00, v14  }
0x141: {  	v20 =	vmul.f32 $1.442695020e+00, v13  }
0x142: {  	v2 =	vsel vm0, v2, v8;
	(erf) = vpow2.f32 v19;
	v8 =	vmul.f32 $1.673263190e+00, v10  }
0x143: {  	vm0 =	vgt.f32 v11, $0.0e+00;
	(erf) = vpow2.f32 v20;
	v10 =	vadd.f32 $-1.000000000e+00, v15  }
0x144: {  	v8 =	vsel vm0, v11, v8;
	v11 =	vadd.f32 $-1.000000000e+00, v17  }
0x145: {  	v5 =	vmul.f32 $1.050701020e+00, v5;
	v10 =	vmul.f32 $1.673263190e+00, v10  }
0x146: {  	v14 =	vadd.f32 $-1.000000000e+00, v18;
	vm0 =	vgt.f32 v12, $0.0e+00;
	v15 =	vpop (erf);
	v11 =	vmul.f32 $1.673263190e+00, v11  }
0x147: {  	v3 =	vmul.f32 $1.050701020e+00, v3;
	v10 =	vsel vm0, v12, v10;
	v12 =	vadd.f32 $-1.000000000e+00, v15  }
0x148: {  	v2 =	vmul.f32 $1.050701020e+00, v2;
	v14 =	vmul.f32 $1.673263190e+00, v14  }
0x149: {  	vm2 =	vgt.f32 v16, $0.0e+00;
	vm1 =	vgt.f32 v6, $0.0e+00;
	v8 =	vmul.f32 $1.050701020e+00, v8  }
0x14a: {  	[tilespmem:s11+$0xFFFFFF90] =	vst v5;
	vm0 =	vgt.f32 v7, $0.0e+00;
	v5 =	vsel vm1, v6, v11;
	v6 =	vsel vm2, v16, v14;
	v11 =	vpop (erf)  }
0x14b: {  	[tilespmem:s11+$0xFFFFFFE0] =	vst v3;
	v3 =	vmul.f32 $1.050701020e+00, v5;
	v5 =	vmul.f32 $1.673263190e+00, v12;
	v11 =	vadd.f32 $-1.000000000e+00, v11;
	v12 =	vpop (erf)  }
0x14c: {  	[tilespmem:s11+$0x30] =	vst v2;
	v10 =	vmul.f32 $1.050701020e+00, v10;
	v2 =	vmul.f32 $1.050701020e+00, v6;
	v6 =	vadd.f32 $-1.000000000e+00, v12;
	v12 =	vpop (erf)  }
0x14d: {  	[tilespmem:s12+$0x80] =	vst v8;
	v5 =	vsel vm0, v7, v5;
	v7 =	vadd.f32 $-1.000000000e+00, v12;
	v8 =	vmul.f32 $1.673263190e+00, v11  }
0x14e: {  	vm1 =	vgt.f32 v9, $0.0e+00;
	[tilespmem:s12+$0xFFFFFF90] =	vst v10;
	vm0 =	vgt.f32 v4, $0.0e+00;
	v6 =	vmul.f32 $1.673263190e+00, v6  }
0x14f: {  	[tilespmem:s12+$0xFFFFFFE0] =	vst v3;
	v5 =	vmul.f32 $1.050701020e+00, v5;
	v3 =	vsel vm0, v4, v8;
	v4 =	vmul.f32 $1.673263190e+00, v7  }
0x150: {  	[tilespmem:s12+$0x30] =	vst v2;
	vm0 =	vgt.f32 v13, $0.0e+00;
	v2 =	vsel vm1, v9, v6;
	v3 =	vmul.f32 $1.050701020e+00, v3  }
0x151: {  	s0 =	smul.u32 $0x280, s9;
	[tilespmem:s16+$0x80] =	vst v5;
	v4 =	vsel vm0, v13, v4;
	v2 =	vmul.f32 $1.050701020e+00, v2  }
0x152: {  	[tilespmem:s16+$0xFFFFFF90] =	vst v3;
	v3 =	vmul.f32 $1.050701020e+00, v4  }
0x153: {  	s17 =	sadd.s32 $0x2, s10;
	s11 =	sshra.s32 s0, $0x2;
	[tilespmem:s16+$0xFFFFFFE0] =	vst v2  }
0x154: {  	s7 =	smul.u32 $0x140, s17;
	s0 =	sadd.s32 $0x2710, s11;
	[tilespmem:s16+$0x30] =	vst v3  }
0x155: {  	[spmem:s3] =	stream.indirect.scatter.add.f32 [tilespmem:s29], [sflag:$0x5], $0x50, s0, s21, $0xb8;
	[tilespmem:$0x1E820] =	vst v63  }
0x156: {  	s0 =	sadd.s32 s6, s17  }
0x157: {  	s7 =	sshra.s32 s7, $0x2;
	s0 =	smul.u32 $0x500, s0  }
0x158: {  	[tilespmem:s22], [sflag:$0x1] =	stream.indirect.gather [hbm4b:s1+s21], $0x40, s7, s21, $0xb8;
	[tilespmem:$0x1E820] =	vst v63  }
0x159: {  	s0 =	sadd.s32 s5, s0  }
0x15a: {  	[tilespmem:s23], [sflag:$0x3] =	stream.linear.gather [hbm4b:s0+s4], $0x2800, $0x38;
	[tilespmem:$0x1E820] =	vst v63  }
0x15b: {  	s0 =	simm.s32 @!p0 $0x6  }
0x15c: {  	_ =	swait.ge @!p0 [sflag:s0], $0x1900  }
0x15d: {  	[sflag:s0] =	ssyncset.done @!p0 $0x0  }
0x15e: {  	[sflag:s0] =	ssyncadd.s32 @!p0 $0xFFFFE700  }
0x15f: {  	_ =	swait.ge [sflag:s30], $0x1400  }
0x160: {  	[sflag:s30] =	ssyncset.done $0x0  }
0x161: {  	[sflag:s30] =	ssyncadd.s32 $0xFFFFEC00  }
0x162: {  	_ =	swait.ge [sflag:s31], $0x2800  }
0x163: {  	[sflag:s31] =	ssyncset.done $0x0  }
0x164: {  	s17 =	simm.s32 $0x62A0;
	[sflag:s31] =	ssyncadd.s32 $0xFFFFD800  }
0x165: {  	s18 =	simm.s32 $0x9F20;
	v2 =	vld [tilespmem:s17+$0x40]  }
0x166: {  	v3 =	vld [tilespmem:s18+$0x80];
	_ =	sdelay $0x1  }
0x167: {  	v4 =	vld [tilespmem:s18+$0xFFFFFF00]  }
0x168: {  	v5 =	vld [tilespmem:s17+$0xFFFFFFC0]  }
0x169: {  	v6 =	vld [tilespmem:s17+$0x0]  }
0x16a: {  	v2 =	vadd.f32 v3, v2;
	v3 =	vld [tilespmem:s18+$0xFFFFFF80]  }
0x16b: {  	v8 =	vld [tilespmem:s18+$0x0]  }
0x16c: {  	v9 =	vld [tilespmem:s17+$0xFFFFFF80];
	v7 =	vmul.f32 $1.442695020e+00, v2;
	_ =	sdelay $0x1  }
0x16d: {  	(erf) = vpow2.f32 v7  }
0x16e: {  	v3 =	vadd.f32 v3, v5;
	_ =	sdelay $0x1  }
0x16f: {  	v4 =	vadd.f32 v4, v9;
	v5 =	vadd.f32 v8, v6;
	v6 =	vmul.f32 $1.442695020e+00, v3;
	_ =	sdelay $0x1  }
0x170: {  	(erf) = vpow2.f32 v6;
	v6 =	vmul.f32 $1.442695020e+00, v4  }
0x171: {  	v7 =	vmul.f32 $1.442695020e+00, v5;
	_ =	sdelay $0x1  }
0x172: {  	(erf) = vpow2.f32 v7  }
0x173: {  	(erf) = vpow2.f32 v6;
	v6 =	vpop (erf)  }
0x174: {  	v6 =	vadd.f32 $-1.000000000e+00, v6;
	_ =	sdelay $0x1  }
0x175: {  	v6 =	vmul.f32 $1.673263190e+00, v6  }
0x176: {  	vm0 =	vgt.f32 v2, $0.0e+00  }
0x177: {  	v2 =	vsel vm0, v2, v6  }
0x178: {  	v2 =	vmul.f32 $1.050701020e+00, v2;
	_ =	sdelay $0x1  }
0x179: {  	s12 =	simm.s32 $0xDFC0;
	v6 =	vpop (erf)  }
0x17a: {  	v6 =	vadd.f32 $-1.000000000e+00, v6;
	v7 =	vpop (erf);
	[tilespmem:s12+$0x50] =	vst v2  }
0x17b: {  	v8 =	vld [tilespmem:s17+$0x50];
	v2 =	vpop (erf)  }
0x17c: {  	v9 =	vld [tilespmem:s18+$0x90];
	v6 =	vmul.f32 $1.673263190e+00, v6;
	v2 =	vadd.f32 $-1.000000000e+00, v2  }
0x17d: {  	vm0 =	vgt.f32 v3, $0.0e+00  }
0x17e: {  	v3 =	vsel vm0, v3, v6;
	v2 =	vmul.f32 $1.673263190e+00, v2  }
0x17f: {  	vm0 =	vgt.f32 v4, $0.0e+00;
	v3 =	vmul.f32 $1.050701020e+00, v3  }
0x180: {  	v6 =	vadd.f32 $-1.000000000e+00, v7;
	v2 =	vsel vm0, v4, v2  }
0x181: {  	[tilespmem:s12+$0xFFFFFFB0] =	vst v3;
	v3 =	vadd.f32 v9, v8;
	v2 =	vmul.f32 $1.050701020e+00, v2  }
0x182: {  	v4 =	vmul.f32 $1.673263190e+00, v6;
	v6 =	vld [tilespmem:s17+$0xFFFFFFD0]  }
0x183: {  	vm0 =	vgt.f32 v5, $0.0e+00;
	v7 =	vld [tilespmem:s18+$0xFFFFFF90];
	[tilespmem:s12+$0xFFFFFF60] =	vst v2;
	v2 =	vmul.f32 $1.442695020e+00, v3  }
0x184: {  	v4 =	vsel vm0, v5, v4;
	v5 =	vld [tilespmem:s17+$0xFFFFFF90]  }
0x185: {  	v8 =	vld [tilespmem:s18+$0xFFFFFF10];
	(erf) = vpow2.f32 v2  }
0x186: {  	v4 =	vmul.f32 $1.050701020e+00, v4;
	_ =	sdelay $0x1  }
0x187: {  	[tilespmem:s12+$0x0] =	vst v4;
	v6 =	vadd.f32 v7, v6  }
0x188: {  	v2 =	vld [tilespmem:s17+$0x10]  }
0x189: {  	s15 =	simm.s32 $0xA120;
	v4 =	vld [tilespmem:s18+$0x10];
	v5 =	vadd.f32 v8, v5;
	v8 =	vmul.f32 $1.442695020e+00, v6  }
0x18a: {  	s14 =	simm.s32 $0x63A0;
	v9 =	vld [tilespmem:s15+$0x80]  }
0x18b: {  	v7 =	vld [tilespmem:s14+$0x40]  }
0x18c: {  	v10 =	vmul.f32 $1.442695020e+00, v5  }
0x18d: {  	(erf) = vpow2.f32 v8;
	v8 =	vpop (erf)  }
0x18e: {  	v2 =	vadd.f32 v4, v2;
	(erf) = vpow2.f32 v10;
	v8 =	vadd.f32 $-1.000000000e+00, v8  }
0x18f: {  	v12 =	vld [tilespmem:s15+$0xFFFFFF80]  }
0x190: {  	v7 =	vadd.f32 v9, v7;
	v9 =	vld [tilespmem:s14+$0x0];
	v11 =	vmul.f32 $1.442695020e+00, v2;
	v8 =	vmul.f32 $1.673263190e+00, v8  }
0x191: {  	vm0 =	vgt.f32 v3, $0.0e+00;
	v10 =	vld [tilespmem:s14+$0xFFFFFFC0]  }
0x192: {  	(erf) = vpow2.f32 v11;
	v11 =	vld [tilespmem:s15+$0x0];
	v3 =	vsel vm0, v3, v8  }
0x193: {  	v14 =	vld [tilespmem:s14+$0xFFFFFF80];
	v13 =	vmul.f32 $1.442695020e+00, v7;
	v3 =	vmul.f32 $1.050701020e+00, v3  }
0x194: {  	v4 =	vld [tilespmem:s15+$0xFFFFFF00]  }
0x195: {  	(erf) = vpow2.f32 v13  }
0x196: {  	v8 =	vadd.f32 v12, v10;
	v10 =	vpop (erf);
	[tilespmem:s12+$0x60] =	vst v3  }
0x197: {  	v9 =	vadd.f32 v11, v9;
	v11 =	vld [tilespmem:s17+$0x60];
	v3 =	vpop (erf)  }
0x198: {  	v12 =	vmul.f32 $1.442695020e+00, v8;
	v13 =	vld [tilespmem:s18+$0xA0];
	v3 =	vadd.f32 $-1.000000000e+00, v3  }
0x199: {  	v4 =	vadd.f32 v4, v14;
	v14 =	vmul.f32 $1.442695020e+00, v9  }
0x19a: {  	(erf) = vpow2.f32 v12;
	v3 =	vmul.f32 $1.673263190e+00, v3  }
0x19b: {  	vm0 =	vgt.f32 v5, $0.0e+00;
	v10 =	vadd.f32 $-1.000000000e+00, v10;
	v12 =	vmul.f32 $1.442695020e+00, v4;
	v15 =	vpop (erf)  }
0x19c: {  	(erf) = vpow2.f32 v14;
	v14 =	vadd.f32 $-1.000000000e+00, v15;
	v3 =	vsel vm0, v5, v3  }
0x19d: {  	v10 =	vmul.f32 $1.673263190e+00, v10;
	v5 =	vadd.f32 v13, v11;
	v3 =	vmul.f32 $1.050701020e+00, v3  }
0x19e: {  	(erf) = vpow2.f32 v12;
	v12 =	vmul.f32 $1.673263190e+00, v14;
	vm0 =	vgt.f32 v6, $0.0e+00;
	v11 =	vpop (erf)  }
0x19f: {  	v6 =	vsel vm0, v6, v10;
	v10 =	vadd.f32 $-1.000000000e+00, v11;
	[tilespmem:s12+$0xFFFFFF70] =	vst v3;
	v3 =	vmul.f32 $1.442695020e+00, v5  }
0x1a0: {  	vm0 =	vgt.f32 v2, $0.0e+00  }
0x1a1: {  	v6 =	vmul.f32 $1.050701020e+00, v6;
	v2 =	vsel vm0, v2, v12;
	v10 =	vmul.f32 $1.673263190e+00, v10  }
0x1a2: {  	v2 =	vmul.f32 $1.050701020e+00, v2  }
0x1a3: {  	v11 =	vld [tilespmem:s17+$0xFFFFFFA0];
	[tilespmem:s12+$0xFFFFFFC0] =	vst v6;
	(erf) = vpow2.f32 v3;
	v3 =	vpop (erf)  }
0x1a4: {  	vm0 =	vgt.f32 v7, $0.0e+00;
	v6 =	vld [tilespmem:s18+$0xFFFFFF20];
	[tilespmem:s12+$0x10] =	vst v2;
	v2 =	vadd.f32 $-1.000000000e+00, v3  }
0x1a5: {  	v12 =	vld [tilespmem:s17+$0xFFFFFFE0];
	v7 =	vsel vm0, v7, v10;
	v10 =	vpop (erf)  }
0x1a6: {  	v7 =	vmul.f32 $1.050701020e+00, v7;
	v13 =	vld [tilespmem:s17+$0x20];
	v10 =	vadd.f32 $-1.000000000e+00, v10;
	v2 =	vmul.f32 $1.673263190e+00, v2  }
0x1a7: {  	s13 =	simm.s32 $0xE100;
	vm0 =	vgt.f32 v8, $0.0e+00;
	v3 =	vld [tilespmem:s18+$0xFFFFFFA0]  }
0x1a8: {  	v15 =	vld [tilespmem:s18+$0x20];
	[tilespmem:s13+$0x50] =	vst v7;
	v14 =	vpop (erf);
	v2 =	vsel vm0, v8, v2;
	v8 =	vmul.f32 $1.673263190e+00, v10  }
0x1a9: {  	vm1 =	vgt.f32 v9, $0.0e+00;
	v7 =	vadd.f32 $-1.000000000e+00, v14;
	v14 =	vld [tilespmem:s14+$0x50]  }
0x1aa: {  	v6 =	vadd.f32 v6, v11;
	v10 =	vld [tilespmem:s15+$0x90];
	v2 =	vmul.f32 $1.050701020e+00, v2;
	v8 =	vsel vm1, v9, v8  }
0x1ab: {  	v7 =	vmul.f32 $1.673263190e+00, v7  }
0x1ac: {  	vm0 =	vgt.f32 v4, $0.0e+00;
	v3 =	vadd.f32 v3, v12;
	v9 =	vmul.f32 $1.442695020e+00, v6;
	[tilespmem:s13+$0xFFFFFFB0] =	vst v2  }
0x1ad: {  	v4 =	vsel vm0, v4, v7;
	v7 =	vadd.f32 v15, v13;
	v2 =	vmul.f32 $1.050701020e+00, v8;
	v11 =	vld [tilespmem:s14+$0xFFFFFFD0];
	v8 =	vpop (erf)  }
0x1ae: {  	v4 =	vmul.f32 $1.050701020e+00, v4;
	v12 =	vmul.f32 $1.442695020e+00, v3;
	v13 =	vld [tilespmem:s15+$0xFFFFFF90];
	v8 =	vadd.f32 $-1.000000000e+00, v8  }
0x1af: {  	(erf) = vpow2.f32 v9;
	[tilespmem:s13+$0x0] =	vst v2;
	v2 =	vmul.f32 $1.442695020e+00, v7;
	v9 =	vadd.f32 v10, v14  }
0x1b0: {  	[tilespmem:s13+$0xFFFFFF60] =	vst v4;
	(erf) = vpow2.f32 v12;
	v4 =	vld [tilespmem:s14+$0x10];
	v8 =	vmul.f32 $1.673263190e+00, v8  }
0x1b1: {  	vm0 =	vgt.f32 v5, $0.0e+00;
	v10 =	vld [tilespmem:s14+$0xFFFFFF90];
	(erf) = vpow2.f32 v2;
	v2 =	vmul.f32 $1.442695020e+00, v9  }
0x1b2: {  	v12 =	vld [tilespmem:s15+$0xFFFFFF10];
	v5 =	vsel vm0, v5, v8  }
0x1b3: {  	(erf) = vpow2.f32 v2;
	v2 =	vadd.f32 v13, v11;
	v8 =	vld [tilespmem:s15+$0x10];
	v5 =	vmul.f32 $1.050701020e+00, v5;
	_ =	sdelay $0x1  }
0x1b4: {  	s20 =	simm.s32 $0xA320;
	[tilespmem:s12+$0x70] =	vst v5;
	v5 =	vmul.f32 $1.442695020e+00, v2  }
0x1b5: {  	v17 =	vld [tilespmem:s20+$0x80]  }
0x1b6: {  	v11 =	vld [tilespmem:s17+$0x70]  }
0x1b7: {  	s16 =	simm.s32 $0x64A0;
	v10 =	vadd.f32 v12, v10;
	v12 =	vld [tilespmem:s18+$0xB0];
	v4 =	vadd.f32 v8, v4  }
0x1b8: {  	v14 =	vld [tilespmem:s16+$0x40];
	(erf) = vpow2.f32 v5;
	v5 =	vpop (erf)  }
0x1b9: {  	v8 =	vmul.f32 $1.442695020e+00, v10;
	v15 =	vmul.f32 $1.442695020e+00, v4;
	v5 =	vadd.f32 $-1.000000000e+00, v5  }
0x1ba: {  	vm2 =	vgt.f32 v6, $0.0e+00;
	vm1 =	vgt.f32 v3, $0.0e+00;
	v13 =	vpop (erf)  }
0x1bb: {  	v19 =	vld [tilespmem:s16+$0x0];
	(erf) = vpow2.f32 v8;
	v13 =	vadd.f32 $-1.000000000e+00, v13;
	v16 =	vpop (erf);
	v5 =	vmul.f32 $1.673263190e+00, v5  }
0x1bc: {  	(erf) = vpow2.f32 v15;
	v11 =	vadd.f32 v12, v11;
	v12 =	vld [tilespmem:s16+$0xFFFFFFC0];
	v8 =	vadd.f32 $-1.000000000e+00, v16  }
0x1bd: {  	v14 =	vadd.f32 v17, v14;
	v16 =	vld [tilespmem:s20+$0xFFFFFF00];
	v13 =	vmul.f32 $1.673263190e+00, v13;
	v15 =	vpop (erf);
	v5 =	vsel vm2, v6, v5  }
0x1be: {  	v6 =	vmul.f32 $1.673263190e+00, v8;
	v8 =	vld [tilespmem:s20+$0xFFFFFF80];
	v15 =	vadd.f32 $-1.000000000e+00, v15;
	v5 =	vmul.f32 $1.050701020e+00, v5  }
0x1bf: {  	vm3 =	vgt.f32 v7, $0.0e+00;
	v18 =	vmul.f32 $1.442695020e+00, v11;
	v3 =	vsel vm1, v3, v13;
	v13 =	vld [tilespmem:s20+$0x0]  }
0x1c0: {  	v17 =	vmul.f32 $1.442695020e+00, v14;
	v15 =	vmul.f32 $1.673263190e+00, v15;
	v6 =	vsel vm3, v7, v6;
	v7 =	vld [tilespmem:s16+$0xFFFFFF80]  }
0x1c1: {  	(erf) = vpow2.f32 v18;
	vm1 =	vgt.f32 v9, $0.0e+00  }
0x1c2: {  	v3 =	vmul.f32 $1.050701020e+00, v3;
	[tilespmem:s12+$0xFFFFFF80] =	vst v5;
	v9 =	vsel vm1, v9, v15;
	v5 =	vpop (erf);
	(erf) = vpow2.f32 v17  }
0x1c3: {  	vm0 =	vgt.f32 v2, $0.0e+00;
	v15 =	vld [tilespmem:s17+$0xFFFFFFB0];
	v8 =	vadd.f32 v8, v12;
	v9 =	vmul.f32 $1.050701020e+00, v9  }
0x1c4: {  	v6 =	vmul.f32 $1.050701020e+00, v6;
	[tilespmem:s12+$0xFFFFFFD0] =	vst v3;
	v3 =	vld [tilespmem:s18+$0xFFFFFF30];
	v5 =	vadd.f32 $-1.000000000e+00, v5;
	v12 =	vpop (erf);
	v13 =	vadd.f32 v13, v19  }
0x1c5: {  	v17 =	vld [tilespmem:s17+$0xFFFFFFF0];
	v18 =	vmul.f32 $1.442695020e+00, v8;
	[tilespmem:s13+$0x60] =	vst v9;
	v9 =	vadd.f32 $-1.000000000e+00, v12;
	v12 =	vpop (erf);
	v7 =	vadd.f32 v16, v7  }
0x1c6: {  	v5 =	vmul.f32 $1.673263190e+00, v5;
	v16 =	vld [tilespmem:s14+$0x60];
	v12 =	vadd.f32 $-1.000000000e+00, v12;
	v19 =	vmul.f32 $1.442695020e+00, v13  }
0x1c7: {  	vm4 =	vgt.f32 v10, $0.0e+00;
	(erf) = vpow2.f32 v18;
	v18 =	vld [tilespmem:s15+$0xA0];
	v9 =	vmul.f32 $1.673263190e+00, v9  }
0x1c8: {  	vm5 =	vgt.f32 v4, $0.0e+00;
	v20 =	vld [tilespmem:s18+$0xFFFFFFB0];
	[tilespmem:s12+$0x20] =	vst v6;
	v60 =	vmul.f32 $1.442695020e+00, v7;
	v6 =	vmul.f32 $1.673263190e+00, v12  }
0x1c9: {  	(erf) = vpow2.f32 v19;
	v12 =	vld [tilespmem:s17+$0x30];
	v2 =	vsel vm0, v2, v5;
	v9 =	vsel vm4, v10, v9  }
0x1ca: {  	v10 =	vld [tilespmem:s18+$0x30];
	v5 =	vpop (erf);
	(erf) = vpow2.f32 v60;
	v4 =	vsel vm5, v4, v6;
	v6 =	vmul.f32 $1.050701020e+00, v9  }
0x1cb: {  	v3 =	vadd.f32 v3, v15;
	v5 =	vadd.f32 $-1.000000000e+00, v5;
	v15 =	vpop (erf)  }
0x1cc: {  	v2 =	vmul.f32 $1.050701020e+00, v2;
	v9 =	vadd.f32 v18, v16;
	[tilespmem:s13+$0xFFFFFF70] =	vst v6;
	v6 =	vadd.f32 $-1.000000000e+00, v15  }
0x1cd: {  	vm0 =	vgt.f32 v11, $0.0e+00;
	v4 =	vmul.f32 $1.050701020e+00, v4;
	v5 =	vmul.f32 $1.673263190e+00, v5  }
0x1ce: {  	[tilespmem:s13+$0xFFFFFFC0] =	vst v2;
	v16 =	vadd.f32 v20, v17;
	v15 =	vld [tilespmem:s14+$0xFFFFFFA0];
	v17 =	vmul.f32 $1.442695020e+00, v9;
	v6 =	vmul.f32 $1.673263190e+00, v6  }
0x1cf: {  	[tilespmem:s13+$0x10] =	vst v4;
	v2 =	vadd.f32 v10, v12;
	v12 =	vld [tilespmem:s14+$0xFFFFFFE0];
	v5 =	vsel vm0, v11, v5;
	vm0 =	vgt.f32 v14, $0.0e+00  }
0x1d0: {  	vm1 =	vgt.f32 v8, $0.0e+00;
	v18 =	vmul.f32 $1.442695020e+00, v3;
	v20 =	vld [tilespmem:s14+$0x20];
	v10 =	vpop (erf);
	v6 =	vsel vm0, v14, v6  }
0x1d1: {  	v19 =	vmul.f32 $1.442695020e+00, v16;
	v11 =	vld [tilespmem:s15+$0xFFFFFF20];
	(erf) = vpow2.f32 v17;
	v4 =	vadd.f32 $-1.000000000e+00, v10  }
0x1d2: {  	vm2 =	vgt.f32 v13, $0.0e+00;
	v17 =	vmul.f32 $1.050701020e+00, v5;
	v5 =	vld [tilespmem:s15+$0xFFFFFFA0];
	v14 =	vpop (erf);
	(erf) = vpow2.f32 v18  }
0x1d3: {  	v61 =	vld [tilespmem:s15+$0x20];
	v14 =	vadd.f32 $-1.000000000e+00, v14;
	v18 =	vmul.f32 $1.050701020e+00, v6;
	v4 =	vmul.f32 $1.673263190e+00, v4;
	v6 =	vpop (erf)  }
0x1d4: {  	vm3 =	vgt.f32 v7, $0.0e+00;
	v10 =	vmul.f32 $1.442695020e+00, v2;
	v22 =	vadd.f32 $-1.000000000e+00, v6  }
0x1d5: {  	(erf) = vpow2.f32 v19;
	v4 =	vsel vm1, v8, v4;
	v8 =	vmul.f32 $1.673263190e+00, v14  }
0x1d6: {  	s17 =	simm.s32 $0xE240;
	v6 =	vadd.f32 v11, v15;
	v4 =	vmul.f32 $1.050701020e+00, v4;
	v11 =	vmul.f32 $1.673263190e+00, v22  }
0x1d7: {  	(erf) = vpow2.f32 v10;
	[tilespmem:s17+$0x50] =	vst v18;
	v10 =	vadd.f32 v5, v12;
	v5 =	vsel vm2, v13, v8  }
0x1d8: {  	[tilespmem:s17+$0xFFFFFFB0] =	vst v4;
	v4 =	vmul.f32 $1.050701020e+00, v5;
	v11 =	vsel vm3, v7, v11;
	v7 =	vadd.f32 v61, v20  }
0x1d9: {  	v14 =	vld [tilespmem:s16+$0x50]  }
0x1da: {  	v8 =	vld [tilespmem:s20+$0x90];
	v12 =	vmul.f32 $1.442695020e+00, v6;
	[tilespmem:s17+$0x0] =	vst v4;
	v4 =	vmul.f32 $1.442695020e+00, v7  }
0x1db: {  	v13 =	vmul.f32 $1.442695020e+00, v10;
	v18 =	vld [tilespmem:s20+$0xFFFFFF90];
	v5 =	vmul.f32 $1.050701020e+00, v11  }
0x1dc: {  	v15 =	vpop (erf);
	(erf) = vpow2.f32 v12;
	v11 =	vld [tilespmem:s16+$0xFFFFFFD0]  }
0x1dd: {  	vm7 =	vgt.f32 v3, $0.0e+00;
	v15 =	vadd.f32 $-1.000000000e+00, v15;
	(erf) = vpow2.f32 v13;
	v19 =	vld [tilespmem:s16+$0x10];
	[tilespmem:s17+$0xFFFFFF60] =	vst v5  }
0x1de: {  	vm0 =	vgt.f32 v2, $0.0e+00;
	vm1 =	vgt.f32 v9, $0.0e+00;
	v5 =	vld [tilespmem:s16+$0xFFFFFF90];
	(erf) = vpow2.f32 v4;
	v4 =	vpop (erf)  }
0x1df: {  	v12 =	vadd.f32 v8, v14;
	v8 =	vmul.f32 $1.673263190e+00, v15;
	v13 =	vld [tilespmem:s20+$0xFFFFFF10];
	v14 =	vadd.f32 $-1.000000000e+00, v4  }
0x1e0: {  	vm2 =	vgt.f32 v16, $0.0e+00;
	vm4 =	vgt.f32 v6, $0.0e+00;
	vm5 =	vgt.f32 v10, $0.0e+00;
	v15 =	vld [tilespmem:s20+$0x10]  }
0x1e1: {  	v20 =	vmul.f32 $1.442695020e+00, v12;
	v8 =	vsel vm1, v9, v8;
	v4 =	vpop (erf);
	v14 =	vmul.f32 $1.673263190e+00, v14  }
0x1e2: {  	v9 =	vadd.f32 $-1.000000000e+00, v4;
	v62 =	vpop (erf);
	v4 =	vadd.f32 v18, v11;
	v18 =	vmul.f32 $1.050701020e+00, v8  }
0x1e3: {  	vm6 =	vgt.f32 v7, $0.0e+00;
	(erf) = vpow2.f32 v20;
	v8 =	vadd.f32 $-1.000000000e+00, v62  }
0x1e4: {  	v11 =	vadd.f32 v13, v5;
	v20 =	vmul.f32 $1.442695020e+00, v4;
	v63 =	vmul.f32 $1.673263190e+00, v9;
	[tilespmem:s13+$0x70] =	vst v18  }
0x1e5: {  	vm1 =	vgt.f32 v4, $0.0e+00;
	v9 =	vadd.f32 v15, v19;
	v5 =	vsel vm7, v3, v14;
	v13 =	vld [tilespmem:s14+$0x70];
	v14 =	vpop (erf)  }
0x1e6: {  	(erf) = vpow2.f32 v20;
	v3 =	vsel vm2, v16, v63;
	v16 =	vadd.f32 $-1.000000000e+00, v14;
	v14 =	vld [tilespmem:s15+$0xB0]  }
0x1e7: {  	v8 =	vmul.f32 $1.673263190e+00, v8;
	vm3 =	vgt.f32 v11, $0.0e+00;
	v15 =	vmul.f32 $1.442695020e+00, v11;
	v18 =	vpop (erf)  }
0x1e8: {  	s7 =	simm.s32 $0x8;
	s0 =	simm.s32 $0xA320;
	s18 =	simm.s32 $0x65A0;
	[tilespmem:s12+$0x80] =	vst v17;
	vm2 =	vgt.f32 v9, $0.0e+00;
	v17 =	vmul.f32 $1.442695020e+00, v9;
	v18 =	vadd.f32 $-1.000000000e+00, v18;
	v19 =	vpop (erf)  }
.LBB2_9:
0x1e9: {  	v20 =	vld [tilespmem:s18+$0x40];
	s20 =	sadd.s32 $0x200, s20;
	(erf) = vpow2.f32 v15;
	v15 =	vmul.f32 $1.673263190e+00, v16;
	v21 =	vadd.f32 $-1.000000000e+00, v19  }
0x1ea: {  	v2 =	vsel vm0, v2, v8;
	v19 =	vld [tilespmem:s20+$0x80];
	(erf) = vpow2.f32 v17;
	v17 =	vmul.f32 $1.673263190e+00, v18  }
0x1eb: {  	v8 =	vld [tilespmem:s20+$0xFFFFFF00];
	v6 =	vsel vm4, v6, v15;
	v15 =	vmul.f32 $1.673263190e+00, v21;
	v13 =	vadd.f32 v14, v13  }
0x1ec: {  	v5 =	vmul.f32 $1.050701020e+00, v5;
	v14 =	vld [tilespmem:s18+$0xFFFFFFC0];
	v16 =	vpop (erf);
	v6 =	vmul.f32 $1.050701020e+00, v6;
	v10 =	vsel vm5, v10, v17  }
0x1ed: {  	s7 =	sadd.s32 $0x4, s7;
	v17 =	vld [tilespmem:s20+$0xFFFFFF80];
	v16 =	vadd.f32 $-1.000000000e+00, v16;
	v7 =	vsel vm6, v7, v15;
	v15 =	vmul.f32 $1.442695020e+00, v13  }
0x1ee: {  	p0 =	slt.u32 s7, $0x4C;
	v18 =	vld [tilespmem:s18+$0x0];
	[tilespmem:s13+$0xFFFFFF80] =	vst v6;
	v6 =	vmul.f32 $1.050701020e+00, v10;
	v7 =	vmul.f32 $1.050701020e+00, v7  }
0x1ef: {  	v10 =	vld [tilespmem:s20+$0x0];
	v19 =	vadd.f32 v19, v20;
	v16 =	vmul.f32 $1.673263190e+00, v16;
	v20 =	vpop (erf);
	(erf) = vpow2.f32 v15;
	[tilespmem:s12+$0xFFFFFF90] =	vst v5  }
0x1f0: {  	vm0 =	vgt.f32 v12, $0.0e+00;
	v3 =	vmul.f32 $1.050701020e+00, v3;
	v5 =	vld [tilespmem:s18+$0xFFFFFF80];
	v20 =	vadd.f32 $-1.000000000e+00, v20;
	[tilespmem:s13+$0xFFFFFFD0] =	vst v6  }
0x1f1: {  	v2 =	vmul.f32 $1.050701020e+00, v2;
	v21 =	vmul.f32 $1.442695020e+00, v19;
	v12 =	vsel vm0, v12, v16;
	v16 =	vld [tilespmem:s14+$0xFFFFFFB0];
	[tilespmem:s13+$0x20] =	vst v7  }
0x1f2: {  	v7 =	vadd.f32 v17, v14;
	v14 =	vmul.f32 $1.673263190e+00, v20;
	v12 =	vmul.f32 $1.050701020e+00, v12;
	v15 =	vpop (erf);
	v17 =	vld [tilespmem:s15+$0xFFFFFF30];
	[tilespmem:s12+$0xFFFFFFE0] =	vst v3  }
0x1f3: {  	(erf) = vpow2.f32 v21;
	v3 =	vadd.f32 $-1.000000000e+00, v15;
	v6 =	vpop (erf);
	v15 =	vld [tilespmem:s14+$0xFFFFFFF0];
	[tilespmem:s12+$0x30] =	vst v2;
	s12 =	smov.u32 s13;
	s13 =	smov.u32 s17  }
0x1f4: {  	vm0 =	vgt.f32 v7, $0.0e+00;
	v2 =	vmul.f32 $1.442695020e+00, v7;
	v18 =	vadd.f32 v10, v18;
	[tilespmem:s17+$0x60] =	vst v12;
	v10 =	vld [tilespmem:s15+$0xFFFFFFB0]  }
0x1f5: {  	v6 =	vadd.f32 $-1.000000000e+00, v6;
	v5 =	vadd.f32 v8, v5;
	v3 =	vmul.f32 $1.673263190e+00, v3;
	v8 =	vld [tilespmem:s16+$0x60]  }
0x1f6: {  	vm4 =	vgt.f32 v18, $0.0e+00;
	v22 =	vmul.f32 $1.442695020e+00, v18;
	(erf) = vpow2.f32 v2;
	v2 =	vld [tilespmem:s0+$0xA0]  }
0x1f7: {  	v6 =	vmul.f32 $1.673263190e+00, v6;
	vm5 =	vgt.f32 v5, $0.0e+00;
	v20 =	vmul.f32 $1.442695020e+00, v5;
	v21 =	vld [tilespmem:s14+$0x30];
	s14 =	smov.u32 s16;
	s16 =	smov.u32 s18  }
0x1f8: {  	v4 =	vsel vm1, v4, v14;
	v3 =	vsel vm3, v11, v3;
	(erf) = vpow2.f32 v22;
	v11 =	vld [tilespmem:s15+$0x30];
	v12 =	vpop (erf);
	s15 =	smov.u32 s0;
	s0 =	smov.u32 s20  }
0x1f9: {  	v6 =	vsel vm2, v9, v6;
	(erf) = vpow2.f32 v20;
	v12 =	vadd.f32 $-1.000000000e+00, v12  }
0x1fa: {  	v4 =	vmul.f32 $1.050701020e+00, v4;
	v14 =	vadd.f32 v17, v16;
	v3 =	vmul.f32 $1.050701020e+00, v3  }
0x1fb: {  	v6 =	vmul.f32 $1.050701020e+00, v6;
	v8 =	vadd.f32 v2, v8;
	v2 =	vmul.f32 $1.673263190e+00, v12  }
0x1fc: {  	vm1 =	vgt.f32 v13, $0.0e+00;
	v15 =	vadd.f32 v10, v15;
	v9 =	vpop (erf);
	[tilespmem:s17+$0xFFFFFF70] =	vst v3;
	v3 =	vmul.f32 $1.442695020e+00, v14  }
0x1fd: {  	v9 =	vadd.f32 $-1.000000000e+00, v9;
	v10 =	vld [tilespmem:s14+$0xFFFFFFA0];
	[tilespmem:s17+$0xFFFFFFC0] =	vst v4;
	v4 =	vmul.f32 $1.442695020e+00, v8;
	v12 =	vsel vm1, v13, v2  }
0x1fe: {  	v16 =	vmul.f32 $1.442695020e+00, v15;
	v2 =	vadd.f32 v11, v21;
	v13 =	vld [tilespmem:s15+$0xFFFFFF20];
	[tilespmem:s17+$0x10] =	vst v6;
	v6 =	vmul.f32 $1.050701020e+00, v12  }
0x1ff: {  	vm2 =	vgt.f32 v14, $0.0e+00;
	v20 =	vmul.f32 $1.673263190e+00, v9;
	v11 =	vpop (erf);
	v12 =	vld [tilespmem:s14+$0xFFFFFFE0];
	(erf) = vpow2.f32 v4  }
0x200: {  	vm1 =	vgt.f32 v19, $0.0e+00;
	v17 =	vmul.f32 $1.442695020e+00, v2;
	v4 =	vadd.f32 $-1.000000000e+00, v11;
	v11 =	vld [tilespmem:s15+$0xFFFFFFA0];
	[tilespmem:s12+$0x80] =	vst v6  }
0x201: {  	vm3 =	vgt.f32 v15, $0.0e+00;
	v20 =	vsel vm1, v19, v20;
	v9 =	vpop (erf);
	v19 =	vld [tilespmem:s14+$0x20];
	(erf) = vpow2.f32 v3  }
0x202: {  	v3 =	vmul.f32 $1.673263190e+00, v4;
	v4 =	vadd.f32 $-1.000000000e+00, v9;
	v9 =	vmul.f32 $1.050701020e+00, v20;
	v6 =	vpop (erf);
	v20 =	vld [tilespmem:s15+$0x20]  }
0x203: {  	s17 =	sadd.s32 $0x140, s17;
	v21 =	vadd.f32 $-1.000000000e+00, v6;
	v6 =	vadd.f32 v13, v10;
	(erf) = vpow2.f32 v16  }
0x204: {  	v3 =	vsel vm0, v7, v3;
	v4 =	vmul.f32 $1.673263190e+00, v4;
	[tilespmem:s17+$0x50] =	vst v9;
	(erf) = vpow2.f32 v17  }
0x205: {  	v7 =	vmul.f32 $1.673263190e+00, v21;
	v3 =	vmul.f32 $1.050701020e+00, v3;
	v9 =	vld [tilespmem:s18+$0x50];
	v10 =	vadd.f32 v11, v12  }
0x206: {  	v12 =	vmul.f32 $1.442695020e+00, v6;
	v4 =	vsel vm4, v18, v4;
	v11 =	vld [tilespmem:s20+$0x90];
	vm4 =	vgt.f32 v6, $0.0e+00  }
0x207: {  	v5 =	vsel vm5, v5, v7;
	[tilespmem:s17+$0xFFFFFFB0] =	vst v3;
	v3 =	vmul.f32 $1.050701020e+00, v4;
	v7 =	vadd.f32 v20, v19  }
0x208: {  	vm5 =	vgt.f32 v10, $0.0e+00;
	v13 =	vmul.f32 $1.442695020e+00, v10;
	v19 =	vmul.f32 $1.050701020e+00, v5;
	v5 =	vld [tilespmem:s18+$0xFFFFFFD0];
	v16 =	vpop (erf)  }
0x209: {  	vm0 =	vgt.f32 v2, $0.0e+00;
	v17 =	vld [tilespmem:s20+$0xFFFFFF90]  }
0x20a: {  	[tilespmem:s17+$0x0] =	vst v3;
	v3 =	vmul.f32 $1.442695020e+00, v7;
	v16 =	vadd.f32 $-1.000000000e+00, v16;
	(erf) = vpow2.f32 v12  }
0x20b: {  	vm6 =	vgt.f32 v7, $0.0e+00;
	[tilespmem:s17+$0xFFFFFF60] =	vst v19;
	v18 =	vld [tilespmem:s18+$0x10];
	(erf) = vpow2.f32 v13;
	v4 =	vpop (erf);
	v12 =	vadd.f32 v11, v9  }
0x20c: {  	v13 =	vld [tilespmem:s18+$0xFFFFFF90];
	v9 =	vmul.f32 $1.673263190e+00, v16;
	(erf) = vpow2.f32 v3  }
0x20d: {  	vm1 =	vgt.f32 v8, $0.0e+00;
	v11 =	vadd.f32 $-1.000000000e+00, v4;
	v3 =	vld [tilespmem:s20+$0xFFFFFF10];
	v4 =	vpop (erf);
	v19 =	vmul.f32 $1.442695020e+00, v12  }
0x20e: {  	v16 =	vld [tilespmem:s20+$0x10];
	v8 =	vsel vm1, v8, v9;
	v9 =	vadd.f32 $-1.000000000e+00, v4;
	v20 =	vpop (erf);
	v4 =	vadd.f32 v17, v5  }
0x20f: {  	v5 =	vmul.f32 $1.050701020e+00, v8;
	v8 =	vadd.f32 $-1.000000000e+00, v20;
	v17 =	vmul.f32 $1.673263190e+00, v11  }
0x210: {  	(erf) = vpow2.f32 v19;
	v20 =	vmul.f32 $1.673263190e+00, v9  }
.Ltmp3:
0x211: {  	vm1 =	vgt.f32 v4, $0.0e+00;
	v19 =	vmul.f32 $1.442695020e+00, v4;
	[tilespmem:s13+$0x70] =	vst v5;
	(pc) =	sbr.rel @p0 .LBB2_9-.Ltmp3, $4  }
0x212: {  	v5 =	vsel vm2, v14, v17;
	v8 =	vmul.f32 $1.673263190e+00, v8;
	v11 =	vadd.f32 v3, v13;
	v13 =	vld [tilespmem:s14+$0x70]  }
0x213: {  	v3 =	vsel vm3, v15, v20;
	v9 =	vadd.f32 v16, v18;
	(erf) = vpow2.f32 v19;
	v14 =	vld [tilespmem:s15+$0xB0];
	v16 =	vpop (erf)  }
0x214: {  	vm3 =	vgt.f32 v11, $0.0e+00;
	v15 =	vmul.f32 $1.442695020e+00, v11;
	v16 =	vadd.f32 $-1.000000000e+00, v16;
	v18 =	vpop (erf)  }
0x215: {  	s18 =	sadd.s32 $0x100, s18;
	vm2 =	vgt.f32 v9, $0.0e+00;
	v17 =	vmul.f32 $1.442695020e+00, v9;
	v18 =	vadd.f32 $-1.000000000e+00, v18;
	v19 =	vpop (erf)  }
0x216: {  	(erf) = vpow2.f32 v15;
	_ =	sdelay $0x3  }
0x217: {  	v36 =	vmul.f32 $1.673263190e+00, v16;
	(erf) = vpow2.f32 v17  }
0x218: {  	v37 =	vpop (erf)  }
0x219: {  	v38 =	vmul.f32 $1.673263190e+00, v18;
	v6 =	vsel vm4, v6, v36;
	v39 =	vadd.f32 $-1.000000000e+00, v37  }
0x21a: {  	v6 =	vmul.f32 $1.050701020e+00, v6  }
0x21b: {  	v40 =	vadd.f32 $-1.000000000e+00, v19;
	v10 =	vsel vm5, v10, v38;
	v15 =	vmul.f32 $1.673263190e+00, v39;
	v41 =	vpop (erf)  }
0x21c: {  	vm15 =	vgt.f32 v12, $0.0e+00;
	v42 =	vmul.f32 $1.050701020e+00, v10;
	[tilespmem:s13+$0xFFFFFF80] =	vst v6;
	v43 =	vpop (erf)  }
0x21d: {  	v16 =	vmul.f32 $1.673263190e+00, v40;
	v44 =	vld [tilespmem:s14+$0xFFFFFFB0];
	v12 =	vsel vm15, v12, v15;
	v10 =	vadd.f32 $-1.000000000e+00, v43  }
0x21e: {  	[tilespmem:s13+$0xFFFFFFD0] =	vst v42;
	v46 =	vld [tilespmem:s15+$0xFFFFFF30];
	v45 =	vmul.f32 $1.050701020e+00, v12  }
0x21f: {  	v7 =	vsel vm6, v7, v16;
	v47 =	vadd.f32 $-1.000000000e+00, v41;
	v48 =	vld [tilespmem:s14+$0xFFFFFFF0];
	v10 =	vmul.f32 $1.673263190e+00, v10  }
0x220: {  	v7 =	vmul.f32 $1.050701020e+00, v7;
	v50 =	vld [tilespmem:s15+$0xFFFFFFB0];
	v49 =	vpop (erf);
	[tilespmem:s17+$0x60] =	vst v45  }
0x221: {  	v16 =	vmul.f32 $1.673263190e+00, v47;
	v18 =	vadd.f32 $-1.000000000e+00, v49;
	v51 =	vld [tilespmem:s16+$0x60];
	v10 =	vsel vm3, v11, v10  }
0x222: {  	[tilespmem:s13+$0x20] =	vst v7;
	v52 =	vld [tilespmem:s0+$0xA0];
	v10 =	vmul.f32 $1.050701020e+00, v10  }
0x223: {  	v54 =	vld [tilespmem:s14+$0x30];
	v4 =	vsel vm1, v4, v16;
	v53 =	vmul.f32 $1.673263190e+00, v18  }
0x224: {  	v55 =	vld [tilespmem:s15+$0x30];
	v4 =	vmul.f32 $1.050701020e+00, v4;
	[tilespmem:s17+$0xFFFFFF70] =	vst v10  }
0x225: {  	v9 =	vsel vm2, v9, v53;
	v10 =	vld [tilespmem:s16+$0xFFFFFFA0]  }
0x226: {  	v56 =	vadd.f32 v14, v13;
	[tilespmem:s17+$0xFFFFFFC0] =	vst v4;
	v9 =	vmul.f32 $1.050701020e+00, v9;
	v57 =	vld [tilespmem:s0+$0xFFFFFF20]  }
0x227: {  	v58 =	vld [tilespmem:s16+$0xFFFFFFE0];
	v7 =	vadd.f32 v52, v51  }
0x228: {  	v14 =	vmul.f32 $1.442695020e+00, v56;
	v12 =	vadd.f32 v46, v44;
	v59 =	vld [tilespmem:s0+$0xFFFFFFA0];
	[tilespmem:s17+$0x10] =	vst v9  }
0x229: {  	v6 =	vadd.f32 v50, v48;
	v60 =	vmul.f32 $1.442695020e+00, v7;
	v61 =	vld [tilespmem:s16+$0x20]  }
0x22a: {  	(erf) = vpow2.f32 v14;
	v62 =	vmul.f32 $1.442695020e+00, v12;
	v16 =	vadd.f32 v55, v54;
	v63 =	vld [tilespmem:s0+$0x20]  }
0x22b: {  	v21 =	vmul.f32 $1.442695020e+00, v6;
	(erf) = vpow2.f32 v60;
	v4 =	vadd.f32 v57, v10  }
0x22c: {  	v22 =	vmul.f32 $1.442695020e+00, v16;
	(erf) = vpow2.f32 v62  }
0x22d: {  	v9 =	vadd.f32 v59, v58;
	(erf) = vpow2.f32 v21;
	v23 =	vmul.f32 $1.442695020e+00, v4  }
0x22e: {  	(erf) = vpow2.f32 v22  }
0x22f: {  	v25 =	vmul.f32 $1.442695020e+00, v9;
	v24 =	vadd.f32 v63, v61;
	(erf) = vpow2.f32 v23;
	_ =	sdelay $0x1  }
0x230: {  	v26 =	vmul.f32 $1.442695020e+00, v24;
	(erf) = vpow2.f32 v25;
	_ =	sdelay $0x1  }
0x231: {  	v27 =	vpop (erf);
	(erf) = vpow2.f32 v26  }
0x232: {  	v28 =	vpop (erf)  }
0x233: {  	v29 =	vpop (erf)  }
0x234: {  	v30 =	vpop (erf)  }
0x235: {  	v13 =	vadd.f32 $-1.000000000e+00, v28;
	v31 =	vpop (erf)  }
0x236: {  	v32 =	vpop (erf)  }
0x237: {  	v13 =	vmul.f32 $1.673263190e+00, v13;
	v19 =	vadd.f32 $-1.000000000e+00, v32  }
0x238: {  	vm4 =	vgt.f32 v7, $0.0e+00;
	v20 =	vpop (erf)  }
0x239: {  	v7 =	vsel vm4, v7, v13;
	v33 =	vadd.f32 $-1.000000000e+00, v20;
	v19 =	vmul.f32 $1.673263190e+00, v19  }
0x23a: {  	vm5 =	vgt.f32 v4, $0.0e+00;
	v7 =	vmul.f32 $1.050701020e+00, v7;
	v34 =	vpop (erf)  }
0x23b: {  	v20 =	vadd.f32 $-1.000000000e+00, v34;
	v13 =	vmul.f32 $1.673263190e+00, v33;
	v4 =	vsel vm5, v4, v19  }
0x23c: {  	vm6 =	vgt.f32 v9, $0.0e+00;
	[tilespmem:s17+$0x70] =	vst v7;
	v4 =	vmul.f32 $1.050701020e+00, v4  }
0x23d: {  	v7 =	vld [tilespmem:s16+$0x70];
	v35 =	vmul.f32 $1.673263190e+00, v20;
	v9 =	vsel vm6, v9, v13  }
0x23e: {  	vm7 =	vgt.f32 v24, $0.0e+00;
	v36 =	vld [tilespmem:s0+$0xB0];
	v37 =	vmul.f32 $1.050701020e+00, v9;
	[tilespmem:s17+$0xFFFFFF80] =	vst v4  }
0x23f: {  	v38 =	vsel vm7, v24, v35;
	v39 =	vld [tilespmem:s16+$0xFFFFFFB0]  }
0x240: {  	v9 =	vmul.f32 $1.050701020e+00, v38;
	[tilespmem:s17+$0xFFFFFFD0] =	vst v37;
	v40 =	vld [tilespmem:s0+$0xFFFFFF30]  }
0x241: {  	v41 =	vld [tilespmem:s16+$0xFFFFFFF0]  }
0x242: {  	[tilespmem:s17+$0x20] =	vst v9;
	v42 =	vld [tilespmem:s0+$0xFFFFFFB0]  }
0x243: {  	v43 =	vld [tilespmem:s16+$0x30]  }
0x244: {  	v21 =	vld [tilespmem:s0+$0x30];
	_ =	sdelay $0x1  }
0x245: {  	v7 =	vadd.f32 v36, v7  }
0x246: {  	v4 =	vadd.f32 v40, v39  }
0x247: {  	v44 =	vmul.f32 $1.442695020e+00, v7;
	v9 =	vadd.f32 v42, v41  }
0x248: {  	v45 =	vmul.f32 $1.442695020e+00, v4;
	v46 =	vadd.f32 v21, v43  }
0x249: {  	(erf) = vpow2.f32 v44;
	v19 =	vmul.f32 $1.442695020e+00, v9  }
0x24a: {  	(erf) = vpow2.f32 v45;
	v47 =	vmul.f32 $1.442695020e+00, v46  }
0x24b: {  	(erf) = vpow2.f32 v19  }
0x24c: {  	v5 =	vmul.f32 $1.050701020e+00, v5;
	v2 =	vsel vm0, v2, v8;
	(erf) = vpow2.f32 v47  }
0x24d: {  	v3 =	vmul.f32 $1.050701020e+00, v3;
	v2 =	vmul.f32 $1.050701020e+00, v2;
	v14 =	vadd.f32 $-1.000000000e+00, v27  }
0x24e: {  	vm8 =	vgt.f32 v56, $0.0e+00;
	v49 =	vadd.f32 $-1.000000000e+00, v29;
	v50 =	vadd.f32 $-1.000000000e+00, v30  }
0x24f: {  	vm9 =	vgt.f32 v12, $0.0e+00;
	v48 =	vmul.f32 $1.673263190e+00, v14;
	v51 =	vadd.f32 $-1.000000000e+00, v31  }
0x250: {  	vm10 =	vgt.f32 v6, $0.0e+00;
	v10 =	vmul.f32 $1.673263190e+00, v49;
	v11 =	vmul.f32 $1.673263190e+00, v50  }
0x251: {  	vm11 =	vgt.f32 v16, $0.0e+00;
	v8 =	vsel vm8, v56, v48;
	v14 =	vmul.f32 $1.673263190e+00, v51  }
0x252: {  	v8 =	vmul.f32 $1.050701020e+00, v8;
	v10 =	vsel vm9, v12, v10;
	v54 =	vsel vm10, v6, v11;
	v52 =	vpop (erf)  }
0x253: {  	[tilespmem:s12+$0xFFFFFFE0] =	vst v3;
	v10 =	vmul.f32 $1.050701020e+00, v10;
	v55 =	vsel vm11, v16, v14;
	v53 =	vadd.f32 $-1.000000000e+00, v52;
	v56 =	vpop (erf)  }
0x254: {  	[tilespmem:s12+$0x30] =	vst v2;
	v3 =	vmul.f32 $1.050701020e+00, v54;
	v2 =	vmul.f32 $1.050701020e+00, v55;
	v11 =	vadd.f32 $-1.000000000e+00, v56;
	v58 =	vpop (erf)  }
0x255: {  	[tilespmem:s12+$0xFFFFFF90] =	vst v5;
	vm12 =	vgt.f32 v7, $0.0e+00;
	v57 =	vmul.f32 $1.673263190e+00, v53;
	v59 =	vadd.f32 $-1.000000000e+00, v58;
	v60 =	vpop (erf)  }
0x256: {  	[tilespmem:s13+$0x80] =	vst v8;
	vm13 =	vgt.f32 v4, $0.0e+00;
	v61 =	vadd.f32 $-1.000000000e+00, v60;
	v62 =	vmul.f32 $1.673263190e+00, v11  }
0x257: {  	[tilespmem:s13+$0xFFFFFF90] =	vst v10;
	vm14 =	vgt.f32 v9, $0.0e+00;
	v5 =	vsel vm12, v7, v57;
	v6 =	vmul.f32 $1.673263190e+00, v59  }
0x258: {  	[tilespmem:s13+$0xFFFFFFE0] =	vst v3;
	v5 =	vmul.f32 $1.050701020e+00, v5;
	v3 =	vsel vm13, v4, v62;
	v63 =	vmul.f32 $1.673263190e+00, v61  }
0x259: {  	p0 =	seq.s32 s9, $0x3D;
	[tilespmem:s13+$0x30] =	vst v2;
	vm15 =	vgt.f32 v46, $0.0e+00;
	v2 =	vsel vm14, v9, v6;
	v3 =	vmul.f32 $1.050701020e+00, v3  }
.Ltmp4:
0x25a: {  	[tilespmem:s17+$0x80] =	vst v5;
	v4 =	vsel vm15, v46, v63;
	v2 =	vmul.f32 $1.050701020e+00, v2;
	(pc) =	sbr.rel @p0 .LBB2_12-.Ltmp4, $4  }
0x25b: {  	[tilespmem:s17+$0xFFFFFF90] =	vst v3;
	v3 =	vmul.f32 $1.050701020e+00, v4  }
0x25c: {  	[tilespmem:s17+$0xFFFFFFE0] =	vst v2  }
0x25d: {  	s20 =	sadd.s32 $0x2760, s11;
	[tilespmem:s17+$0x30] =	vst v3  }
0x25e: {  	[spmem:s3] =	stream.indirect.scatter.add.f32 [tilespmem:s2], [sflag:$0x6], $0x50, s20, s21, $0xb8;
	[tilespmem:$0x1E820] =	vst v63  }
0x25f: {  	s0 =	sadd.s32 $0x3, s10  }
0x260: {  	s7 =	smul.u32 $0x140, s0  }
.Ltmp5:
0x261: {  	s0 =	sadd.s32 s6, s0;
	(pc) =	sbr.rel .LBB2_6-.Ltmp5, $4  }
0x262: {  	s0 =	smul.u32 $0x500, s0;
	s7 =	sshra.s32 s7, $0x2  }
0x263: {  	[tilespmem:s24], [sflag:$0x2] =	stream.indirect.gather [hbm4b:s1+s21], $0x40, s7, s21, $0xb8;
	[tilespmem:$0x1E820] =	vst v63  }
0x264: {  	s9 =	sadd.s32 $0x1, s9;
	s0 =	sadd.s32 s5, s0  }
0x265: {  	[tilespmem:s25], [sflag:$0x4] =	stream.linear.gather [hbm4b:s0+s4], $0x2800, $0x38;
	[tilespmem:$0x1E820] =	vst v63  }
.LBB2_12:
0x266: {  	s0 =	simm.s32 $0x5  }
0x267: {  	_ =	swait.ge [sflag:s0], $0x1900  }
0x268: {  	[sflag:s0] =	ssyncset.done $0x0  }
0x269: {  	[sflag:s0] =	ssyncadd.s32 $0xFFFFE700  }
0x26a: {  	_ =	swait.ge [sflag:s26], $0x1400  }
0x26b: {  	[sflag:s26] =	ssyncset.done $0x0  }
0x26c: {  	[sflag:s26] =	ssyncadd.s32 $0xFFFFEC00  }
0x26d: {  	_ =	swait.ge [sflag:s28], $0x2800  }
0x26e: {  	[sflag:s28] =	ssyncset.done $0x0  }
0x26f: {  	s14 =	simm.s32 $0x4EA0;
	[sflag:s28] =	ssyncadd.s32 $0xFFFFD800  }
0x270: {  	s20 =	simm.s32 $0x7720;
	v2 =	vld [tilespmem:s14+$0x40]  }
0x271: {  	v3 =	vld [tilespmem:s20+$0x80];
	_ =	sdelay $0x1  }
0x272: {  	v4 =	vld [tilespmem:s20+$0xFFFFFF00]  }
0x273: {  	v5 =	vld [tilespmem:s14+$0xFFFFFFC0]  }
0x274: {  	v6 =	vld [tilespmem:s14+$0x0]  }
0x275: {  	v2 =	vadd.f32 v3, v2;
	v3 =	vld [tilespmem:s20+$0xFFFFFF80]  }
0x276: {  	v8 =	vld [tilespmem:s20+$0x0]  }
0x277: {  	v9 =	vld [tilespmem:s14+$0xFFFFFF80];
	v7 =	vmul.f32 $1.442695020e+00, v2;
	_ =	sdelay $0x1  }
0x278: {  	(erf) = vpow2.f32 v7  }
0x279: {  	v3 =	vadd.f32 v3, v5;
	_ =	sdelay $0x1  }
0x27a: {  	v4 =	vadd.f32 v4, v9;
	v5 =	vadd.f32 v8, v6;
	v6 =	vmul.f32 $1.442695020e+00, v3;
	_ =	sdelay $0x1  }
0x27b: {  	(erf) = vpow2.f32 v6;
	v6 =	vmul.f32 $1.442695020e+00, v4  }
0x27c: {  	v7 =	vmul.f32 $1.442695020e+00, v5;
	_ =	sdelay $0x1  }
0x27d: {  	(erf) = vpow2.f32 v7  }
0x27e: {  	(erf) = vpow2.f32 v6;
	v6 =	vpop (erf)  }
0x27f: {  	v6 =	vadd.f32 $-1.000000000e+00, v6;
	_ =	sdelay $0x1  }
0x280: {  	v6 =	vmul.f32 $1.673263190e+00, v6  }
0x281: {  	vm0 =	vgt.f32 v2, $0.0e+00  }
0x282: {  	v2 =	vsel vm0, v2, v6  }
0x283: {  	v2 =	vmul.f32 $1.050701020e+00, v2;
	_ =	sdelay $0x1  }
0x284: {  	s9 =	simm.s32 $0xC6C0;
	v6 =	vpop (erf)  }
0x285: {  	v6 =	vadd.f32 $-1.000000000e+00, v6;
	v7 =	vpop (erf);
	[tilespmem:s9+$0x50] =	vst v2  }
0x286: {  	v8 =	vld [tilespmem:s14+$0x50];
	v2 =	vpop (erf)  }
0x287: {  	v9 =	vld [tilespmem:s20+$0x90];
	v6 =	vmul.f32 $1.673263190e+00, v6;
	v2 =	vadd.f32 $-1.000000000e+00, v2  }
0x288: {  	vm0 =	vgt.f32 v3, $0.0e+00  }
0x289: {  	v3 =	vsel vm0, v3, v6;
	v2 =	vmul.f32 $1.673263190e+00, v2  }
0x28a: {  	vm0 =	vgt.f32 v4, $0.0e+00;
	v3 =	vmul.f32 $1.050701020e+00, v3  }
0x28b: {  	v6 =	vadd.f32 $-1.000000000e+00, v7;
	v2 =	vsel vm0, v4, v2  }
0x28c: {  	[tilespmem:s9+$0xFFFFFFB0] =	vst v3;
	v3 =	vadd.f32 v9, v8;
	v2 =	vmul.f32 $1.050701020e+00, v2  }
0x28d: {  	v4 =	vmul.f32 $1.673263190e+00, v6;
	v6 =	vld [tilespmem:s14+$0xFFFFFFD0]  }
0x28e: {  	vm0 =	vgt.f32 v5, $0.0e+00;
	v7 =	vld [tilespmem:s20+$0xFFFFFF90];
	[tilespmem:s9+$0xFFFFFF60] =	vst v2;
	v2 =	vmul.f32 $1.442695020e+00, v3  }
0x28f: {  	v4 =	vsel vm0, v5, v4;
	v5 =	vld [tilespmem:s14+$0xFFFFFF90]  }
0x290: {  	v8 =	vld [tilespmem:s20+$0xFFFFFF10];
	(erf) = vpow2.f32 v2  }
0x291: {  	v4 =	vmul.f32 $1.050701020e+00, v4;
	_ =	sdelay $0x1  }
0x292: {  	[tilespmem:s9+$0x0] =	vst v4;
	v6 =	vadd.f32 v7, v6  }
0x293: {  	v2 =	vld [tilespmem:s14+$0x10]  }
0x294: {  	s12 =	simm.s32 $0x7920;
	v4 =	vld [tilespmem:s20+$0x10];
	v5 =	vadd.f32 v8, v5;
	v8 =	vmul.f32 $1.442695020e+00, v6  }
0x295: {  	s11 =	simm.s32 $0x4FA0;
	v9 =	vld [tilespmem:s12+$0x80]  }
0x296: {  	v7 =	vld [tilespmem:s11+$0x40]  }
0x297: {  	v10 =	vmul.f32 $1.442695020e+00, v5  }
0x298: {  	(erf) = vpow2.f32 v8;
	v8 =	vpop (erf)  }
0x299: {  	v2 =	vadd.f32 v4, v2;
	(erf) = vpow2.f32 v10;
	v8 =	vadd.f32 $-1.000000000e+00, v8  }
0x29a: {  	v12 =	vld [tilespmem:s12+$0xFFFFFF80]  }
0x29b: {  	v7 =	vadd.f32 v9, v7;
	v9 =	vld [tilespmem:s11+$0x0];
	v11 =	vmul.f32 $1.442695020e+00, v2;
	v8 =	vmul.f32 $1.673263190e+00, v8  }
0x29c: {  	vm0 =	vgt.f32 v3, $0.0e+00;
	v10 =	vld [tilespmem:s11+$0xFFFFFFC0]  }
0x29d: {  	(erf) = vpow2.f32 v11;
	v11 =	vld [tilespmem:s12+$0x0];
	v3 =	vsel vm0, v3, v8  }
0x29e: {  	v14 =	vld [tilespmem:s11+$0xFFFFFF80];
	v13 =	vmul.f32 $1.442695020e+00, v7;
	v3 =	vmul.f32 $1.050701020e+00, v3  }
0x29f: {  	v4 =	vld [tilespmem:s12+$0xFFFFFF00]  }
0x2a0: {  	(erf) = vpow2.f32 v13  }
0x2a1: {  	v8 =	vadd.f32 v12, v10;
	v10 =	vpop (erf);
	[tilespmem:s9+$0x60] =	vst v3  }
0x2a2: {  	v9 =	vadd.f32 v11, v9;
	v11 =	vld [tilespmem:s14+$0x60];
	v3 =	vpop (erf)  }
0x2a3: {  	v12 =	vmul.f32 $1.442695020e+00, v8;
	v13 =	vld [tilespmem:s20+$0xA0];
	v3 =	vadd.f32 $-1.000000000e+00, v3  }
0x2a4: {  	v4 =	vadd.f32 v4, v14;
	v14 =	vmul.f32 $1.442695020e+00, v9  }
0x2a5: {  	(erf) = vpow2.f32 v12;
	v3 =	vmul.f32 $1.673263190e+00, v3  }
0x2a6: {  	vm0 =	vgt.f32 v5, $0.0e+00;
	v10 =	vadd.f32 $-1.000000000e+00, v10;
	v12 =	vmul.f32 $1.442695020e+00, v4;
	v15 =	vpop (erf)  }
0x2a7: {  	(erf) = vpow2.f32 v14;
	v14 =	vadd.f32 $-1.000000000e+00, v15;
	v3 =	vsel vm0, v5, v3  }
0x2a8: {  	v10 =	vmul.f32 $1.673263190e+00, v10;
	v5 =	vadd.f32 v13, v11;
	v3 =	vmul.f32 $1.050701020e+00, v3  }
0x2a9: {  	(erf) = vpow2.f32 v12;
	v12 =	vmul.f32 $1.673263190e+00, v14;
	vm0 =	vgt.f32 v6, $0.0e+00;
	v11 =	vpop (erf)  }
0x2aa: {  	v6 =	vsel vm0, v6, v10;
	v10 =	vadd.f32 $-1.000000000e+00, v11;
	[tilespmem:s9+$0xFFFFFF70] =	vst v3;
	v3 =	vmul.f32 $1.442695020e+00, v5  }
0x2ab: {  	vm0 =	vgt.f32 v2, $0.0e+00  }
0x2ac: {  	v6 =	vmul.f32 $1.050701020e+00, v6;
	v2 =	vsel vm0, v2, v12;
	v10 =	vmul.f32 $1.673263190e+00, v10  }
0x2ad: {  	v2 =	vmul.f32 $1.050701020e+00, v2  }
0x2ae: {  	v11 =	vld [tilespmem:s14+$0xFFFFFFA0];
	[tilespmem:s9+$0xFFFFFFC0] =	vst v6;
	(erf) = vpow2.f32 v3;
	v3 =	vpop (erf)  }
0x2af: {  	vm0 =	vgt.f32 v7, $0.0e+00;
	v6 =	vld [tilespmem:s20+$0xFFFFFF20];
	[tilespmem:s9+$0x10] =	vst v2;
	v2 =	vadd.f32 $-1.000000000e+00, v3  }
0x2b0: {  	v12 =	vld [tilespmem:s14+$0xFFFFFFE0];
	v7 =	vsel vm0, v7, v10;
	v10 =	vpop (erf)  }
0x2b1: {  	v7 =	vmul.f32 $1.050701020e+00, v7;
	v13 =	vld [tilespmem:s14+$0x20];
	v10 =	vadd.f32 $-1.000000000e+00, v10;
	v2 =	vmul.f32 $1.673263190e+00, v2  }
0x2b2: {  	s10 =	simm.s32 $0xC800;
	vm0 =	vgt.f32 v8, $0.0e+00;
	v3 =	vld [tilespmem:s20+$0xFFFFFFA0];
	v14 =	vpop (erf)  }
0x2b3: {  	v15 =	vld [tilespmem:s20+$0x20];
	[tilespmem:s10+$0x50] =	vst v7;
	v7 =	vadd.f32 $-1.000000000e+00, v14;
	v2 =	vsel vm0, v8, v2;
	v8 =	vmul.f32 $1.673263190e+00, v10  }
0x2b4: {  	vm1 =	vgt.f32 v9, $0.0e+00;
	v14 =	vld [tilespmem:s11+$0x50]  }
0x2b5: {  	v10 =	vld [tilespmem:s12+$0x90];
	v7 =	vmul.f32 $1.673263190e+00, v7;
	v2 =	vmul.f32 $1.050701020e+00, v2;
	v8 =	vsel vm1, v9, v8  }
0x2b6: {  	v6 =	vadd.f32 v6, v11;
	vm0 =	vgt.f32 v4, $0.0e+00  }
0x2b7: {  	v3 =	vadd.f32 v3, v12;
	v4 =	vsel vm0, v4, v7;
	[tilespmem:s10+$0xFFFFFFB0] =	vst v2;
	v2 =	vmul.f32 $1.050701020e+00, v8  }
0x2b8: {  	v9 =	vmul.f32 $1.442695020e+00, v6;
	v7 =	vadd.f32 v15, v13;
	v4 =	vmul.f32 $1.050701020e+00, v4;
	v11 =	vld [tilespmem:s11+$0xFFFFFFD0];
	v8 =	vpop (erf)  }
0x2b9: {  	v12 =	vmul.f32 $1.442695020e+00, v3;
	v13 =	vld [tilespmem:s12+$0xFFFFFF90];
	[tilespmem:s10+$0x0] =	vst v2;
	v8 =	vadd.f32 $-1.000000000e+00, v8  }
0x2ba: {  	(erf) = vpow2.f32 v9;
	v2 =	vmul.f32 $1.442695020e+00, v7;
	v9 =	vadd.f32 v10, v14;
	[tilespmem:s10+$0xFFFFFF60] =	vst v4;
	v4 =	vld [tilespmem:s11+$0x10]  }
0x2bb: {  	(erf) = vpow2.f32 v12;
	v10 =	vld [tilespmem:s11+$0xFFFFFF90];
	v8 =	vmul.f32 $1.673263190e+00, v8  }
0x2bc: {  	vm0 =	vgt.f32 v5, $0.0e+00;
	v12 =	vld [tilespmem:s12+$0xFFFFFF10];
	(erf) = vpow2.f32 v2;
	v2 =	vmul.f32 $1.442695020e+00, v9  }
0x2bd: {  	v5 =	vsel vm0, v5, v8;
	v8 =	vld [tilespmem:s12+$0x10]  }
0x2be: {  	(erf) = vpow2.f32 v2;
	v2 =	vadd.f32 v13, v11;
	v5 =	vmul.f32 $1.050701020e+00, v5  }
0x2bf: {  	s15 =	simm.s32 $0x7B20  }
0x2c0: {  	v17 =	vld [tilespmem:s15+$0x80];
	[tilespmem:s9+$0x70] =	vst v5;
	v5 =	vmul.f32 $1.442695020e+00, v2  }
0x2c1: {  	v10 =	vadd.f32 v12, v10;
	v11 =	vld [tilespmem:s14+$0x70]  }
0x2c2: {  	s13 =	simm.s32 $0x50A0;
	v12 =	vld [tilespmem:s20+$0xB0];
	v4 =	vadd.f32 v8, v4  }
0x2c3: {  	v14 =	vld [tilespmem:s13+$0x40];
	v8 =	vmul.f32 $1.442695020e+00, v10  }
0x2c4: {  	(erf) = vpow2.f32 v5;
	v5 =	vpop (erf);
	v15 =	vmul.f32 $1.442695020e+00, v4  }
0x2c5: {  	vm2 =	vgt.f32 v6, $0.0e+00;
	(erf) = vpow2.f32 v8;
	v5 =	vadd.f32 $-1.000000000e+00, v5;
	v13 =	vpop (erf)  }
0x2c6: {  	v19 =	vld [tilespmem:s13+$0x0];
	vm1 =	vgt.f32 v3, $0.0e+00;
	v13 =	vadd.f32 $-1.000000000e+00, v13;
	v16 =	vpop (erf);
	(erf) = vpow2.f32 v15  }
0x2c7: {  	v11 =	vadd.f32 v12, v11;
	v12 =	vld [tilespmem:s13+$0xFFFFFFC0];
	v5 =	vmul.f32 $1.673263190e+00, v5;
	v8 =	vadd.f32 $-1.000000000e+00, v16  }
0x2c8: {  	vm3 =	vgt.f32 v7, $0.0e+00;
	v14 =	vadd.f32 v17, v14;
	v16 =	vld [tilespmem:s15+$0xFFFFFF00];
	v13 =	vmul.f32 $1.673263190e+00, v13;
	v15 =	vpop (erf)  }
0x2c9: {  	v5 =	vsel vm2, v6, v5;
	v6 =	vmul.f32 $1.673263190e+00, v8;
	v8 =	vld [tilespmem:s15+$0xFFFFFF80];
	v15 =	vadd.f32 $-1.000000000e+00, v15  }
0x2ca: {  	v18 =	vmul.f32 $1.442695020e+00, v11;
	v5 =	vmul.f32 $1.050701020e+00, v5;
	v3 =	vsel vm1, v3, v13;
	v13 =	vld [tilespmem:s15+$0x0]  }
0x2cb: {  	v17 =	vmul.f32 $1.442695020e+00, v14;
	v15 =	vmul.f32 $1.673263190e+00, v15;
	v6 =	vsel vm3, v7, v6;
	v7 =	vld [tilespmem:s13+$0xFFFFFF80]  }
0x2cc: {  	(erf) = vpow2.f32 v18;
	vm1 =	vgt.f32 v9, $0.0e+00  }
0x2cd: {  	v3 =	vmul.f32 $1.050701020e+00, v3;
	(erf) = vpow2.f32 v17;
	[tilespmem:s9+$0xFFFFFF80] =	vst v5;
	v9 =	vsel vm1, v9, v15  }
0x2ce: {  	vm0 =	vgt.f32 v2, $0.0e+00;
	v15 =	vld [tilespmem:s14+$0xFFFFFFB0];
	v5 =	vpop (erf);
	v8 =	vadd.f32 v8, v12;
	v9 =	vmul.f32 $1.050701020e+00, v9  }
0x2cf: {  	v6 =	vmul.f32 $1.050701020e+00, v6;
	[tilespmem:s9+$0xFFFFFFD0] =	vst v3;
	v3 =	vld [tilespmem:s20+$0xFFFFFF30];
	v5 =	vadd.f32 $-1.000000000e+00, v5;
	v12 =	vpop (erf);
	v13 =	vadd.f32 v13, v19  }
0x2d0: {  	v17 =	vld [tilespmem:s14+$0xFFFFFFF0];
	v18 =	vmul.f32 $1.442695020e+00, v8;
	[tilespmem:s10+$0x60] =	vst v9;
	v9 =	vadd.f32 $-1.000000000e+00, v12;
	v12 =	vpop (erf);
	v7 =	vadd.f32 v16, v7  }
0x2d1: {  	v5 =	vmul.f32 $1.673263190e+00, v5;
	v16 =	vld [tilespmem:s11+$0x60];
	v12 =	vadd.f32 $-1.000000000e+00, v12;
	v19 =	vmul.f32 $1.442695020e+00, v13  }
0x2d2: {  	vm4 =	vgt.f32 v10, $0.0e+00;
	(erf) = vpow2.f32 v18;
	v18 =	vld [tilespmem:s12+$0xA0];
	v9 =	vmul.f32 $1.673263190e+00, v9  }
0x2d3: {  	vm5 =	vgt.f32 v4, $0.0e+00;
	v20 =	vld [tilespmem:s20+$0xFFFFFFB0];
	[tilespmem:s9+$0x20] =	vst v6;
	v21 =	vmul.f32 $1.442695020e+00, v7;
	v6 =	vmul.f32 $1.673263190e+00, v12  }
0x2d4: {  	(erf) = vpow2.f32 v19;
	v12 =	vld [tilespmem:s14+$0x30];
	v2 =	vsel vm0, v2, v5;
	v9 =	vsel vm4, v10, v9  }
0x2d5: {  	v10 =	vld [tilespmem:s20+$0x30];
	v5 =	vpop (erf);
	(erf) = vpow2.f32 v21;
	v4 =	vsel vm5, v4, v6;
	v6 =	vmul.f32 $1.050701020e+00, v9  }
0x2d6: {  	v3 =	vadd.f32 v3, v15;
	v5 =	vadd.f32 $-1.000000000e+00, v5;
	v15 =	vpop (erf)  }
0x2d7: {  	v2 =	vmul.f32 $1.050701020e+00, v2;
	v9 =	vadd.f32 v18, v16;
	[tilespmem:s10+$0xFFFFFF70] =	vst v6;
	v6 =	vadd.f32 $-1.000000000e+00, v15  }
0x2d8: {  	vm0 =	vgt.f32 v11, $0.0e+00;
	v4 =	vmul.f32 $1.050701020e+00, v4;
	v5 =	vmul.f32 $1.673263190e+00, v5  }
0x2d9: {  	[tilespmem:s10+$0xFFFFFFC0] =	vst v2;
	v16 =	vadd.f32 v20, v17;
	v15 =	vld [tilespmem:s11+$0xFFFFFFA0];
	v17 =	vmul.f32 $1.442695020e+00, v9;
	v6 =	vmul.f32 $1.673263190e+00, v6  }
0x2da: {  	[tilespmem:s10+$0x10] =	vst v4;
	v2 =	vadd.f32 v10, v12;
	v12 =	vld [tilespmem:s11+$0xFFFFFFE0];
	v5 =	vsel vm0, v11, v5;
	vm0 =	vgt.f32 v14, $0.0e+00  }
0x2db: {  	vm1 =	vgt.f32 v8, $0.0e+00;
	v18 =	vmul.f32 $1.442695020e+00, v3;
	v20 =	vld [tilespmem:s11+$0x20];
	v10 =	vpop (erf);
	v6 =	vsel vm0, v14, v6  }
0x2dc: {  	v19 =	vmul.f32 $1.442695020e+00, v16;
	v11 =	vld [tilespmem:s12+$0xFFFFFF20];
	(erf) = vpow2.f32 v17;
	v4 =	vadd.f32 $-1.000000000e+00, v10  }
0x2dd: {  	vm2 =	vgt.f32 v13, $0.0e+00;
	v17 =	vmul.f32 $1.050701020e+00, v5;
	v5 =	vld [tilespmem:s12+$0xFFFFFFA0];
	v14 =	vpop (erf);
	(erf) = vpow2.f32 v18  }
0x2de: {  	v61 =	vld [tilespmem:s12+$0x20];
	v18 =	vmul.f32 $1.050701020e+00, v6;
	v14 =	vadd.f32 $-1.000000000e+00, v14;
	v4 =	vmul.f32 $1.673263190e+00, v4;
	v6 =	vpop (erf)  }
0x2df: {  	vm3 =	vgt.f32 v7, $0.0e+00;
	v10 =	vmul.f32 $1.442695020e+00, v2;
	v22 =	vadd.f32 $-1.000000000e+00, v6  }
0x2e0: {  	(erf) = vpow2.f32 v19;
	v4 =	vsel vm1, v8, v4;
	v8 =	vmul.f32 $1.673263190e+00, v14  }
0x2e1: {  	s14 =	simm.s32 $0xC940;
	v6 =	vadd.f32 v11, v15;
	v11 =	vmul.f32 $1.673263190e+00, v22;
	v4 =	vmul.f32 $1.050701020e+00, v4  }
0x2e2: {  	[tilespmem:s14+$0x50] =	vst v18;
	(erf) = vpow2.f32 v10;
	v10 =	vadd.f32 v5, v12;
	v5 =	vsel vm2, v13, v8  }
0x2e3: {  	v11 =	vsel vm3, v7, v11;
	[tilespmem:s14+$0xFFFFFFB0] =	vst v4;
	v4 =	vmul.f32 $1.050701020e+00, v5;
	v7 =	vadd.f32 v61, v20  }
0x2e4: {  	v14 =	vld [tilespmem:s13+$0x50]  }
0x2e5: {  	v12 =	vmul.f32 $1.442695020e+00, v6;
	v8 =	vld [tilespmem:s15+$0x90];
	[tilespmem:s14+$0x0] =	vst v4;
	v4 =	vmul.f32 $1.442695020e+00, v7  }
0x2e6: {  	v13 =	vmul.f32 $1.442695020e+00, v10;
	v5 =	vmul.f32 $1.050701020e+00, v11;
	v11 =	vld [tilespmem:s13+$0xFFFFFFD0]  }
0x2e7: {  	(erf) = vpow2.f32 v12;
	v15 =	vpop (erf);
	v18 =	vld [tilespmem:s15+$0xFFFFFF90]  }
0x2e8: {  	vm7 =	vgt.f32 v3, $0.0e+00;
	(erf) = vpow2.f32 v13;
	v15 =	vadd.f32 $-1.000000000e+00, v15;
	[tilespmem:s14+$0xFFFFFF60] =	vst v5;
	v19 =	vld [tilespmem:s13+$0x10]  }
0x2e9: {  	vm0 =	vgt.f32 v2, $0.0e+00;
	vm1 =	vgt.f32 v9, $0.0e+00;
	v5 =	vld [tilespmem:s13+$0xFFFFFF90];
	(erf) = vpow2.f32 v4;
	v4 =	vpop (erf)  }
0x2ea: {  	v12 =	vadd.f32 v8, v14;
	v8 =	vmul.f32 $1.673263190e+00, v15;
	v13 =	vld [tilespmem:s15+$0xFFFFFF10];
	v14 =	vadd.f32 $-1.000000000e+00, v4  }
0x2eb: {  	vm4 =	vgt.f32 v6, $0.0e+00;
	vm2 =	vgt.f32 v16, $0.0e+00;
	vm5 =	vgt.f32 v10, $0.0e+00;
	v15 =	vld [tilespmem:s15+$0x10]  }
0x2ec: {  	v20 =	vmul.f32 $1.442695020e+00, v12;
	v8 =	vsel vm1, v9, v8;
	v4 =	vpop (erf);
	v14 =	vmul.f32 $1.673263190e+00, v14  }
0x2ed: {  	v9 =	vadd.f32 $-1.000000000e+00, v4;
	v62 =	vpop (erf);
	v4 =	vadd.f32 v18, v11;
	v18 =	vmul.f32 $1.050701020e+00, v8  }
0x2ee: {  	vm6 =	vgt.f32 v7, $0.0e+00;
	(erf) = vpow2.f32 v20;
	v8 =	vadd.f32 $-1.000000000e+00, v62  }
0x2ef: {  	v11 =	vadd.f32 v13, v5;
	v20 =	vmul.f32 $1.442695020e+00, v4;
	v63 =	vmul.f32 $1.673263190e+00, v9;
	[tilespmem:s10+$0x70] =	vst v18  }
0x2f0: {  	vm1 =	vgt.f32 v4, $0.0e+00;
	v9 =	vadd.f32 v15, v19;
	v5 =	vsel vm7, v3, v14;
	v13 =	vld [tilespmem:s11+$0x70];
	v14 =	vpop (erf)  }
0x2f1: {  	(erf) = vpow2.f32 v20;
	v3 =	vsel vm2, v16, v63;
	v16 =	vadd.f32 $-1.000000000e+00, v14;
	v14 =	vld [tilespmem:s12+$0xB0]  }
0x2f2: {  	v8 =	vmul.f32 $1.673263190e+00, v8;
	vm3 =	vgt.f32 v11, $0.0e+00;
	v15 =	vmul.f32 $1.442695020e+00, v11;
	v18 =	vpop (erf)  }
0x2f3: {  	s7 =	simm.s32 $0x8;
	s16 =	simm.s32 $0x51A0;
	s0 =	simm.s32 $0x7B20;
	[tilespmem:s9+$0x80] =	vst v17;
	vm2 =	vgt.f32 v9, $0.0e+00;
	v17 =	vmul.f32 $1.442695020e+00, v9;
	v18 =	vadd.f32 $-1.000000000e+00, v18;
	v19 =	vpop (erf)  }
.LBB2_13:
0x2f4: {  	v20 =	vld [tilespmem:s16+$0x40];
	s15 =	sadd.s32 $0x200, s15;
	(erf) = vpow2.f32 v15;
	v15 =	vmul.f32 $1.673263190e+00, v16;
	v21 =	vadd.f32 $-1.000000000e+00, v19  }
0x2f5: {  	v2 =	vsel vm0, v2, v8;
	v19 =	vld [tilespmem:s15+$0x80];
	(erf) = vpow2.f32 v17;
	v17 =	vmul.f32 $1.673263190e+00, v18  }
0x2f6: {  	v8 =	vld [tilespmem:s15+$0xFFFFFF00];
	v6 =	vsel vm4, v6, v15;
	v15 =	vmul.f32 $1.673263190e+00, v21;
	v13 =	vadd.f32 v14, v13  }
0x2f7: {  	v5 =	vmul.f32 $1.050701020e+00, v5;
	v14 =	vld [tilespmem:s16+$0xFFFFFFC0];
	v16 =	vpop (erf);
	v6 =	vmul.f32 $1.050701020e+00, v6;
	v10 =	vsel vm5, v10, v17  }
0x2f8: {  	s7 =	sadd.s32 $0x4, s7;
	v17 =	vld [tilespmem:s15+$0xFFFFFF80];
	v16 =	vadd.f32 $-1.000000000e+00, v16;
	v7 =	vsel vm6, v7, v15;
	v15 =	vmul.f32 $1.442695020e+00, v13  }
0x2f9: {  	p0 =	slt.u32 s7, $0x4C;
	v18 =	vld [tilespmem:s16+$0x0];
	[tilespmem:s10+$0xFFFFFF80] =	vst v6;
	v6 =	vmul.f32 $1.050701020e+00, v10;
	v7 =	vmul.f32 $1.050701020e+00, v7  }
0x2fa: {  	v10 =	vld [tilespmem:s15+$0x0];
	v19 =	vadd.f32 v19, v20;
	v16 =	vmul.f32 $1.673263190e+00, v16;
	v20 =	vpop (erf);
	(erf) = vpow2.f32 v15;
	[tilespmem:s9+$0xFFFFFF90] =	vst v5  }
0x2fb: {  	vm0 =	vgt.f32 v12, $0.0e+00;
	v3 =	vmul.f32 $1.050701020e+00, v3;
	v5 =	vld [tilespmem:s16+$0xFFFFFF80];
	v20 =	vadd.f32 $-1.000000000e+00, v20;
	[tilespmem:s10+$0xFFFFFFD0] =	vst v6  }
0x2fc: {  	v2 =	vmul.f32 $1.050701020e+00, v2;
	v21 =	vmul.f32 $1.442695020e+00, v19;
	v12 =	vsel vm0, v12, v16;
	v16 =	vld [tilespmem:s11+$0xFFFFFFB0];
	[tilespmem:s10+$0x20] =	vst v7  }
0x2fd: {  	v7 =	vadd.f32 v17, v14;
	v14 =	vmul.f32 $1.673263190e+00, v20;
	v12 =	vmul.f32 $1.050701020e+00, v12;
	v15 =	vpop (erf);
	v17 =	vld [tilespmem:s12+$0xFFFFFF30];
	[tilespmem:s9+$0xFFFFFFE0] =	vst v3  }
0x2fe: {  	(erf) = vpow2.f32 v21;
	v3 =	vadd.f32 $-1.000000000e+00, v15;
	v6 =	vpop (erf);
	v15 =	vld [tilespmem:s11+$0xFFFFFFF0];
	[tilespmem:s9+$0x30] =	vst v2;
	s9 =	smov.u32 s10;
	s10 =	smov.u32 s14  }
0x2ff: {  	vm0 =	vgt.f32 v7, $0.0e+00;
	v2 =	vmul.f32 $1.442695020e+00, v7;
	v18 =	vadd.f32 v10, v18;
	[tilespmem:s14+$0x60] =	vst v12;
	v10 =	vld [tilespmem:s12+$0xFFFFFFB0]  }
0x300: {  	v6 =	vadd.f32 $-1.000000000e+00, v6;
	v5 =	vadd.f32 v8, v5;
	v3 =	vmul.f32 $1.673263190e+00, v3;
	v8 =	vld [tilespmem:s13+$0x60]  }
0x301: {  	vm4 =	vgt.f32 v18, $0.0e+00;
	v22 =	vmul.f32 $1.442695020e+00, v18;
	(erf) = vpow2.f32 v2;
	v2 =	vld [tilespmem:s0+$0xA0]  }
0x302: {  	v6 =	vmul.f32 $1.673263190e+00, v6;
	vm5 =	vgt.f32 v5, $0.0e+00;
	v20 =	vmul.f32 $1.442695020e+00, v5;
	v21 =	vld [tilespmem:s11+$0x30];
	s11 =	smov.u32 s13;
	s13 =	smov.u32 s16  }
0x303: {  	v4 =	vsel vm1, v4, v14;
	v3 =	vsel vm3, v11, v3;
	(erf) = vpow2.f32 v22;
	v11 =	vld [tilespmem:s12+$0x30];
	v12 =	vpop (erf);
	s12 =	smov.u32 s0;
	s0 =	smov.u32 s15  }
0x304: {  	v6 =	vsel vm2, v9, v6;
	(erf) = vpow2.f32 v20;
	v12 =	vadd.f32 $-1.000000000e+00, v12  }
0x305: {  	v4 =	vmul.f32 $1.050701020e+00, v4;
	v14 =	vadd.f32 v17, v16;
	v3 =	vmul.f32 $1.050701020e+00, v3  }
0x306: {  	v6 =	vmul.f32 $1.050701020e+00, v6;
	v8 =	vadd.f32 v2, v8;
	v2 =	vmul.f32 $1.673263190e+00, v12  }
0x307: {  	vm1 =	vgt.f32 v13, $0.0e+00;
	v15 =	vadd.f32 v10, v15;
	v9 =	vpop (erf);
	[tilespmem:s14+$0xFFFFFF70] =	vst v3;
	v3 =	vmul.f32 $1.442695020e+00, v14  }
0x308: {  	v9 =	vadd.f32 $-1.000000000e+00, v9;
	v10 =	vld [tilespmem:s11+$0xFFFFFFA0];
	[tilespmem:s14+$0xFFFFFFC0] =	vst v4;
	v4 =	vmul.f32 $1.442695020e+00, v8;
	v12 =	vsel vm1, v13, v2  }
0x309: {  	v16 =	vmul.f32 $1.442695020e+00, v15;
	v2 =	vadd.f32 v11, v21;
	v13 =	vld [tilespmem:s12+$0xFFFFFF20];
	[tilespmem:s14+$0x10] =	vst v6;
	v6 =	vmul.f32 $1.050701020e+00, v12  }
0x30a: {  	vm2 =	vgt.f32 v14, $0.0e+00;
	v20 =	vmul.f32 $1.673263190e+00, v9;
	v11 =	vpop (erf);
	v12 =	vld [tilespmem:s11+$0xFFFFFFE0];
	(erf) = vpow2.f32 v4  }
0x30b: {  	vm1 =	vgt.f32 v19, $0.0e+00;
	v17 =	vmul.f32 $1.442695020e+00, v2;
	v4 =	vadd.f32 $-1.000000000e+00, v11;
	v11 =	vld [tilespmem:s12+$0xFFFFFFA0];
	[tilespmem:s9+$0x80] =	vst v6  }
0x30c: {  	vm3 =	vgt.f32 v15, $0.0e+00;
	v20 =	vsel vm1, v19, v20;
	v9 =	vpop (erf);
	v19 =	vld [tilespmem:s11+$0x20];
	(erf) = vpow2.f32 v3  }
0x30d: {  	v3 =	vmul.f32 $1.673263190e+00, v4;
	v4 =	vadd.f32 $-1.000000000e+00, v9;
	v9 =	vmul.f32 $1.050701020e+00, v20;
	v6 =	vpop (erf);
	v20 =	vld [tilespmem:s12+$0x20]  }
0x30e: {  	s14 =	sadd.s32 $0x140, s14;
	v21 =	vadd.f32 $-1.000000000e+00, v6;
	v6 =	vadd.f32 v13, v10;
	(erf) = vpow2.f32 v16  }
0x30f: {  	v3 =	vsel vm0, v7, v3;
	v4 =	vmul.f32 $1.673263190e+00, v4;
	[tilespmem:s14+$0x50] =	vst v9;
	(erf) = vpow2.f32 v17  }
0x310: {  	v7 =	vmul.f32 $1.673263190e+00, v21;
	v3 =	vmul.f32 $1.050701020e+00, v3;
	v9 =	vld [tilespmem:s16+$0x50];
	v10 =	vadd.f32 v11, v12  }
0x311: {  	v12 =	vmul.f32 $1.442695020e+00, v6;
	v4 =	vsel vm4, v18, v4;
	v11 =	vld [tilespmem:s15+$0x90];
	vm4 =	vgt.f32 v6, $0.0e+00  }
0x312: {  	v5 =	vsel vm5, v5, v7;
	[tilespmem:s14+$0xFFFFFFB0] =	vst v3;
	v3 =	vmul.f32 $1.050701020e+00, v4;
	v7 =	vadd.f32 v20, v19  }
0x313: {  	vm5 =	vgt.f32 v10, $0.0e+00;
	v13 =	vmul.f32 $1.442695020e+00, v10;
	v19 =	vmul.f32 $1.050701020e+00, v5;
	v5 =	vld [tilespmem:s16+$0xFFFFFFD0];
	v16 =	vpop (erf)  }
0x314: {  	vm0 =	vgt.f32 v2, $0.0e+00;
	v17 =	vld [tilespmem:s15+$0xFFFFFF90]  }
0x315: {  	[tilespmem:s14+$0x0] =	vst v3;
	v3 =	vmul.f32 $1.442695020e+00, v7;
	v16 =	vadd.f32 $-1.000000000e+00, v16;
	(erf) = vpow2.f32 v12  }
0x316: {  	vm6 =	vgt.f32 v7, $0.0e+00;
	[tilespmem:s14+$0xFFFFFF60] =	vst v19;
	v18 =	vld [tilespmem:s16+$0x10];
	(erf) = vpow2.f32 v13;
	v4 =	vpop (erf);
	v12 =	vadd.f32 v11, v9  }
0x317: {  	v13 =	vld [tilespmem:s16+$0xFFFFFF90];
	v9 =	vmul.f32 $1.673263190e+00, v16;
	(erf) = vpow2.f32 v3  }
0x318: {  	vm1 =	vgt.f32 v8, $0.0e+00;
	v11 =	vadd.f32 $-1.000000000e+00, v4;
	v3 =	vld [tilespmem:s15+$0xFFFFFF10];
	v4 =	vpop (erf);
	v19 =	vmul.f32 $1.442695020e+00, v12  }
0x319: {  	v16 =	vld [tilespmem:s15+$0x10];
	v8 =	vsel vm1, v8, v9;
	v9 =	vadd.f32 $-1.000000000e+00, v4;
	v20 =	vpop (erf);
	v4 =	vadd.f32 v17, v5  }
0x31a: {  	v5 =	vmul.f32 $1.050701020e+00, v8;
	v8 =	vadd.f32 $-1.000000000e+00, v20;
	v17 =	vmul.f32 $1.673263190e+00, v11  }
0x31b: {  	(erf) = vpow2.f32 v19;
	v20 =	vmul.f32 $1.673263190e+00, v9  }
.Ltmp6:
0x31c: {  	vm1 =	vgt.f32 v4, $0.0e+00;
	v19 =	vmul.f32 $1.442695020e+00, v4;
	[tilespmem:s10+$0x70] =	vst v5;
	(pc) =	sbr.rel @p0 .LBB2_13-.Ltmp6, $4  }
0x31d: {  	v5 =	vsel vm2, v14, v17;
	v8 =	vmul.f32 $1.673263190e+00, v8;
	v11 =	vadd.f32 v3, v13;
	v13 =	vld [tilespmem:s11+$0x70]  }
0x31e: {  	v3 =	vsel vm3, v15, v20;
	v9 =	vadd.f32 v16, v18;
	(erf) = vpow2.f32 v19;
	v14 =	vld [tilespmem:s12+$0xB0];
	v16 =	vpop (erf)  }
0x31f: {  	vm3 =	vgt.f32 v11, $0.0e+00;
	v15 =	vmul.f32 $1.442695020e+00, v11;
	v16 =	vadd.f32 $-1.000000000e+00, v16;
	v18 =	vpop (erf)  }
0x320: {  	s16 =	sadd.s32 $0x100, s16;
	vm2 =	vgt.f32 v9, $0.0e+00;
	v17 =	vmul.f32 $1.442695020e+00, v9;
	v18 =	vadd.f32 $-1.000000000e+00, v18;
	v19 =	vpop (erf)  }
0x321: {  	(erf) = vpow2.f32 v15;
	_ =	sdelay $0x3  }
0x322: {  	v36 =	vmul.f32 $1.673263190e+00, v16;
	(erf) = vpow2.f32 v17  }
0x323: {  	v37 =	vpop (erf)  }
0x324: {  	v38 =	vmul.f32 $1.673263190e+00, v18;
	v6 =	vsel vm4, v6, v36;
	v39 =	vadd.f32 $-1.000000000e+00, v37  }
0x325: {  	v6 =	vmul.f32 $1.050701020e+00, v6  }
0x326: {  	v40 =	vadd.f32 $-1.000000000e+00, v19;
	v10 =	vsel vm5, v10, v38;
	v15 =	vmul.f32 $1.673263190e+00, v39;
	v41 =	vpop (erf)  }
0x327: {  	vm15 =	vgt.f32 v12, $0.0e+00;
	v42 =	vmul.f32 $1.050701020e+00, v10;
	[tilespmem:s10+$0xFFFFFF80] =	vst v6;
	v43 =	vpop (erf)  }
0x328: {  	v16 =	vmul.f32 $1.673263190e+00, v40;
	v44 =	vld [tilespmem:s11+$0xFFFFFFB0];
	v12 =	vsel vm15, v12, v15;
	v10 =	vadd.f32 $-1.000000000e+00, v43  }
0x329: {  	[tilespmem:s10+$0xFFFFFFD0] =	vst v42;
	v46 =	vld [tilespmem:s12+$0xFFFFFF30];
	v45 =	vmul.f32 $1.050701020e+00, v12  }
0x32a: {  	v7 =	vsel vm6, v7, v16;
	v47 =	vadd.f32 $-1.000000000e+00, v41;
	v48 =	vld [tilespmem:s11+$0xFFFFFFF0];
	v10 =	vmul.f32 $1.673263190e+00, v10  }
0x32b: {  	v7 =	vmul.f32 $1.050701020e+00, v7;
	v50 =	vld [tilespmem:s12+$0xFFFFFFB0];
	v49 =	vpop (erf);
	[tilespmem:s14+$0x60] =	vst v45  }
0x32c: {  	v16 =	vmul.f32 $1.673263190e+00, v47;
	v18 =	vadd.f32 $-1.000000000e+00, v49;
	v51 =	vld [tilespmem:s13+$0x60];
	v10 =	vsel vm3, v11, v10  }
0x32d: {  	[tilespmem:s10+$0x20] =	vst v7;
	v52 =	vld [tilespmem:s0+$0xA0];
	v10 =	vmul.f32 $1.050701020e+00, v10  }
0x32e: {  	v54 =	vld [tilespmem:s11+$0x30];
	v4 =	vsel vm1, v4, v16;
	v53 =	vmul.f32 $1.673263190e+00, v18  }
0x32f: {  	v55 =	vld [tilespmem:s12+$0x30];
	v4 =	vmul.f32 $1.050701020e+00, v4;
	[tilespmem:s14+$0xFFFFFF70] =	vst v10  }
0x330: {  	v9 =	vsel vm2, v9, v53;
	v10 =	vld [tilespmem:s13+$0xFFFFFFA0]  }
0x331: {  	v56 =	vadd.f32 v14, v13;
	[tilespmem:s14+$0xFFFFFFC0] =	vst v4;
	v9 =	vmul.f32 $1.050701020e+00, v9;
	v57 =	vld [tilespmem:s0+$0xFFFFFF20]  }
0x332: {  	v58 =	vld [tilespmem:s13+$0xFFFFFFE0];
	v7 =	vadd.f32 v52, v51  }
0x333: {  	v14 =	vmul.f32 $1.442695020e+00, v56;
	v12 =	vadd.f32 v46, v44;
	v59 =	vld [tilespmem:s0+$0xFFFFFFA0];
	[tilespmem:s14+$0x10] =	vst v9  }
0x334: {  	v6 =	vadd.f32 v50, v48;
	v60 =	vmul.f32 $1.442695020e+00, v7;
	v61 =	vld [tilespmem:s13+$0x20]  }
0x335: {  	(erf) = vpow2.f32 v14;
	v62 =	vmul.f32 $1.442695020e+00, v12;
	v16 =	vadd.f32 v55, v54;
	v63 =	vld [tilespmem:s0+$0x20]  }
0x336: {  	v21 =	vmul.f32 $1.442695020e+00, v6;
	(erf) = vpow2.f32 v60;
	v4 =	vadd.f32 v57, v10  }
0x337: {  	v22 =	vmul.f32 $1.442695020e+00, v16;
	(erf) = vpow2.f32 v62  }
0x338: {  	v9 =	vadd.f32 v59, v58;
	(erf) = vpow2.f32 v21;
	v23 =	vmul.f32 $1.442695020e+00, v4  }
0x339: {  	(erf) = vpow2.f32 v22  }
0x33a: {  	v25 =	vmul.f32 $1.442695020e+00, v9;
	v24 =	vadd.f32 v63, v61;
	(erf) = vpow2.f32 v23;
	_ =	sdelay $0x1  }
0x33b: {  	v26 =	vmul.f32 $1.442695020e+00, v24;
	(erf) = vpow2.f32 v25;
	_ =	sdelay $0x1  }
0x33c: {  	v27 =	vpop (erf);
	(erf) = vpow2.f32 v26  }
0x33d: {  	v28 =	vpop (erf)  }
0x33e: {  	v29 =	vpop (erf)  }
0x33f: {  	v30 =	vpop (erf)  }
0x340: {  	v13 =	vadd.f32 $-1.000000000e+00, v28;
	v31 =	vpop (erf)  }
0x341: {  	v32 =	vpop (erf)  }
0x342: {  	v13 =	vmul.f32 $1.673263190e+00, v13;
	v19 =	vadd.f32 $-1.000000000e+00, v32  }
0x343: {  	vm4 =	vgt.f32 v7, $0.0e+00;
	v20 =	vpop (erf)  }
0x344: {  	v7 =	vsel vm4, v7, v13;
	v33 =	vadd.f32 $-1.000000000e+00, v20;
	v19 =	vmul.f32 $1.673263190e+00, v19  }
0x345: {  	vm5 =	vgt.f32 v4, $0.0e+00;
	v7 =	vmul.f32 $1.050701020e+00, v7;
	v34 =	vpop (erf)  }
0x346: {  	v20 =	vadd.f32 $-1.000000000e+00, v34;
	v13 =	vmul.f32 $1.673263190e+00, v33;
	v4 =	vsel vm5, v4, v19  }
0x347: {  	vm6 =	vgt.f32 v9, $0.0e+00;
	[tilespmem:s14+$0x70] =	vst v7;
	v4 =	vmul.f32 $1.050701020e+00, v4  }
0x348: {  	v7 =	vld [tilespmem:s13+$0x70];
	v35 =	vmul.f32 $1.673263190e+00, v20;
	v9 =	vsel vm6, v9, v13  }
0x349: {  	vm7 =	vgt.f32 v24, $0.0e+00;
	v36 =	vld [tilespmem:s0+$0xB0];
	v37 =	vmul.f32 $1.050701020e+00, v9;
	[tilespmem:s14+$0xFFFFFF80] =	vst v4  }
0x34a: {  	v38 =	vsel vm7, v24, v35;
	v39 =	vld [tilespmem:s13+$0xFFFFFFB0]  }
0x34b: {  	v9 =	vmul.f32 $1.050701020e+00, v38;
	[tilespmem:s14+$0xFFFFFFD0] =	vst v37;
	v40 =	vld [tilespmem:s0+$0xFFFFFF30]  }
0x34c: {  	v41 =	vld [tilespmem:s13+$0xFFFFFFF0]  }
0x34d: {  	[tilespmem:s14+$0x20] =	vst v9;
	v42 =	vld [tilespmem:s0+$0xFFFFFFB0]  }
0x34e: {  	v43 =	vld [tilespmem:s13+$0x30]  }
0x34f: {  	v21 =	vld [tilespmem:s0+$0x30];
	_ =	sdelay $0x1  }
0x350: {  	v7 =	vadd.f32 v36, v7  }
0x351: {  	v4 =	vadd.f32 v40, v39  }
0x352: {  	v44 =	vmul.f32 $1.442695020e+00, v7;
	v9 =	vadd.f32 v42, v41  }
0x353: {  	v45 =	vmul.f32 $1.442695020e+00, v4;
	v46 =	vadd.f32 v21, v43  }
0x354: {  	(erf) = vpow2.f32 v44;
	v19 =	vmul.f32 $1.442695020e+00, v9  }
0x355: {  	(erf) = vpow2.f32 v45;
	v47 =	vmul.f32 $1.442695020e+00, v46  }
0x356: {  	(erf) = vpow2.f32 v19  }
0x357: {  	v5 =	vmul.f32 $1.050701020e+00, v5;
	v2 =	vsel vm0, v2, v8;
	(erf) = vpow2.f32 v47  }
0x358: {  	v3 =	vmul.f32 $1.050701020e+00, v3;
	v2 =	vmul.f32 $1.050701020e+00, v2;
	v14 =	vadd.f32 $-1.000000000e+00, v27  }
0x359: {  	vm8 =	vgt.f32 v56, $0.0e+00;
	v49 =	vadd.f32 $-1.000000000e+00, v29;
	v50 =	vadd.f32 $-1.000000000e+00, v30  }
0x35a: {  	vm9 =	vgt.f32 v12, $0.0e+00;
	v48 =	vmul.f32 $1.673263190e+00, v14;
	v51 =	vadd.f32 $-1.000000000e+00, v31  }
0x35b: {  	vm10 =	vgt.f32 v6, $0.0e+00;
	v10 =	vmul.f32 $1.673263190e+00, v49;
	v11 =	vmul.f32 $1.673263190e+00, v50  }
0x35c: {  	vm11 =	vgt.f32 v16, $0.0e+00;
	v8 =	vsel vm8, v56, v48;
	v14 =	vmul.f32 $1.673263190e+00, v51  }
0x35d: {  	v8 =	vmul.f32 $1.050701020e+00, v8;
	v10 =	vsel vm9, v12, v10;
	v54 =	vsel vm10, v6, v11;
	v52 =	vpop (erf)  }
0x35e: {  	[tilespmem:s9+$0xFFFFFFE0] =	vst v3;
	v10 =	vmul.f32 $1.050701020e+00, v10;
	v55 =	vsel vm11, v16, v14;
	v53 =	vadd.f32 $-1.000000000e+00, v52;
	v56 =	vpop (erf)  }
0x35f: {  	[tilespmem:s9+$0x30] =	vst v2;
	v3 =	vmul.f32 $1.050701020e+00, v54;
	v2 =	vmul.f32 $1.050701020e+00, v55;
	v11 =	vadd.f32 $-1.000000000e+00, v56;
	v58 =	vpop (erf)  }
0x360: {  	[tilespmem:s9+$0xFFFFFF90] =	vst v5;
	vm12 =	vgt.f32 v7, $0.0e+00;
	v57 =	vmul.f32 $1.673263190e+00, v53;
	v59 =	vadd.f32 $-1.000000000e+00, v58;
	v60 =	vpop (erf)  }
0x361: {  	[tilespmem:s10+$0x80] =	vst v8;
	vm13 =	vgt.f32 v4, $0.0e+00;
	v61 =	vadd.f32 $-1.000000000e+00, v60;
	v62 =	vmul.f32 $1.673263190e+00, v11  }
0x362: {  	[tilespmem:s10+$0xFFFFFF90] =	vst v10;
	vm14 =	vgt.f32 v9, $0.0e+00;
	v5 =	vsel vm12, v7, v57;
	v6 =	vmul.f32 $1.673263190e+00, v59  }
0x363: {  	[tilespmem:s10+$0xFFFFFFE0] =	vst v3;
	v5 =	vmul.f32 $1.050701020e+00, v5;
	v3 =	vsel vm13, v4, v62;
	v63 =	vmul.f32 $1.673263190e+00, v61  }
0x364: {  	[tilespmem:s10+$0x30] =	vst v2;
	vm15 =	vgt.f32 v46, $0.0e+00;
	v2 =	vsel vm14, v9, v6;
	v3 =	vmul.f32 $1.050701020e+00, v3  }
0x365: {  	[tilespmem:s14+$0x80] =	vst v5;
	v4 =	vsel vm15, v46, v63;
	v2 =	vmul.f32 $1.050701020e+00, v2  }
0x366: {  	[tilespmem:s14+$0xFFFFFF90] =	vst v3;
	v3 =	vmul.f32 $1.050701020e+00, v4  }
0x367: {  	[tilespmem:s14+$0xFFFFFFE0] =	vst v2  }
0x368: {  	s13 =	simm.s32 $0x4DD0;
	[tilespmem:s14+$0x30] =	vst v3  }
0x369: {  	[spmem:s3] =	stream.indirect.scatter.add.f32 [tilespmem:s29], [sflag:$0x7], $0x50, s13, s21, $0xb8;
	[tilespmem:$0x1E820] =	vst v63  }
0x36a: {  	_ =	swait.ge [sflag:s19], $0x1900  }
0x36b: {  	[sflag:s19] =	ssyncset.done $0x0  }
0x36c: {  	s14 =	simm.s32 $0x6;
	[sflag:s19] =	ssyncadd.s32 $0xFFFFE700  }
0x36d: {  	_ =	swait.ge [sflag:s14], $0x1900  }
0x36e: {  	[sflag:s14] =	ssyncset.done $0x0  }
0x36f: {  	[sflag:s14] =	ssyncadd.s32 $0xFFFFE700  }
0x370: {  	s15 =	stileid.u32;
	s17 =	simm.s32 $0x10;
	[bflag:$0x0] =	sbarrier.arrive $0xFFFF  }
0x371: {  	s18 =	simm.s32 $0xA;
	s0 =	sshll.u32 s15, $0x6;
	s12 =	rddreg [dreg:$0x4]  }
0x372: {  	s0 =	sor.u32 $0x1C07, s0;
	s16 =	rddreg [dreg:$0xe];
	s7 =	sshrl.u32 s12, $0x3  }
0x373: {  	[hbm:s16@s17], [sflag:s0] =	dma.strided [spmem:s7@s18], $0x1900, s26, $0xa   }
0x374: {  	_ =	swait.ge [sflag:s19], $0x1900  }
0x375: {  	s8 =	sadd.s32 $0x1, s8;
	s20 =	rddreg [dreg:$0xd]  }
0x376: {  	p0 =	sne.s32 s8, s20  }
.Ltmp7:
0x377: {  	_ = 	snop;
	(pc) =	sbr.rel @p0 .LBB2_1-.Ltmp7, $3  }
0x378: {  	_ =	sdelay $0x1  }
0x379: {  	[sflag:s19] =	ssyncset.done $0x0  }
0x37a: {  	[sflag:s19] =	ssyncadd.s32 $0xFFFFE700  }
0x37b: {  	_ =	sfence.sel $0x180000  }
0x37c: {  	[bflag:$0x0] =	sbarrier.arrive $0xFFFF  }
0x37d: {  	_ =	strace $0x90000047  }
0x37e: {  	s0 =	stileid.u32;
	[bflag:$0x2] =	sbarrier.arrive $0xFFFF  }
0x37f: {  	p0 =	sne.s32 s0, $0x0;
	s0 =	rddreg [dreg:$0x3]  }
0x380: {  	s0 =	sadd.s32 @!p0 $0x100000, s0  }
0x381: {  	[sflag:s0] =	ssyncadd.tile.s32 @!p0 $0x1;
	_ =	shalt  }
.Lfunc_end2:
_tile_overlayer_lowered:
.L_overlay_start_2:
0x382: {  	(tag) =	ssettag $0x2  }
0x383: {  	s0 =	rddreg [dreg:$0x0];
	s2 =	stileid.u32  }
0x384: {  	s1 =	rddreg [dreg:$0x1];
	p0 =	sne.s32 s2, $0x0  }
0x385: {  	s3 =	rddreg [dreg:$0x2];
	[bflag:$0x3] =	sbarrier.arrive $0xFFFF;
	s2 =	simm.s32 @!p0 $0x1C07  }
0x386: {  	[timem:s3], [sflag:s2] =	dma.local @!p0 [hbm:s0], s1  }
0x387: {  	s0 =	simm.s32 @!p0 $0x7  }
0x388: {  	_ =	swait.ge @!p0 [sflag:s0], s1  }
0x389: {  	s1 =	ssub.s32 @!p0 $0x0, s1;
	[sflag:s0] =	ssyncset.done @!p0 $0x0  }
0x38a: {  	[sflag:s0] =	ssyncadd.s32 @!p0 s1  }
0x38b: {  	[bflag:$0x3] =	sbarrier.arrive $0xFFFF  }
0x38c: {  	_ =	shalt  }

</sc_bundles>
